<compile_context>
chip_gen: v7x
topology: tpu7x:2x2x1
jax: 0.10.2.dev20260603
libtpu: 0.0.44.dev20260713+nightly
codegen_flags: <defaults>
</compile_context>

<pallas_src>
import functools

import jax
import jax.numpy as jnp
from jax import lax
from jax.experimental import pallas as pl
from jax.experimental.pallas import tpu as pltpu
from jax.experimental.pallas import tpu_sc as plsc

_RPW = 64


def _build_body(f_ref, q_ref):
    f = f_ref[...]
    for p in range(8):
        if p == 0:
            q_ref[0] = f[0:512, :]
        else:
            q_ref[p] = jnp.concatenate(
                [f[0:512, 16 * p:], f[1:513, : 16 * p]], axis=1
            )


def _build_phase_table(f2d):
    return pl.pallas_call(
        _build_body,
        in_specs=[pl.BlockSpec(memory_space=pltpu.MemorySpace.VMEM)],
        out_specs=pl.BlockSpec(memory_space=pltpu.MemorySpace.VMEM),
        out_shape=jax.ShapeDtypeStruct((8, 512, 128), jnp.float32),
    )(f2d)


def _sc_body(q_hbm, out_hbm, q_sh, sem):
    c = lax.axis_index("c")
    s = lax.axis_index("s")
    wid = s * 2 + c

    @pl.when(s == 0)
    def _():
        pltpu.sync_copy(q_hbm, q_sh)

    plsc.subcore_barrier()

    base = _RPW * wid
    for chunk in range(0, _RPW, 16):
        copies = [
            pltpu.make_async_copy(
                q_sh.at[7 - (r % 8), pl.ds(255 - 8 * wid - (r // 8), 256), :],
                out_hbm.at[base + r],
                sem,
            )
            for r in range(chunk, chunk + 16)
        ]
        for cp in copies:
            cp.start()
        for cp in copies:
            cp.wait()


def _sc_write(q):
    mesh = plsc.VectorSubcoreMesh(core_axis_name="c", subcore_axis_name="s")
    run = functools.partial(
        pl.kernel,
        mesh=mesh,
        out_type=jax.ShapeDtypeStruct((2048, 256, 128), jnp.float32),
        scratch_types=[
            pltpu.VMEM_SHARED((8, 512, 128), jnp.float32),
            pltpu.SemaphoreType.DMA,
        ],
    )(_sc_body)
    return run(q)


def kernel(inputs, rel_embeddings):
    del inputs
    flat = jnp.flip(rel_embeddings, axis=0).reshape(-1)
    f2d = jnp.concatenate([flat, jnp.zeros((144,), flat.dtype)]).reshape(513, 128)
    q = _build_phase_table(f2d)
    out = _sc_write(q)
    return out.reshape(2048, 2048, 16)

# --- scband reference (transcript-rebuilt; emitter-appended) ---
"""Pipeline reference for scband-relative-position-encoding-76570676953477 (READ-ONLY COPY).

The authoritative reference and input builder live on the scoring server;
editing this copy changes nothing except your own understanding.
"""

import jax, jax.numpy as jnp
import numpy as np

MAX_POSITION = 2048
DEPTH = 16

def setup_inputs(seed: int = 0) -> dict:
    key = jax.random.key(seed)
    k1, k2 = jax.random.split(key)
    inputs = jax.random.normal(k1, (4, 2048, 16), dtype=jnp.float32)
    # glorot_uniform init for rel_embeddings [2*max_position-1, depth]
    fan_in = 2 * MAX_POSITION - 1
    fan_out = DEPTH
    limit = np.sqrt(6.0 / (fan_in + fan_out))
    rel_embeddings = jax.random.uniform(
        k2, (2 * MAX_POSITION - 1, DEPTH), dtype=jnp.float32,
        minval=-limit, maxval=limit)
    return {"inputs": inputs, "rel_embeddings": rel_embeddings}

def reference(inputs, rel_embeddings):
    length = inputs.shape[1]
    pos_indices = (jnp.arange(length)[:, None] - jnp.arange(length)[None, :]
                   + MAX_POSITION - 1)
    pos_emb = jnp.take(rel_embeddings, pos_indices, axis=0)
    return pos_emb

if __name__ == "__main__":
    import jax
    _d = setup_inputs()
    print(jax.jit(kernel)(*tuple(_d.values())))

</pallas_src>

<mosaic_0001>
#map = affine_map<(d0, d1) -> (0, 0, 0)>
module attributes {stable_mosaic.version = 14 : i64} {
  func.func @_sc_body(%arg0: i32, %arg1: i32, %arg2: memref<8x512x128xf32, #tpu.memory_space<hbm>>, %arg3: memref<2048x256x128xf32, #tpu.memory_space<hbm>>, %arg4: memref<8x512x128xf32, #tpu.memory_space<vmem_shared>>, %arg5: memref<!tpu.dma_semaphore, #tpu.memory_space<semaphore_mem>>) attributes {dimension_semantics = [#tpu.dimension_semantics<core_parallel>, #tpu.dimension_semantics<subcore_parallel>], iteration_bounds = array<i64: 2, 16>, scalar_prefetch = 0 : i64, scratch_operands = 2 : i64, tpu.core_type = #tpu.core_type<sc_vector_subcore>, window_params = [{transform_indices = #map}, {transform_indices = #map}]} {
    %mul3A = arith.constant 2 : i32
    %mul3A_0 = arith.muli %arg1, %mul3A : i32
    %add3A = arith.addi %mul3A_0, %arg0 : i32
    %eq3A = arith.constant 0 : i32
    %eq3A_1 = arith.cmpi eq, %arg1, %eq3A : i32
    %convert_element_type3A = arith.extui %eq3A_1 : i1 to i32
    %cond3A = arith.constant 0 : i32
    %cond3A_2 = arith.cmpi ne, %convert_element_type3A, %cond3A : i32
    scf.if %cond3A_2 {
      "tpu.region"() ({
        %run_scoped3A = tpu.sem_alloc : memref<!tpu.dma_semaphore, #tpu.memory_space<semaphore_mem>>
        tpu.enqueue_dma source(%arg2 : memref<8x512x128xf32, #tpu.memory_space<hbm>>) target(%arg4 : memref<8x512x128xf32, #tpu.memory_space<vmem_shared>>) target_semaphore(%run_scoped3A : memref<!tpu.dma_semaphore, #tpu.memory_space<semaphore_mem>>)
        tpu.wait_dma2 semaphore(%run_scoped3A : memref<!tpu.dma_semaphore, #tpu.memory_space<semaphore_mem>>) src(%arg2 : memref<8x512x128xf32, #tpu.memory_space<hbm>>) dst(%arg4 : memref<8x512x128xf32, #tpu.memory_space<vmem_shared>>)
        tpu.yield
      }) : () -> ()
    } else {
    }
    %barrier3A = arith.constant 0 : index
    tpu.barrier barrier_id(%barrier3A)
    %mul3A_3 = arith.constant 64 : i32
    %mul3A_4 = arith.muli %mul3A_3, %add3A : i32
    %mul3A_5 = arith.constant 8 : i32
    %mul3A_6 = arith.muli %mul3A_5, %add3A : i32
    %sub3A = arith.constant 255 : i32
    %sub3A_7 = arith.subi %sub3A, %mul3A_6 : i32
    %sub3A_8 = arith.constant 0 : i32
    %sub3A_9 = arith.subi %sub3A_7, %sub3A_8 : i32
    %add3A_10 = arith.constant 0 : i32
    %add3A_11 = arith.addi %mul3A_4, %add3A_10 : i32
    %mul3A_12 = arith.constant 8 : i32
    %mul3A_13 = arith.muli %mul3A_12, %add3A : i32
    %sub3A_14 = arith.constant 255 : i32
    %sub3A_15 = arith.subi %sub3A_14, %mul3A_13 : i32
    %sub3A_16 = arith.constant 0 : i32
    %sub3A_17 = arith.subi %sub3A_15, %sub3A_16 : i32
    %add3A_18 = arith.constant 1 : i32
    %add3A_19 = arith.addi %mul3A_4, %add3A_18 : i32
    %mul3A_20 = arith.constant 8 : i32
    %mul3A_21 = arith.muli %mul3A_20, %add3A : i32
    %sub3A_22 = arith.constant 255 : i32
    %sub3A_23 = arith.subi %sub3A_22, %mul3A_21 : i32
    %sub3A_24 = arith.constant 0 : i32
    %sub3A_25 = arith.subi %sub3A_23, %sub3A_24 : i32
    %add3A_26 = arith.constant 2 : i32
    %add3A_27 = arith.addi %mul3A_4, %add3A_26 : i32
    %mul3A_28 = arith.constant 8 : i32
    %mul3A_29 = arith.muli %mul3A_28, %add3A : i32
    %sub3A_30 = arith.constant 255 : i32
    %sub3A_31 = arith.subi %sub3A_30, %mul3A_29 : i32
    %sub3A_32 = arith.constant 0 : i32
    %sub3A_33 = arith.subi %sub3A_31, %sub3A_32 : i32
    %add3A_34 = arith.constant 3 : i32
    %add3A_35 = arith.addi %mul3A_4, %add3A_34 : i32
    %mul3A_36 = arith.constant 8 : i32
    %mul3A_37 = arith.muli %mul3A_36, %add3A : i32
    %sub3A_38 = arith.constant 255 : i32
    %sub3A_39 = arith.subi %sub3A_38, %mul3A_37 : i32
    %sub3A_40 = arith.constant 0 : i32
    %sub3A_41 = arith.subi %sub3A_39, %sub3A_40 : i32
    %add3A_42 = arith.constant 4 : i32
    %add3A_43 = arith.addi %mul3A_4, %add3A_42 : i32
    %mul3A_44 = arith.constant 8 : i32
    %mul3A_45 = arith.muli %mul3A_44, %add3A : i32
    %sub3A_46 = arith.constant 255 : i32
    %sub3A_47 = arith.subi %sub3A_46, %mul3A_45 : i32
    %sub3A_48 = arith.constant 0 : i32
    %sub3A_49 = arith.subi %sub3A_47, %sub3A_48 : i32
    %add3A_50 = arith.constant 5 : i32
    %add3A_51 = arith.addi %mul3A_4, %add3A_50 : i32
    %mul3A_52 = arith.constant 8 : i32
    %mul3A_53 = arith.muli %mul3A_52, %add3A : i32
    %sub3A_54 = arith.constant 255 : i32
    %sub3A_55 = arith.subi %sub3A_54, %mul3A_53 : i32
    %sub3A_56 = arith.constant 0 : i32
    %sub3A_57 = arith.subi %sub3A_55, %sub3A_56 : i32
    %add3A_58 = arith.constant 6 : i32
    %add3A_59 = arith.addi %mul3A_4, %add3A_58 : i32
    %mul3A_60 = arith.constant 8 : i32
    %mul3A_61 = arith.muli %mul3A_60, %add3A : i32
    %sub3A_62 = arith.constant 255 : i32
    %sub3A_63 = arith.subi %sub3A_62, %mul3A_61 : i32
    %sub3A_64 = arith.constant 0 : i32
    %sub3A_65 = arith.subi %sub3A_63, %sub3A_64 : i32
    %add3A_66 = arith.constant 7 : i32
    %add3A_67 = arith.addi %mul3A_4, %add3A_66 : i32
    %mul3A_68 = arith.constant 8 : i32
    %mul3A_69 = arith.muli %mul3A_68, %add3A : i32
    %sub3A_70 = arith.constant 255 : i32
    %sub3A_71 = arith.subi %sub3A_70, %mul3A_69 : i32
    %sub3A_72 = arith.constant 1 : i32
    %sub3A_73 = arith.subi %sub3A_71, %sub3A_72 : i32
    %add3A_74 = arith.constant 8 : i32
    %add3A_75 = arith.addi %mul3A_4, %add3A_74 : i32
    %mul3A_76 = arith.constant 8 : i32
    %mul3A_77 = arith.muli %mul3A_76, %add3A : i32
    %sub3A_78 = arith.constant 255 : i32
    %sub3A_79 = arith.subi %sub3A_78, %mul3A_77 : i32
    %sub3A_80 = arith.constant 1 : i32
    %sub3A_81 = arith.subi %sub3A_79, %sub3A_80 : i32
    %add3A_82 = arith.constant 9 : i32
    %add3A_83 = arith.addi %mul3A_4, %add3A_82 : i32
    %mul3A_84 = arith.constant 8 : i32
    %mul3A_85 = arith.muli %mul3A_84, %add3A : i32
    %sub3A_86 = arith.constant 255 : i32
    %sub3A_87 = arith.subi %sub3A_86, %mul3A_85 : i32
    %sub3A_88 = arith.constant 1 : i32
    %sub3A_89 = arith.subi %sub3A_87, %sub3A_88 : i32
    %add3A_90 = arith.constant 10 : i32
    %add3A_91 = arith.addi %mul3A_4, %add3A_90 : i32
    %mul3A_92 = arith.constant 8 : i32
    %mul3A_93 = arith.muli %mul3A_92, %add3A : i32
    %sub3A_94 = arith.constant 255 : i32
    %sub3A_95 = arith.subi %sub3A_94, %mul3A_93 : i32
    %sub3A_96 = arith.constant 1 : i32
    %sub3A_97 = arith.subi %sub3A_95, %sub3A_96 : i32
    %add3A_98 = arith.constant 11 : i32
    %add3A_99 = arith.addi %mul3A_4, %add3A_98 : i32
    %mul3A_100 = arith.constant 8 : i32
    %mul3A_101 = arith.muli %mul3A_100, %add3A : i32
    %sub3A_102 = arith.constant 255 : i32
    %sub3A_103 = arith.subi %sub3A_102, %mul3A_101 : i32
    %sub3A_104 = arith.constant 1 : i32
    %sub3A_105 = arith.subi %sub3A_103, %sub3A_104 : i32
    %add3A_106 = arith.constant 12 : i32
    %add3A_107 = arith.addi %mul3A_4, %add3A_106 : i32
    %mul3A_108 = arith.constant 8 : i32
    %mul3A_109 = arith.muli %mul3A_108, %add3A : i32
    %sub3A_110 = arith.constant 255 : i32
    %sub3A_111 = arith.subi %sub3A_110, %mul3A_109 : i32
    %sub3A_112 = arith.constant 1 : i32
    %sub3A_113 = arith.subi %sub3A_111, %sub3A_112 : i32
    %add3A_114 = arith.constant 13 : i32
    %add3A_115 = arith.addi %mul3A_4, %add3A_114 : i32
    %mul3A_116 = arith.constant 8 : i32
    %mul3A_117 = arith.muli %mul3A_116, %add3A : i32
    %sub3A_118 = arith.constant 255 : i32
    %sub3A_119 = arith.subi %sub3A_118, %mul3A_117 : i32
    %sub3A_120 = arith.constant 1 : i32
    %sub3A_121 = arith.subi %sub3A_119, %sub3A_120 : i32
    %add3A_122 = arith.constant 14 : i32
    %add3A_123 = arith.addi %mul3A_4, %add3A_122 : i32
    %mul3A_124 = arith.constant 8 : i32
    %mul3A_125 = arith.muli %mul3A_124, %add3A : i32
    %sub3A_126 = arith.constant 255 : i32
    %sub3A_127 = arith.subi %sub3A_126, %mul3A_125 : i32
    %sub3A_128 = arith.constant 1 : i32
    %sub3A_129 = arith.subi %sub3A_127, %sub3A_128 : i32
    %add3A_130 = arith.constant 15 : i32
    %add3A_131 = arith.addi %mul3A_4, %add3A_130 : i32
    %dma_start3A = arith.constant 7 : i32
    %dma_start3A_132 = arith.constant 0 : i32
    %dma_start3A_133 = arith.constant 0 : i32
    %dma_start3A_134 = tpu.memref_slice %arg3[%add3A_11, %dma_start3A_132, %dma_start3A_133] : memref<2048x256x128xf32, #tpu.memory_space<hbm>> -> memref<1x256x128xf32, #tpu.memory_space<hbm>>
    %dma_start3A_135 = tpu.memref_squeeze %dma_start3A_134 : memref<1x256x128xf32, #tpu.memory_space<hbm>> -> memref<256x128xf32, #tpu.memory_space<hbm>>
    %dma_start3A_136 = arith.constant 0 : i32
    %dma_start3A_137 = tpu.memref_slice %arg4[%dma_start3A, %sub3A_9, %dma_start3A_136] : memref<8x512x128xf32, #tpu.memory_space<vmem_shared>> -> memref<1x256x128xf32, #tpu.memory_space<vmem_shared>>
    %dma_start3A_138 = tpu.memref_squeeze %dma_start3A_137 : memref<1x256x128xf32, #tpu.memory_space<vmem_shared>> -> memref<256x128xf32, #tpu.memory_space<vmem_shared>>
    tpu.enqueue_dma source(%dma_start3A_138 : memref<256x128xf32, #tpu.memory_space<vmem_shared>>) target(%dma_start3A_135 : memref<256x128xf32, #tpu.memory_space<hbm>>) target_semaphore(%arg5 : memref<!tpu.dma_semaphore, #tpu.memory_space<semaphore_mem>>)
    %dma_start3A_139 = arith.constant 6 : i32
    %dma_start3A_140 = arith.constant 0 : i32
    %dma_start3A_141 = arith.constant 0 : i32
    %dma_start3A_142 = tpu.memref_slice %arg3[%add3A_19, %dma_start3A_140, %dma_start3A_141] : memref<2048x256x128xf32, #tpu.memory_space<hbm>> -> memref<1x256x128xf32, #tpu.memory_space<hbm>>
    %dma_start3A_143 = tpu.memref_squeeze %dma_start3A_142 : memref<1x256x128xf32, #tpu.memory_space<hbm>> -> memref<256x128xf32, #tpu.memory_space<hbm>>
    %dma_start3A_144 = arith.constant 0 : i32
    %dma_start3A_145 = tpu.memref_slice %arg4[%dma_start3A_139, %sub3A_17, %dma_start3A_144] : memref<8x512x128xf32, #tpu.memory_space<vmem_shared>> -> memref<1x256x128xf32, #tpu.memory_space<vmem_shared>>
    %dma_start3A_146 = tpu.memref_squeeze %dma_start3A_145 : memref<1x256x128xf32, #tpu.memory_space<vmem_shared>> -> memref<256x128xf32, #tpu.memory_space<vmem_shared>>
    tpu.enqueue_dma source(%dma_start3A_146 : memref<256x128xf32, #tpu.memory_space<vmem_shared>>) target(%dma_start3A_143 : memref<256x128xf32, #tpu.memory_space<hbm>>) target_semaphore(%arg5 : memref<!tpu.dma_semaphore, #tpu.memory_space<semaphore_mem>>)
    %dma_start3A_147 = arith.constant 5 : i32
    %dma_start3A_148 = arith.constant 0 : i32
    %dma_start3A_149 = arith.constant 0 : i32
    %dma_start3A_150 = tpu.memref_slice %arg3[%add3A_27, %dma_start3A_148, %dma_start3A_149] : memref<2048x256x128xf32, #tpu.memory_space<hbm>> -> memref<1x256x128xf32, #tpu.memory_space<hbm>>
    %dma_start3A_151 = tpu.memref_squeeze %dma_start3A_150 : memref<1x256x128xf32, #tpu.memory_space<hbm>> -> memref<256x128xf32, #tpu.memory_space<hbm>>
    %dma_start3A_152 = arith.constant 0 : i32
    %dma_start3A_153 = tpu.memref_slice %arg4[%dma_start3A_147, %sub3A_25, %dma_start3A_152] : memref<8x512x128xf32, #tpu.memory_space<vmem_shared>> -> memref<1x256x128xf32, #tpu.memory_space<vmem_shared>>
    %dma_start3A_154 = tpu.memref_squeeze %dma_start3A_153 : memref<1x256x128xf32, #tpu.memory_space<vmem_shared>> -> memref<256x128xf32, #tpu.memory_space<vmem_shared>>
    tpu.enqueue_dma source(%dma_start3A_154 : memref<256x128xf32, #tpu.memory_space<vmem_shared>>) target(%dma_start3A_151 : memref<256x128xf32, #tpu.memory_space<hbm>>) target_semaphore(%arg5 : memref<!tpu.dma_semaphore, #tpu.memory_space<semaphore_mem>>)
    %dma_start3A_155 = arith.constant 4 : i32
    %dma_start3A_156 = arith.constant 0 : i32
    %dma_start3A_157 = arith.constant 0 : i32
    %dma_start3A_158 = tpu.memref_slice %arg3[%add3A_35, %dma_start3A_156, %dma_start3A_157] : memref<2048x256x128xf32, #tpu.memory_space<hbm>> -> memref<1x256x128xf32, #tpu.memory_space<hbm>>
    %dma_start3A_159 = tpu.memref_squeeze %dma_start3A_158 : memref<1x256x128xf32, #tpu.memory_space<hbm>> -> memref<256x128xf32, #tpu.memory_space<hbm>>
    %dma_start3A_160 = arith.constant 0 : i32
    %dma_start3A_161 = tpu.memref_slice %arg4[%dma_start3A_155, %sub3A_33, %dma_start3A_160] : memref<8x512x128xf32, #tpu.memory_space<vmem_shared>> -> memref<1x256x128xf32, #tpu.memory_space<vmem_shared>>
    %dma_start3A_162 = tpu.memref_squeeze %dma_start3A_161 : memref<1x256x128xf32, #tpu.memory_space<vmem_shared>> -> memref<256x128xf32, #tpu.memory_space<vmem_shared>>
    tpu.enqueue_dma source(%dma_start3A_162 : memref<256x128xf32, #tpu.memory_space<vmem_shared>>) target(%dma_start3A_159 : memref<256x128xf32, #tpu.memory_space<hbm>>) target_semaphore(%arg5 : memref<!tpu.dma_semaphore, #tpu.memory_space<semaphore_mem>>)
    %dma_start3A_163 = arith.constant 3 : i32
    %dma_start3A_164 = arith.constant 0 : i32
    %dma_start3A_165 = arith.constant 0 : i32
    %dma_start3A_166 = tpu.memref_slice %arg3[%add3A_43, %dma_start3A_164, %dma_start3A_165] : memref<2048x256x128xf32, #tpu.memory_space<hbm>> -> memref<1x256x128xf32, #tpu.memory_space<hbm>>
    %dma_start3A_167 = tpu.memref_squeeze %dma_start3A_166 : memref<1x256x128xf32, #tpu.memory_space<hbm>> -> memref<256x128xf32, #tpu.memory_space<hbm>>
    %dma_start3A_168 = arith.constant 0 : i32
    %dma_start3A_169 = tpu.memref_slice %arg4[%dma_start3A_163, %sub3A_41, %dma_start3A_168] : memref<8x512x128xf32, #tpu.memory_space<vmem_shared>> -> memref<1x256x128xf32, #tpu.memory_space<vmem_shared>>
    %dma_start3A_170 = tpu.memref_squeeze %dma_start3A_169 : memref<1x256x128xf32, #tpu.memory_space<vmem_shared>> -> memref<256x128xf32, #tpu.memory_space<vmem_shared>>
    tpu.enqueue_dma source(%dma_start3A_170 : memref<256x128xf32, #tpu.memory_space<vmem_shared>>) target(%dma_start3A_167 : memref<256x128xf32, #tpu.memory_space<hbm>>) target_semaphore(%arg5 : memref<!tpu.dma_semaphore, #tpu.memory_space<semaphore_mem>>)
    %dma_start3A_171 = arith.constant 2 : i32
    %dma_start3A_172 = arith.constant 0 : i32
    %dma_start3A_173 = arith.constant 0 : i32
    %dma_start3A_174 = tpu.memref_slice %arg3[%add3A_51, %dma_start3A_172, %dma_start3A_173] : memref<2048x256x128xf32, #tpu.memory_space<hbm>> -> memref<1x256x128xf32, #tpu.memory_space<hbm>>
    %dma_start3A_175 = tpu.memref_squeeze %dma_start3A_174 : memref<1x256x128xf32, #tpu.memory_space<hbm>> -> memref<256x128xf32, #tpu.memory_space<hbm>>
    %dma_start3A_176 = arith.constant 0 : i32
    %dma_start3A_177 = tpu.memref_slice %arg4[%dma_start3A_171, %sub3A_49, %dma_start3A_176] : memref<8x512x128xf32, #tpu.memory_space<vmem_shared>> -> memref<1x256x128xf32, #tpu.memory_space<vmem_shared>>
    %dma_start3A_178 = tpu.memref_squeeze %dma_start3A_177 : memref<1x256x128xf32, #tpu.memory_space<vmem_shared>> -> memref<256x128xf32, #tpu.memory_space<vmem_shared>>
    tpu.enqueue_dma source(%dma_start3A_178 : memref<256x128xf32, #tpu.memory_space<vmem_shared>>) target(%dma_start3A_175 : memref<256x128xf32, #tpu.memory_space<hbm>>) target_semaphore(%arg5 : memref<!tpu.dma_semaphore, #tpu.memory_space<semaphore_mem>>)
    %dma_start3A_179 = arith.constant 1 : i32
    %dma_start3A_180 = arith.constant 0 : i32
    %dma_start3A_181 = arith.constant 0 : i32
    %dma_start3A_182 = tpu.memref_slice %arg3[%add3A_59, %dma_start3A_180, %dma_start3A_181] : memref<2048x256x128xf32, #tpu.memory_space<hbm>> -> memref<1x256x128xf32, #tpu.memory_space<hbm>>
    %dma_start3A_183 = tpu.memref_squeeze %dma_start3A_182 : memref<1x256x128xf32, #tpu.memory_space<hbm>> -> memref<256x128xf32, #tpu.memory_space<hbm>>
    %dma_start3A_184 = arith.constant 0 : i32
    %dma_start3A_185 = tpu.memref_slice %arg4[%dma_start3A_179, %sub3A_57, %dma_start3A_184] : memref<8x512x128xf32, #tpu.memory_space<vmem_shared>> -> memref<1x256x128xf32, #tpu.memory_space<vmem_shared>>
    %dma_start3A_186 = tpu.memref_squeeze %dma_start3A_185 : memref<1x256x128xf32, #tpu.memory_space<vmem_shared>> -> memref<256x128xf32, #tpu.memory_space<vmem_shared>>
    tpu.enqueue_dma source(%dma_start3A_186 : memref<256x128xf32, #tpu.memory_space<vmem_shared>>) target(%dma_start3A_183 : memref<256x128xf32, #tpu.memory_space<hbm>>) target_semaphore(%arg5 : memref<!tpu.dma_semaphore, #tpu.memory_space<semaphore_mem>>)
    %dma_start3A_187 = arith.constant 0 : i32
    %dma_start3A_188 = arith.constant 0 : i32
    %dma_start3A_189 = arith.constant 0 : i32
    %dma_start3A_190 = tpu.memref_slice %arg3[%add3A_67, %dma_start3A_188, %dma_start3A_189] : memref<2048x256x128xf32, #tpu.memory_space<hbm>> -> memref<1x256x128xf32, #tpu.memory_space<hbm>>
    %dma_start3A_191 = tpu.memref_squeeze %dma_start3A_190 : memref<1x256x128xf32, #tpu.memory_space<hbm>> -> memref<256x128xf32, #tpu.memory_space<hbm>>
    %dma_start3A_192 = arith.constant 0 : i32
    %dma_start3A_193 = tpu.memref_slice %arg4[%dma_start3A_187, %sub3A_65, %dma_start3A_192] : memref<8x512x128xf32, #tpu.memory_space<vmem_shared>> -> memref<1x256x128xf32, #tpu.memory_space<vmem_shared>>
    %dma_start3A_194 = tpu.memref_squeeze %dma_start3A_193 : memref<1x256x128xf32, #tpu.memory_space<vmem_shared>> -> memref<256x128xf32, #tpu.memory_space<vmem_shared>>
    tpu.enqueue_dma source(%dma_start3A_194 : memref<256x128xf32, #tpu.memory_space<vmem_shared>>) target(%dma_start3A_191 : memref<256x128xf32, #tpu.memory_space<hbm>>) target_semaphore(%arg5 : memref<!tpu.dma_semaphore, #tpu.memory_space<semaphore_mem>>)
    %dma_start3A_195 = arith.constant 7 : i32
    %dma_start3A_196 = arith.constant 0 : i32
    %dma_start3A_197 = arith.constant 0 : i32
    %dma_start3A_198 = tpu.memref_slice %arg3[%add3A_75, %dma_start3A_196, %dma_start3A_197] : memref<2048x256x128xf32, #tpu.memory_space<hbm>> -> memref<1x256x128xf32, #tpu.memory_space<hbm>>
    %dma_start3A_199 = tpu.memref_squeeze %dma_start3A_198 : memref<1x256x128xf32, #tpu.memory_space<hbm>> -> memref<256x128xf32, #tpu.memory_space<hbm>>
    %dma_start3A_200 = arith.constant 0 : i32
    %dma_start3A_201 = tpu.memref_slice %arg4[%dma_start3A_195, %sub3A_73, %dma_start3A_200] : memref<8x512x128xf32, #tpu.memory_space<vmem_shared>> -> memref<1x256x128xf32, #tpu.memory_space<vmem_shared>>
    %dma_start3A_202 = tpu.memref_squeeze %dma_start3A_201 : memref<1x256x128xf32, #tpu.memory_space<vmem_shared>> -> memref<256x128xf32, #tpu.memory_space<vmem_shared>>
    tpu.enqueue_dma source(%dma_start3A_202 : memref<256x128xf32, #tpu.memory_space<vmem_shared>>) target(%dma_start3A_199 : memref<256x128xf32, #tpu.memory_space<hbm>>) target_semaphore(%arg5 : memref<!tpu.dma_semaphore, #tpu.memory_space<semaphore_mem>>)
    %dma_start3A_203 = arith.constant 6 : i32
    %dma_start3A_204 = arith.constant 0 : i32
    %dma_start3A_205 = arith.constant 0 : i32
    %dma_start3A_206 = tpu.memref_slice %arg3[%add3A_83, %dma_start3A_204, %dma_start3A_205] : memref<2048x256x128xf32, #tpu.memory_space<hbm>> -> memref<1x256x128xf32, #tpu.memory_space<hbm>>
    %dma_start3A_207 = tpu.memref_squeeze %dma_start3A_206 : memref<1x256x128xf32, #tpu.memory_space<hbm>> -> memref<256x128xf32, #tpu.memory_space<hbm>>
    %dma_start3A_208 = arith.constant 0 : i32
    %dma_start3A_209 = tpu.memref_slice %arg4[%dma_start3A_203, %sub3A_81, %dma_start3A_208] : memref<8x512x128xf32, #tpu.memory_space<vmem_shared>> -> memref<1x256x128xf32, #tpu.memory_space<vmem_shared>>
    %dma_start3A_210 = tpu.memref_squeeze %dma_start3A_209 : memref<1x256x128xf32, #tpu.memory_space<vmem_shared>> -> memref<256x128xf32, #tpu.memory_space<vmem_shared>>
    tpu.enqueue_dma source(%dma_start3A_210 : memref<256x128xf32, #tpu.memory_space<vmem_shared>>) target(%dma_start3A_207 : memref<256x128xf32, #tpu.memory_space<hbm>>) target_semaphore(%arg5 : memref<!tpu.dma_semaphore, #tpu.memory_space<semaphore_mem>>)
    %dma_start3A_211 = arith.constant 5 : i32
    %dma_start3A_212 = arith.constant 0 : i32
    %dma_start3A_213 = arith.constant 0 : i32
    %dma_start3A_214 = tpu.memref_slice %arg3[%add3A_91, %dma_start3A_212, %dma_start3A_213] : memref<2048x256x128xf32, #tpu.memory_space<hbm>> -> memref<1x256x128xf32, #tpu.memory_space<hbm>>
    %dma_start3A_215 = tpu.memref_squeeze %dma_start3A_214 : memref<1x256x128xf32, #tpu.memory_space<hbm>> -> memref<256x128xf32, #tpu.memory_space<hbm>>
    %dma_start3A_216 = arith.constant 0 : i32
    %dma_start3A_217 = tpu.memref_slice %arg4[%dma_start3A_211, %sub3A_89, %dma_start3A_216] : memref<8x512x128xf32, #tpu.memory_space<vmem_shared>> -> memref<1x256x128xf32, #tpu.memory_space<vmem_shared>>
    %dma_start3A_218 = tpu.memref_squeeze %dma_start3A_217 : memref<1x256x128xf32, #tpu.memory_space<vmem_shared>> -> memref<256x128xf32, #tpu.memory_space<vmem_shared>>
    tpu.enqueue_dma source(%dma_start3A_218 : memref<256x128xf32, #tpu.memory_space<vmem_shared>>) target(%dma_start3A_215 : memref<256x128xf32, #tpu.memory_space<hbm>>) target_semaphore(%arg5 : memref<!tpu.dma_semaphore, #tpu.memory_space<semaphore_mem>>)
    %dma_start3A_219 = arith.constant 4 : i32
    %dma_start3A_220 = arith.constant 0 : i32
    %dma_start3A_221 = arith.constant 0 : i32
    %dma_start3A_222 = tpu.memref_slice %arg3[%add3A_99, %dma_start3A_220, %dma_start3A_221] : memref<2048x256x128xf32, #tpu.memory_space<hbm>> -> memref<1x256x128xf32, #tpu.memory_space<hbm>>
    %dma_start3A_223 = tpu.memref_squeeze %dma_start3A_222 : memref<1x256x128xf32, #tpu.memory_space<hbm>> -> memref<256x128xf32, #tpu.memory_space<hbm>>
    %dma_start3A_224 = arith.constant 0 : i32
    %dma_start3A_225 = tpu.memref_slice %arg4[%dma_start3A_219, %sub3A_97, %dma_start3A_224] : memref<8x512x128xf32, #tpu.memory_space<vmem_shared>> -> memref<1x256x128xf32, #tpu.memory_space<vmem_shared>>
    %dma_start3A_226 = tpu.memref_squeeze %dma_start3A_225 : memref<1x256x128xf32, #tpu.memory_space<vmem_shared>> -> memref<256x128xf32, #tpu.memory_space<vmem_shared>>
    tpu.enqueue_dma source(%dma_start3A_226 : memref<256x128xf32, #tpu.memory_space<vmem_shared>>) target(%dma_start3A_223 : memref<256x128xf32, #tpu.memory_space<hbm>>) target_semaphore(%arg5 : memref<!tpu.dma_semaphore, #tpu.memory_space<semaphore_mem>>)
    %dma_start3A_227 = arith.constant 3 : i32
    %dma_start3A_228 = arith.constant 0 : i32
    %dma_start3A_229 = arith.constant 0 : i32
    %dma_start3A_230 = tpu.memref_slice %arg3[%add3A_107, %dma_start3A_228, %dma_start3A_229] : memref<2048x256x128xf32, #tpu.memory_space<hbm>> -> memref<1x256x128xf32, #tpu.memory_space<hbm>>
    %dma_start3A_231 = tpu.memref_squeeze %dma_start3A_230 : memref<1x256x128xf32, #tpu.memory_space<hbm>> -> memref<256x128xf32, #tpu.memory_space<hbm>>
    %dma_start3A_232 = arith.constant 0 : i32
    %dma_start3A_233 = tpu.memref_slice %arg4[%dma_start3A_227, %sub3A_105, %dma_start3A_232] : memref<8x512x128xf32, #tpu.memory_space<vmem_shared>> -> memref<1x256x128xf32, #tpu.memory_space<vmem_shared>>
    %dma_start3A_234 = tpu.memref_squeeze %dma_start3A_233 : memref<1x256x128xf32, #tpu.memory_space<vmem_shared>> -> memref<256x128xf32, #tpu.memory_space<vmem_shared>>
    tpu.enqueue_dma source(%dma_start3A_234 : memref<256x128xf32, #tpu.memory_space<vmem_shared>>) target(%dma_start3A_231 : memref<256x128xf32, #tpu.memory_space<hbm>>) target_semaphore(%arg5 : memref<!tpu.dma_semaphore, #tpu.memory_space<semaphore_mem>>)
    %dma_start3A_235 = arith.constant 2 : i32
    %dma_start3A_236 = arith.constant 0 : i32
    %dma_start3A_237 = arith.constant 0 : i32
    %dma_start3A_238 = tpu.memref_slice %arg3[%add3A_115, %dma_start3A_236, %dma_start3A_237] : memref<2048x256x128xf32, #tpu.memory_space<hbm>> -> memref<1x256x128xf32, #tpu.memory_space<hbm>>
    %dma_start3A_239 = tpu.memref_squeeze %dma_start3A_238 : memref<1x256x128xf32, #tpu.memory_space<hbm>> -> memref<256x128xf32, #tpu.memory_space<hbm>>
    %dma_start3A_240 = arith.constant 0 : i32
    %dma_start3A_241 = tpu.memref_slice %arg4[%dma_start3A_235, %sub3A_113, %dma_start3A_240] : memref<8x512x128xf32, #tpu.memory_space<vmem_shared>> -> memref<1x256x128xf32, #tpu.memory_space<vmem_shared>>
    %dma_start3A_242 = tpu.memref_squeeze %dma_start3A_241 : memref<1x256x128xf32, #tpu.memory_space<vmem_shared>> -> memref<256x128xf32, #tpu.memory_space<vmem_shared>>
    tpu.enqueue_dma source(%dma_start3A_242 : memref<256x128xf32, #tpu.memory_space<vmem_shared>>) target(%dma_start3A_239 : memref<256x128xf32, #tpu.memory_space<hbm>>) target_semaphore(%arg5 : memref<!tpu.dma_semaphore, #tpu.memory_space<semaphore_mem>>)
    %dma_start3A_243 = arith.constant 1 : i32
    %dma_start3A_244 = arith.constant 0 : i32
    %dma_start3A_245 = arith.constant 0 : i32
    %dma_start3A_246 = tpu.memref_slice %arg3[%add3A_123, %dma_start3A_244, %dma_start3A_245] : memref<2048x256x128xf32, #tpu.memory_space<hbm>> -> memref<1x256x128xf32, #tpu.memory_space<hbm>>
    %dma_start3A_247 = tpu.memref_squeeze %dma_start3A_246 : memref<1x256x128xf32, #tpu.memory_space<hbm>> -> memref<256x128xf32, #tpu.memory_space<hbm>>
    %dma_start3A_248 = arith.constant 0 : i32
    %dma_start3A_249 = tpu.memref_slice %arg4[%dma_start3A_243, %sub3A_121, %dma_start3A_248] : memref<8x512x128xf32, #tpu.memory_space<vmem_shared>> -> memref<1x256x128xf32, #tpu.memory_space<vmem_shared>>
    %dma_start3A_250 = tpu.memref_squeeze %dma_start3A_249 : memref<1x256x128xf32, #tpu.memory_space<vmem_shared>> -> memref<256x128xf32, #tpu.memory_space<vmem_shared>>
    tpu.enqueue_dma source(%dma_start3A_250 : memref<256x128xf32, #tpu.memory_space<vmem_shared>>) target(%dma_start3A_247 : memref<256x128xf32, #tpu.memory_space<hbm>>) target_semaphore(%arg5 : memref<!tpu.dma_semaphore, #tpu.memory_space<semaphore_mem>>)
    %dma_start3A_251 = arith.constant 0 : i32
    %dma_start3A_252 = arith.constant 0 : i32
    %dma_start3A_253 = arith.constant 0 : i32
    %dma_start3A_254 = tpu.memref_slice %arg3[%add3A_131, %dma_start3A_252, %dma_start3A_253] : memref<2048x256x128xf32, #tpu.memory_space<hbm>> -> memref<1x256x128xf32, #tpu.memory_space<hbm>>
    %dma_start3A_255 = tpu.memref_squeeze %dma_start3A_254 : memref<1x256x128xf32, #tpu.memory_space<hbm>> -> memref<256x128xf32, #tpu.memory_space<hbm>>
    %dma_start3A_256 = arith.constant 0 : i32
    %dma_start3A_257 = tpu.memref_slice %arg4[%dma_start3A_251, %sub3A_129, %dma_start3A_256] : memref<8x512x128xf32, #tpu.memory_space<vmem_shared>> -> memref<1x256x128xf32, #tpu.memory_space<vmem_shared>>
    %dma_start3A_258 = tpu.memref_squeeze %dma_start3A_257 : memref<1x256x128xf32, #tpu.memory_space<vmem_shared>> -> memref<256x128xf32, #tpu.memory_space<vmem_shared>>
    tpu.enqueue_dma source(%dma_start3A_258 : memref<256x128xf32, #tpu.memory_space<vmem_shared>>) target(%dma_start3A_255 : memref<256x128xf32, #tpu.memory_space<hbm>>) target_semaphore(%arg5 : memref<!tpu.dma_semaphore, #tpu.memory_space<semaphore_mem>>)
    %dma_wait3A = arith.constant 7 : i32
    %dma_wait3A_259 = arith.constant 0 : i32
    %dma_wait3A_260 = arith.constant 0 : i32
    %dma_wait3A_261 = tpu.memref_slice %arg3[%add3A_11, %dma_wait3A_259, %dma_wait3A_260] : memref<2048x256x128xf32, #tpu.memory_space<hbm>> -> memref<1x256x128xf32, #tpu.memory_space<hbm>>
    %dma_wait3A_262 = tpu.memref_squeeze %dma_wait3A_261 : memref<1x256x128xf32, #tpu.memory_space<hbm>> -> memref<256x128xf32, #tpu.memory_space<hbm>>
    %dma_wait3A_263 = arith.constant 0 : i32
    %dma_wait3A_264 = tpu.memref_slice %arg4[%dma_wait3A, %sub3A_9, %dma_wait3A_263] : memref<8x512x128xf32, #tpu.memory_space<vmem_shared>> -> memref<1x256x128xf32, #tpu.memory_space<vmem_shared>>
    %dma_wait3A_265 = tpu.memref_squeeze %dma_wait3A_264 : memref<1x256x128xf32, #tpu.memory_space<vmem_shared>> -> memref<256x128xf32, #tpu.memory_space<vmem_shared>>
    tpu.wait_dma2 semaphore(%arg5 : memref<!tpu.dma_semaphore, #tpu.memory_space<semaphore_mem>>) src(%dma_wait3A_265 : memref<256x128xf32, #tpu.memory_space<vmem_shared>>) dst(%dma_wait3A_262 : memref<256x128xf32, #tpu.memory_space<hbm>>)
    %dma_wait3A_266 = arith.constant 6 : i32
    %dma_wait3A_267 = arith.constant 0 : i32
    %dma_wait3A_268 = arith.constant 0 : i32
    %dma_wait3A_269 = tpu.memref_slice %arg3[%add3A_19, %dma_wait3A_267, %dma_wait3A_268] : memref<2048x256x128xf32, #tpu.memory_space<hbm>> -> memref<1x256x128xf32, #tpu.memory_space<hbm>>
    %dma_wait3A_270 = tpu.memref_squeeze %dma_wait3A_269 : memref<1x256x128xf32, #tpu.memory_space<hbm>> -> memref<256x128xf32, #tpu.memory_space<hbm>>
    %dma_wait3A_271 = arith.constant 0 : i32
    %dma_wait3A_272 = tpu.memref_slice %arg4[%dma_wait3A_266, %sub3A_17, %dma_wait3A_271] : memref<8x512x128xf32, #tpu.memory_space<vmem_shared>> -> memref<1x256x128xf32, #tpu.memory_space<vmem_shared>>
    %dma_wait3A_273 = tpu.memref_squeeze %dma_wait3A_272 : memref<1x256x128xf32, #tpu.memory_space<vmem_shared>> -> memref<256x128xf32, #tpu.memory_space<vmem_shared>>
    tpu.wait_dma2 semaphore(%arg5 : memref<!tpu.dma_semaphore, #tpu.memory_space<semaphore_mem>>) src(%dma_wait3A_273 : memref<256x128xf32, #tpu.memory_space<vmem_shared>>) dst(%dma_wait3A_270 : memref<256x128xf32, #tpu.memory_space<hbm>>)
    %dma_wait3A_274 = arith.constant 5 : i32
    %dma_wait3A_275 = arith.constant 0 : i32
    %dma_wait3A_276 = arith.constant 0 : i32
    %dma_wait3A_277 = tpu.memref_slice %arg3[%add3A_27, %dma_wait3A_275, %dma_wait3A_276] : memref<2048x256x128xf32, #tpu.memory_space<hbm>> -> memref<1x256x128xf32, #tpu.memory_space<hbm>>
    %dma_wait3A_278 = tpu.memref_squeeze %dma_wait3A_277 : memref<1x256x128xf32, #tpu.memory_space<hbm>> -> memref<256x128xf32, #tpu.memory_space<hbm>>
    %dma_wait3A_279 = arith.constant 0 : i32
    %dma_wait3A_280 = tpu.memref_slice %arg4[%dma_wait3A_274, %sub3A_25, %dma_wait3A_279] : memref<8x512x128xf32, #tpu.memory_space<vmem_shared>> -> memref<1x256x128xf32, #tpu.memory_space<vmem_shared>>
    %dma_wait3A_281 = tpu.memref_squeeze %dma_wait3A_280 : memref<1x256x128xf32, #tpu.memory_space<vmem_shared>> -> memref<256x128xf32, #tpu.memory_space<vmem_shared>>
    tpu.wait_dma2 semaphore(%arg5 : memref<!tpu.dma_semaphore, #tpu.memory_space<semaphore_mem>>) src(%dma_wait3A_281 : memref<256x128xf32, #tpu.memory_space<vmem_shared>>) dst(%dma_wait3A_278 : memref<256x128xf32, #tpu.memory_space<hbm>>)
    %dma_wait3A_282 = arith.constant 4 : i32
    %dma_wait3A_283 = arith.constant 0 : i32
    %dma_wait3A_284 = arith.constant 0 : i32
    %dma_wait3A_285 = tpu.memref_slice %arg3[%add3A_35, %dma_wait3A_283, %dma_wait3A_284] : memref<2048x256x128xf32, #tpu.memory_space<hbm>> -> memref<1x256x128xf32, #tpu.memory_space<hbm>>
    %dma_wait3A_286 = tpu.memref_squeeze %dma_wait3A_285 : memref<1x256x128xf32, #tpu.memory_space<hbm>> -> memref<256x128xf32, #tpu.memory_space<hbm>>
    %dma_wait3A_287 = arith.constant 0 : i32
    %dma_wait3A_288 = tpu.memref_slice %arg4[%dma_wait3A_282, %sub3A_33, %dma_wait3A_287] : memref<8x512x128xf32, #tpu.memory_space<vmem_shared>> -> memref<1x256x128xf32, #tpu.memory_space<vmem_shared>>
    %dma_wait3A_289 = tpu.memref_squeeze %dma_wait3A_288 : memref<1x256x128xf32, #tpu.memory_space<vmem_shared>> -> memref<256x128xf32, #tpu.memory_space<vmem_shared>>
    tpu.wait_dma2 semaphore(%arg5 : memref<!tpu.dma_semaphore, #tpu.memory_space<semaphore_mem>>) src(%dma_wait3A_289 : memref<256x128xf32, #tpu.memory_space<vmem_shared>>) dst(%dma_wait3A_286 : memref<256x128xf32, #tpu.memory_space<hbm>>)
    %dma_wait3A_290 = arith.constant 3 : i32
    %dma_wait3A_291 = arith.constant 0 : i32
    %dma_wait3A_292 = arith.constant 0 : i32
    %dma_wait3A_293 = tpu.memref_slice %arg3[%add3A_43, %dma_wait3A_291, %dma_wait3A_292] : memref<2048x256x128xf32, #tpu.memory_space<hbm>> -> memref<1x256x128xf32, #tpu.memory_space<hbm>>
    %dma_wait3A_294 = tpu.memref_squeeze %dma_wait3A_293 : memref<1x256x128xf32, #tpu.memory_space<hbm>> -> memref<256x128xf32, #tpu.memory_space<hbm>>
    %dma_wait3A_295 = arith.constant 0 : i32
    %dma_wait3A_296 = tpu.memref_slice %arg4[%dma_wait3A_290, %sub3A_41, %dma_wait3A_295] : memref<8x512x128xf32, #tpu.memory_space<vmem_shared>> -> memref<1x256x128xf32, #tpu.memory_space<vmem_shared>>
    %dma_wait3A_297 = tpu.memref_squeeze %dma_wait3A_296 : memref<1x256x128xf32, #tpu.memory_space<vmem_shared>> -> memref<256x128xf32, #tpu.memory_space<vmem_shared>>
    tpu.wait_dma2 semaphore(%arg5 : memref<!tpu.dma_semaphore, #tpu.memory_space<semaphore_mem>>) src(%dma_wait3A_297 : memref<256x128xf32, #tpu.memory_space<vmem_shared>>) dst(%dma_wait3A_294 : memref<256x128xf32, #tpu.memory_space<hbm>>)
    %dma_wait3A_298 = arith.constant 2 : i32
    %dma_wait3A_299 = arith.constant 0 : i32
    %dma_wait3A_300 = arith.constant 0 : i32
    %dma_wait3A_301 = tpu.memref_slice %arg3[%add3A_51, %dma_wait3A_299, %dma_wait3A_300] : memref<2048x256x128xf32, #tpu.memory_space<hbm>> -> memref<1x256x128xf32, #tpu.memory_space<hbm>>
    %dma_wait3A_302 = tpu.memref_squeeze %dma_wait3A_301 : memref<1x256x128xf32, #tpu.memory_space<hbm>> -> memref<256x128xf32, #tpu.memory_space<hbm>>
    %dma_wait3A_303 = arith.constant 0 : i32
    %dma_wait3A_304 = tpu.memref_slice %arg4[%dma_wait3A_298, %sub3A_49, %dma_wait3A_303] : memref<8x512x128xf32, #tpu.memory_space<vmem_shared>> -> memref<1x256x128xf32, #tpu.memory_space<vmem_shared>>
    %dma_wait3A_305 = tpu.memref_squeeze %dma_wait3A_304 : memref<1x256x128xf32, #tpu.memory_space<vmem_shared>> -> memref<256x128xf32, #tpu.memory_space<vmem_shared>>
    tpu.wait_dma2 semaphore(%arg5 : memref<!tpu.dma_semaphore, #tpu.memory_space<semaphore_mem>>) src(%dma_wait3A_305 : memref<256x128xf32, #tpu.memory_space<vmem_shared>>) dst(%dma_wait3A_302 : memref<256x128xf32, #tpu.memory_space<hbm>>)
    %dma_wait3A_306 = arith.constant 1 : i32
    %dma_wait3A_307 = arith.constant 0 : i32
    %dma_wait3A_308 = arith.constant 0 : i32
    %dma_wait3A_309 = tpu.memref_slice %arg3[%add3A_59, %dma_wait3A_307, %dma_wait3A_308] : memref<2048x256x128xf32, #tpu.memory_space<hbm>> -> memref<1x256x128xf32, #tpu.memory_space<hbm>>
    %dma_wait3A_310 = tpu.memref_squeeze %dma_wait3A_309 : memref<1x256x128xf32, #tpu.memory_space<hbm>> -> memref<256x128xf32, #tpu.memory_space<hbm>>
    %dma_wait3A_311 = arith.constant 0 : i32
    %dma_wait3A_312 = tpu.memref_slice %arg4[%dma_wait3A_306, %sub3A_57, %dma_wait3A_311] : memref<8x512x128xf32, #tpu.memory_space<vmem_shared>> -> memref<1x256x128xf32, #tpu.memory_space<vmem_shared>>
    %dma_wait3A_313 = tpu.memref_squeeze %dma_wait3A_312 : memref<1x256x128xf32, #tpu.memory_space<vmem_shared>> -> memref<256x128xf32, #tpu.memory_space<vmem_shared>>
    tpu.wait_dma2 semaphore(%arg5 : memref<!tpu.dma_semaphore, #tpu.memory_space<semaphore_mem>>) src(%dma_wait3A_313 : memref<256x128xf32, #tpu.memory_space<vmem_shared>>) dst(%dma_wait3A_310 : memref<256x128xf32, #tpu.memory_space<hbm>>)
    %dma_wait3A_314 = arith.constant 0 : i32
    %dma_wait3A_315 = arith.constant 0 : i32
    %dma_wait3A_316 = arith.constant 0 : i32
    %dma_wait3A_317 = tpu.memref_slice %arg3[%add3A_67, %dma_wait3A_315, %dma_wait3A_316] : memref<2048x256x128xf32, #tpu.memory_space<hbm>> -> memref<1x256x128xf32, #tpu.memory_space<hbm>>
    %dma_wait3A_318 = tpu.memref_squeeze %dma_wait3A_317 : memref<1x256x128xf32, #tpu.memory_space<hbm>> -> memref<256x128xf32, #tpu.memory_space<hbm>>
    %dma_wait3A_319 = arith.constant 0 : i32
    %dma_wait3A_320 = tpu.memref_slice %arg4[%dma_wait3A_314, %sub3A_65, %dma_wait3A_319] : memref<8x512x128xf32, #tpu.memory_space<vmem_shared>> -> memref<1x256x128xf32, #tpu.memory_space<vmem_shared>>
    %dma_wait3A_321 = tpu.memref_squeeze %dma_wait3A_320 : memref<1x256x128xf32, #tpu.memory_space<vmem_shared>> -> memref<256x128xf32, #tpu.memory_space<vmem_shared>>
    tpu.wait_dma2 semaphore(%arg5 : memref<!tpu.dma_semaphore, #tpu.memory_space<semaphore_mem>>) src(%dma_wait3A_321 : memref<256x128xf32, #tpu.memory_space<vmem_shared>>) dst(%dma_wait3A_318 : memref<256x128xf32, #tpu.memory_space<hbm>>)
    %dma_wait3A_322 = arith.constant 7 : i32
    %dma_wait3A_323 = arith.constant 0 : i32
    %dma_wait3A_324 = arith.constant 0 : i32
    %dma_wait3A_325 = tpu.memref_slice %arg3[%add3A_75, %dma_wait3A_323, %dma_wait3A_324] : memref<2048x256x128xf32, #tpu.memory_space<hbm>> -> memref<1x256x128xf32, #tpu.memory_space<hbm>>
    %dma_wait3A_326 = tpu.memref_squeeze %dma_wait3A_325 : memref<1x256x128xf32, #tpu.memory_space<hbm>> -> memref<256x128xf32, #tpu.memory_space<hbm>>
    %dma_wait3A_327 = arith.constant 0 : i32
    %dma_wait3A_328 = tpu.memref_slice %arg4[%dma_wait3A_322, %sub3A_73, %dma_wait3A_327] : memref<8x512x128xf32, #tpu.memory_space<vmem_shared>> -> memref<1x256x128xf32, #tpu.memory_space<vmem_shared>>
    %dma_wait3A_329 = tpu.memref_squeeze %dma_wait3A_328 : memref<1x256x128xf32, #tpu.memory_space<vmem_shared>> -> memref<256x128xf32, #tpu.memory_space<vmem_shared>>
    tpu.wait_dma2 semaphore(%arg5 : memref<!tpu.dma_semaphore, #tpu.memory_space<semaphore_mem>>) src(%dma_wait3A_329 : memref<256x128xf32, #tpu.memory_space<vmem_shared>>) dst(%dma_wait3A_326 : memref<256x128xf32, #tpu.memory_space<hbm>>)
    %dma_wait3A_330 = arith.constant 6 : i32
    %dma_wait3A_331 = arith.constant 0 : i32
    %dma_wait3A_332 = arith.constant 0 : i32
    %dma_wait3A_333 = tpu.memref_slice %arg3[%add3A_83, %dma_wait3A_331, %dma_wait3A_332] : memref<2048x256x128xf32, #tpu.memory_space<hbm>> -> memref<1x256x128xf32, #tpu.memory_space<hbm>>
    %dma_wait3A_334 = tpu.memref_squeeze %dma_wait3A_333 : memref<1x256x128xf32, #tpu.memory_space<hbm>> -> memref<256x128xf32, #tpu.memory_space<hbm>>
    %dma_wait3A_335 = arith.constant 0 : i32
    %dma_wait3A_336 = tpu.memref_slice %arg4[%dma_wait3A_330, %sub3A_81, %dma_wait3A_335] : memref<8x512x128xf32, #tpu.memory_space<vmem_shared>> -> memref<1x256x128xf32, #tpu.memory_space<vmem_shared>>
    %dma_wait3A_337 = tpu.memref_squeeze %dma_wait3A_336 : memref<1x256x128xf32, #tpu.memory_space<vmem_shared>> -> memref<256x128xf32, #tpu.memory_space<vmem_shared>>
    tpu.wait_dma2 semaphore(%arg5 : memref<!tpu.dma_semaphore, #tpu.memory_space<semaphore_mem>>) src(%dma_wait3A_337 : memref<256x128xf32, #tpu.memory_space<vmem_shared>>) dst(%dma_wait3A_334 : memref<256x128xf32, #tpu.memory_space<hbm>>)
    %dma_wait3A_338 = arith.constant 5 : i32
    %dma_wait3A_339 = arith.constant 0 : i32
    %dma_wait3A_340 = arith.constant 0 : i32
    %dma_wait3A_341 = tpu.memref_slice %arg3[%add3A_91, %dma_wait3A_339, %dma_wait3A_340] : memref<2048x256x128xf32, #tpu.memory_space<hbm>> -> memref<1x256x128xf32, #tpu.memory_space<hbm>>
    %dma_wait3A_342 = tpu.memref_squeeze %dma_wait3A_341 : memref<1x256x128xf32, #tpu.memory_space<hbm>> -> memref<256x128xf32, #tpu.memory_space<hbm>>
    %dma_wait3A_343 = arith.constant 0 : i32
    %dma_wait3A_344 = tpu.memref_slice %arg4[%dma_wait3A_338, %sub3A_89, %dma_wait3A_343] : memref<8x512x128xf32, #tpu.memory_space<vmem_shared>> -> memref<1x256x128xf32, #tpu.memory_space<vmem_shared>>
    %dma_wait3A_345 = tpu.memref_squeeze %dma_wait3A_344 : memref<1x256x128xf32, #tpu.memory_space<vmem_shared>> -> memref<256x128xf32, #tpu.memory_space<vmem_shared>>
    tpu.wait_dma2 semaphore(%arg5 : memref<!tpu.dma_semaphore, #tpu.memory_space<semaphore_mem>>) src(%dma_wait3A_345 : memref<256x128xf32, #tpu.memory_space<vmem_shared>>) dst(%dma_wait3A_342 : memref<256x128xf32, #tpu.memory_space<hbm>>)
    %dma_wait3A_346 = arith.constant 4 : i32
    %dma_wait3A_347 = arith.constant 0 : i32
    %dma_wait3A_348 = arith.constant 0 : i32
    %dma_wait3A_349 = tpu.memref_slice %arg3[%add3A_99, %dma_wait3A_347, %dma_wait3A_348] : memref<2048x256x128xf32, #tpu.memory_space<hbm>> -> memref<1x256x128xf32, #tpu.memory_space<hbm>>
    %dma_wait3A_350 = tpu.memref_squeeze %dma_wait3A_349 : memref<1x256x128xf32, #tpu.memory_space<hbm>> -> memref<256x128xf32, #tpu.memory_space<hbm>>
    %dma_wait3A_351 = arith.constant 0 : i32
    %dma_wait3A_352 = tpu.memref_slice %arg4[%dma_wait3A_346, %sub3A_97, %dma_wait3A_351] : memref<8x512x128xf32, #tpu.memory_space<vmem_shared>> -> memref<1x256x128xf32, #tpu.memory_space<vmem_shared>>
    %dma_wait3A_353 = tpu.memref_squeeze %dma_wait3A_352 : memref<1x256x128xf32, #tpu.memory_space<vmem_shared>> -> memref<256x128xf32, #tpu.memory_space<vmem_shared>>
    tpu.wait_dma2 semaphore(%arg5 : memref<!tpu.dma_semaphore, #tpu.memory_space<semaphore_mem>>) src(%dma_wait3A_353 : memref<256x128xf32, #tpu.memory_space<vmem_shared>>) dst(%dma_wait3A_350 : memref<256x128xf32, #tpu.memory_space<hbm>>)
    %dma_wait3A_354 = arith.constant 3 : i32
    %dma_wait3A_355 = arith.constant 0 : i32
    %dma_wait3A_356 = arith.constant 0 : i32
    %dma_wait3A_357 = tpu.memref_slice %arg3[%add3A_107, %dma_wait3A_355, %dma_wait3A_356] : memref<2048x256x128xf32, #tpu.memory_space<hbm>> -> memref<1x256x128xf32, #tpu.memory_space<hbm>>
    %dma_wait3A_358 = tpu.memref_squeeze %dma_wait3A_357 : memref<1x256x128xf32, #tpu.memory_space<hbm>> -> memref<256x128xf32, #tpu.memory_space<hbm>>
    %dma_wait3A_359 = arith.constant 0 : i32
    %dma_wait3A_360 = tpu.memref_slice %arg4[%dma_wait3A_354, %sub3A_105, %dma_wait3A_359] : memref<8x512x128xf32, #tpu.memory_space<vmem_shared>> -> memref<1x256x128xf32, #tpu.memory_space<vmem_shared>>
    %dma_wait3A_361 = tpu.memref_squeeze %dma_wait3A_360 : memref<1x256x128xf32, #tpu.memory_space<vmem_shared>> -> memref<256x128xf32, #tpu.memory_space<vmem_shared>>
    tpu.wait_dma2 semaphore(%arg5 : memref<!tpu.dma_semaphore, #tpu.memory_space<semaphore_mem>>) src(%dma_wait3A_361 : memref<256x128xf32, #tpu.memory_space<vmem_shared>>) dst(%dma_wait3A_358 : memref<256x128xf32, #tpu.memory_space<hbm>>)
    %dma_wait3A_362 = arith.constant 2 : i32
    %dma_wait3A_363 = arith.constant 0 : i32
    %dma_wait3A_364 = arith.constant 0 : i32
    %dma_wait3A_365 = tpu.memref_slice %arg3[%add3A_115, %dma_wait3A_363, %dma_wait3A_364] : memref<2048x256x128xf32, #tpu.memory_space<hbm>> -> memref<1x256x128xf32, #tpu.memory_space<hbm>>
    %dma_wait3A_366 = tpu.memref_squeeze %dma_wait3A_365 : memref<1x256x128xf32, #tpu.memory_space<hbm>> -> memref<256x128xf32, #tpu.memory_space<hbm>>
    %dma_wait3A_367 = arith.constant 0 : i32
    %dma_wait3A_368 = tpu.memref_slice %arg4[%dma_wait3A_362, %sub3A_113, %dma_wait3A_367] : memref<8x512x128xf32, #tpu.memory_space<vmem_shared>> -> memref<1x256x128xf32, #tpu.memory_space<vmem_shared>>
    %dma_wait3A_369 = tpu.memref_squeeze %dma_wait3A_368 : memref<1x256x128xf32, #tpu.memory_space<vmem_shared>> -> memref<256x128xf32, #tpu.memory_space<vmem_shared>>
    tpu.wait_dma2 semaphore(%arg5 : memref<!tpu.dma_semaphore, #tpu.memory_space<semaphore_mem>>) src(%dma_wait3A_369 : memref<256x128xf32, #tpu.memory_space<vmem_shared>>) dst(%dma_wait3A_366 : memref<256x128xf32, #tpu.memory_space<hbm>>)
    %dma_wait3A_370 = arith.constant 1 : i32
    %dma_wait3A_371 = arith.constant 0 : i32
    %dma_wait3A_372 = arith.constant 0 : i32
    %dma_wait3A_373 = tpu.memref_slice %arg3[%add3A_123, %dma_wait3A_371, %dma_wait3A_372] : memref<2048x256x128xf32, #tpu.memory_space<hbm>> -> memref<1x256x128xf32, #tpu.memory_space<hbm>>
    %dma_wait3A_374 = tpu.memref_squeeze %dma_wait3A_373 : memref<1x256x128xf32, #tpu.memory_space<hbm>> -> memref<256x128xf32, #tpu.memory_space<hbm>>
    %dma_wait3A_375 = arith.constant 0 : i32
    %dma_wait3A_376 = tpu.memref_slice %arg4[%dma_wait3A_370, %sub3A_121, %dma_wait3A_375] : memref<8x512x128xf32, #tpu.memory_space<vmem_shared>> -> memref<1x256x128xf32, #tpu.memory_space<vmem_shared>>
    %dma_wait3A_377 = tpu.memref_squeeze %dma_wait3A_376 : memref<1x256x128xf32, #tpu.memory_space<vmem_shared>> -> memref<256x128xf32, #tpu.memory_space<vmem_shared>>
    tpu.wait_dma2 semaphore(%arg5 : memref<!tpu.dma_semaphore, #tpu.memory_space<semaphore_mem>>) src(%dma_wait3A_377 : memref<256x128xf32, #tpu.memory_space<vmem_shared>>) dst(%dma_wait3A_374 : memref<256x128xf32, #tpu.memory_space<hbm>>)
    %dma_wait3A_378 = arith.constant 0 : i32
    %dma_wait3A_379 = arith.constant 0 : i32
    %dma_wait3A_380 = arith.constant 0 : i32
    %dma_wait3A_381 = tpu.memref_slice %arg3[%add3A_131, %dma_wait3A_379, %dma_wait3A_380] : memref<2048x256x128xf32, #tpu.memory_space<hbm>> -> memref<1x256x128xf32, #tpu.memory_space<hbm>>
    %dma_wait3A_382 = tpu.memref_squeeze %dma_wait3A_381 : memref<1x256x128xf32, #tpu.memory_space<hbm>> -> memref<256x128xf32, #tpu.memory_space<hbm>>
    %dma_wait3A_383 = arith.constant 0 : i32
    %dma_wait3A_384 = tpu.memref_slice %arg4[%dma_wait3A_378, %sub3A_129, %dma_wait3A_383] : memref<8x512x128xf32, #tpu.memory_space<vmem_shared>> -> memref<1x256x128xf32, #tpu.memory_space<vmem_shared>>
    %dma_wait3A_385 = tpu.memref_squeeze %dma_wait3A_384 : memref<1x256x128xf32, #tpu.memory_space<vmem_shared>> -> memref<256x128xf32, #tpu.memory_space<vmem_shared>>
    tpu.wait_dma2 semaphore(%arg5 : memref<!tpu.dma_semaphore, #tpu.memory_space<semaphore_mem>>) src(%dma_wait3A_385 : memref<256x128xf32, #tpu.memory_space<vmem_shared>>) dst(%dma_wait3A_382 : memref<256x128xf32, #tpu.memory_space<hbm>>)
    %mul3A_386 = arith.constant 8 : i32
    %mul3A_387 = arith.muli %mul3A_386, %add3A : i32
    %sub3A_388 = arith.constant 255 : i32
    %sub3A_389 = arith.subi %sub3A_388, %mul3A_387 : i32
    %sub3A_390 = arith.constant 2 : i32
    %sub3A_391 = arith.subi %sub3A_389, %sub3A_390 : i32
    %add3A_392 = arith.constant 16 : i32
    %add3A_393 = arith.addi %mul3A_4, %add3A_392 : i32
    %mul3A_394 = arith.constant 8 : i32
    %mul3A_395 = arith.muli %mul3A_394, %add3A : i32
    %sub3A_396 = arith.constant 255 : i32
    %sub3A_397 = arith.subi %sub3A_396, %mul3A_395 : i32
    %sub3A_398 = arith.constant 2 : i32
    %sub3A_399 = arith.subi %sub3A_397, %sub3A_398 : i32
    %add3A_400 = arith.constant 17 : i32
    %add3A_401 = arith.addi %mul3A_4, %add3A_400 : i32
    %mul3A_402 = arith.constant 8 : i32
    %mul3A_403 = arith.muli %mul3A_402, %add3A : i32
    %sub3A_404 = arith.constant 255 : i32
    %sub3A_405 = arith.subi %sub3A_404, %mul3A_403 : i32
    %sub3A_406 = arith.constant 2 : i32
    %sub3A_407 = arith.subi %sub3A_405, %sub3A_406 : i32
    %add3A_408 = arith.constant 18 : i32
    %add3A_409 = arith.addi %mul3A_4, %add3A_408 : i32
    %mul3A_410 = arith.constant 8 : i32
    %mul3A_411 = arith.muli %mul3A_410, %add3A : i32
    %sub3A_412 = arith.constant 255 : i32
    %sub3A_413 = arith.subi %sub3A_412, %mul3A_411 : i32
    %sub3A_414 = arith.constant 2 : i32
    %sub3A_415 = arith.subi %sub3A_413, %sub3A_414 : i32
    %add3A_416 = arith.constant 19 : i32
    %add3A_417 = arith.addi %mul3A_4, %add3A_416 : i32
    %mul3A_418 = arith.constant 8 : i32
    %mul3A_419 = arith.muli %mul3A_418, %add3A : i32
    %sub3A_420 = arith.constant 255 : i32
    %sub3A_421 = arith.subi %sub3A_420, %mul3A_419 : i32
    %sub3A_422 = arith.constant 2 : i32
    %sub3A_423 = arith.subi %sub3A_421, %sub3A_422 : i32
    %add3A_424 = arith.constant 20 : i32
    %add3A_425 = arith.addi %mul3A_4, %add3A_424 : i32
    %mul3A_426 = arith.constant 8 : i32
    %mul3A_427 = arith.muli %mul3A_426, %add3A : i32
    %sub3A_428 = arith.constant 255 : i32
    %sub3A_429 = arith.subi %sub3A_428, %mul3A_427 : i32
    %sub3A_430 = arith.constant 2 : i32
    %sub3A_431 = arith.subi %sub3A_429, %sub3A_430 : i32
    %add3A_432 = arith.constant 21 : i32
    %add3A_433 = arith.addi %mul3A_4, %add3A_432 : i32
    %mul3A_434 = arith.constant 8 : i32
    %mul3A_435 = arith.muli %mul3A_434, %add3A : i32
    %sub3A_436 = arith.constant 255 : i32
    %sub3A_437 = arith.subi %sub3A_436, %mul3A_435 : i32
    %sub3A_438 = arith.constant 2 : i32
    %sub3A_439 = arith.subi %sub3A_437, %sub3A_438 : i32
    %add3A_440 = arith.constant 22 : i32
    %add3A_441 = arith.addi %mul3A_4, %add3A_440 : i32
    %mul3A_442 = arith.constant 8 : i32
    %mul3A_443 = arith.muli %mul3A_442, %add3A : i32
    %sub3A_444 = arith.constant 255 : i32
    %sub3A_445 = arith.subi %sub3A_444, %mul3A_443 : i32
    %sub3A_446 = arith.constant 2 : i32
    %sub3A_447 = arith.subi %sub3A_445, %sub3A_446 : i32
    %add3A_448 = arith.constant 23 : i32
    %add3A_449 = arith.addi %mul3A_4, %add3A_448 : i32
    %mul3A_450 = arith.constant 8 : i32
    %mul3A_451 = arith.muli %mul3A_450, %add3A : i32
    %sub3A_452 = arith.constant 255 : i32
    %sub3A_453 = arith.subi %sub3A_452, %mul3A_451 : i32
    %sub3A_454 = arith.constant 3 : i32
    %sub3A_455 = arith.subi %sub3A_453, %sub3A_454 : i32
    %add3A_456 = arith.constant 24 : i32
    %add3A_457 = arith.addi %mul3A_4, %add3A_456 : i32
    %mul3A_458 = arith.constant 8 : i32
    %mul3A_459 = arith.muli %mul3A_458, %add3A : i32
    %sub3A_460 = arith.constant 255 : i32
    %sub3A_461 = arith.subi %sub3A_460, %mul3A_459 : i32
    %sub3A_462 = arith.constant 3 : i32
    %sub3A_463 = arith.subi %sub3A_461, %sub3A_462 : i32
    %add3A_464 = arith.constant 25 : i32
    %add3A_465 = arith.addi %mul3A_4, %add3A_464 : i32
    %mul3A_466 = arith.constant 8 : i32
    %mul3A_467 = arith.muli %mul3A_466, %add3A : i32
    %sub3A_468 = arith.constant 255 : i32
    %sub3A_469 = arith.subi %sub3A_468, %mul3A_467 : i32
    %sub3A_470 = arith.constant 3 : i32
    %sub3A_471 = arith.subi %sub3A_469, %sub3A_470 : i32
    %add3A_472 = arith.constant 26 : i32
    %add3A_473 = arith.addi %mul3A_4, %add3A_472 : i32
    %mul3A_474 = arith.constant 8 : i32
    %mul3A_475 = arith.muli %mul3A_474, %add3A : i32
    %sub3A_476 = arith.constant 255 : i32
    %sub3A_477 = arith.subi %sub3A_476, %mul3A_475 : i32
    %sub3A_478 = arith.constant 3 : i32
    %sub3A_479 = arith.subi %sub3A_477, %sub3A_478 : i32
    %add3A_480 = arith.constant 27 : i32
    %add3A_481 = arith.addi %mul3A_4, %add3A_480 : i32
    %mul3A_482 = arith.constant 8 : i32
    %mul3A_483 = arith.muli %mul3A_482, %add3A : i32
    %sub3A_484 = arith.constant 255 : i32
    %sub3A_485 = arith.subi %sub3A_484, %mul3A_483 : i32
    %sub3A_486 = arith.constant 3 : i32
    %sub3A_487 = arith.subi %sub3A_485, %sub3A_486 : i32
    %add3A_488 = arith.constant 28 : i32
    %add3A_489 = arith.addi %mul3A_4, %add3A_488 : i32
    %mul3A_490 = arith.constant 8 : i32
    %mul3A_491 = arith.muli %mul3A_490, %add3A : i32
    %sub3A_492 = arith.constant 255 : i32
    %sub3A_493 = arith.subi %sub3A_492, %mul3A_491 : i32
    %sub3A_494 = arith.constant 3 : i32
    %sub3A_495 = arith.subi %sub3A_493, %sub3A_494 : i32
    %add3A_496 = arith.constant 29 : i32
    %add3A_497 = arith.addi %mul3A_4, %add3A_496 : i32
    %mul3A_498 = arith.constant 8 : i32
    %mul3A_499 = arith.muli %mul3A_498, %add3A : i32
    %sub3A_500 = arith.constant 255 : i32
    %sub3A_501 = arith.subi %sub3A_500, %mul3A_499 : i32
    %sub3A_502 = arith.constant 3 : i32
    %sub3A_503 = arith.subi %sub3A_501, %sub3A_502 : i32
    %add3A_504 = arith.constant 30 : i32
    %add3A_505 = arith.addi %mul3A_4, %add3A_504 : i32
    %mul3A_506 = arith.constant 8 : i32
    %mul3A_507 = arith.muli %mul3A_506, %add3A : i32
    %sub3A_508 = arith.constant 255 : i32
    %sub3A_509 = arith.subi %sub3A_508, %mul3A_507 : i32
    %sub3A_510 = arith.constant 3 : i32
    %sub3A_511 = arith.subi %sub3A_509, %sub3A_510 : i32
    %add3A_512 = arith.constant 31 : i32
    %add3A_513 = arith.addi %mul3A_4, %add3A_512 : i32
    %dma_start3A_514 = arith.constant 7 : i32
    %dma_start3A_515 = arith.constant 0 : i32
    %dma_start3A_516 = arith.constant 0 : i32
    %dma_start3A_517 = tpu.memref_slice %arg3[%add3A_393, %dma_start3A_515, %dma_start3A_516] : memref<2048x256x128xf32, #tpu.memory_space<hbm>> -> memref<1x256x128xf32, #tpu.memory_space<hbm>>
    %dma_start3A_518 = tpu.memref_squeeze %dma_start3A_517 : memref<1x256x128xf32, #tpu.memory_space<hbm>> -> memref<256x128xf32, #tpu.memory_space<hbm>>
    %dma_start3A_519 = arith.constant 0 : i32
    %dma_start3A_520 = tpu.memref_slice %arg4[%dma_start3A_514, %sub3A_391, %dma_start3A_519] : memref<8x512x128xf32, #tpu.memory_space<vmem_shared>> -> memref<1x256x128xf32, #tpu.memory_space<vmem_shared>>
    %dma_start3A_521 = tpu.memref_squeeze %dma_start3A_520 : memref<1x256x128xf32, #tpu.memory_space<vmem_shared>> -> memref<256x128xf32, #tpu.memory_space<vmem_shared>>
    tpu.enqueue_dma source(%dma_start3A_521 : memref<256x128xf32, #tpu.memory_space<vmem_shared>>) target(%dma_start3A_518 : memref<256x128xf32, #tpu.memory_space<hbm>>) target_semaphore(%arg5 : memref<!tpu.dma_semaphore, #tpu.memory_space<semaphore_mem>>)
    %dma_start3A_522 = arith.constant 6 : i32
    %dma_start3A_523 = arith.constant 0 : i32
    %dma_start3A_524 = arith.constant 0 : i32
    %dma_start3A_525 = tpu.memref_slice %arg3[%add3A_401, %dma_start3A_523, %dma_start3A_524] : memref<2048x256x128xf32, #tpu.memory_space<hbm>> -> memref<1x256x128xf32, #tpu.memory_space<hbm>>
    %dma_start3A_526 = tpu.memref_squeeze %dma_start3A_525 : memref<1x256x128xf32, #tpu.memory_space<hbm>> -> memref<256x128xf32, #tpu.memory_space<hbm>>
    %dma_start3A_527 = arith.constant 0 : i32
    %dma_start3A_528 = tpu.memref_slice %arg4[%dma_start3A_522, %sub3A_399, %dma_start3A_527] : memref<8x512x128xf32, #tpu.memory_space<vmem_shared>> -> memref<1x256x128xf32, #tpu.memory_space<vmem_shared>>
    %dma_start3A_529 = tpu.memref_squeeze %dma_start3A_528 : memref<1x256x128xf32, #tpu.memory_space<vmem_shared>> -> memref<256x128xf32, #tpu.memory_space<vmem_shared>>
    tpu.enqueue_dma source(%dma_start3A_529 : memref<256x128xf32, #tpu.memory_space<vmem_shared>>) target(%dma_start3A_526 : memref<256x128xf32, #tpu.memory_space<hbm>>) target_semaphore(%arg5 : memref<!tpu.dma_semaphore, #tpu.memory_space<semaphore_mem>>)
    %dma_start3A_530 = arith.constant 5 : i32
    %dma_start3A_531 = arith.constant 0 : i32
    %dma_start3A_532 = arith.constant 0 : i32
    %dma_start3A_533 = tpu.memref_slice %arg3[%add3A_409, %dma_start3A_531, %dma_start3A_532] : memref<2048x256x128xf32, #tpu.memory_space<hbm>> -> memref<1x256x128xf32, #tpu.memory_space<hbm>>
    %dma_start3A_534 = tpu.memref_squeeze %dma_start3A_533 : memref<1x256x128xf32, #tpu.memory_space<hbm>> -> memref<256x128xf32, #tpu.memory_space<hbm>>
    %dma_start3A_535 = arith.constant 0 : i32
    %dma_start3A_536 = tpu.memref_slice %arg4[%dma_start3A_530, %sub3A_407, %dma_start3A_535] : memref<8x512x128xf32, #tpu.memory_space<vmem_shared>> -> memref<1x256x128xf32, #tpu.memory_space<vmem_shared>>
    %dma_start3A_537 = tpu.memref_squeeze %dma_start3A_536 : memref<1x256x128xf32, #tpu.memory_space<vmem_shared>> -> memref<256x128xf32, #tpu.memory_space<vmem_shared>>
    tpu.enqueue_dma source(%dma_start3A_537 : memref<256x128xf32, #tpu.memory_space<vmem_shared>>) target(%dma_start3A_534 : memref<256x128xf32, #tpu.memory_space<hbm>>) target_semaphore(%arg5 : memref<!tpu.dma_semaphore, #tpu.memory_space<semaphore_mem>>)
    %dma_start3A_538 = arith.constant 4 : i32
    %dma_start3A_539 = arith.constant 0 : i32
    %dma_start3A_540 = arith.constant 0 : i32
    %dma_start3A_541 = tpu.memref_slice %arg3[%add3A_417, %dma_start3A_539, %dma_start3A_540] : memref<2048x256x128xf32, #tpu.memory_space<hbm>> -> memref<1x256x128xf32, #tpu.memory_space<hbm>>
    %dma_start3A_542 = tpu.memref_squeeze %dma_start3A_541 : memref<1x256x128xf32, #tpu.memory_space<hbm>> -> memref<256x128xf32, #tpu.memory_space<hbm>>
    %dma_start3A_543 = arith.constant 0 : i32
    %dma_start3A_544 = tpu.memref_slice %arg4[%dma_start3A_538, %sub3A_415, %dma_start3A_543] : memref<8x512x128xf32, #tpu.memory_space<vmem_shared>> -> memref<1x256x128xf32, #tpu.memory_space<vmem_shared>>
    %dma_start3A_545 = tpu.memref_squeeze %dma_start3A_544 : memref<1x256x128xf32, #tpu.memory_space<vmem_shared>> -> memref<256x128xf32, #tpu.memory_space<vmem_shared>>
    tpu.enqueue_dma source(%dma_start3A_545 : memref<256x128xf32, #tpu.memory_space<vmem_shared>>) target(%dma_start3A_542 : memref<256x128xf32, #tpu.memory_space<hbm>>) target_semaphore(%arg5 : memref<!tpu.dma_semaphore, #tpu.memory_space<semaphore_mem>>)
    %dma_start3A_546 = arith.constant 3 : i32
    %dma_start3A_547 = arith.constant 0 : i32
    %dma_start3A_548 = arith.constant 0 : i32
    %dma_start3A_549 = tpu.memref_slice %arg3[%add3A_425, %dma_start3A_547, %dma_start3A_548] : memref<2048x256x128xf32, #tpu.memory_space<hbm>> -> memref<1x256x128xf32, #tpu.memory_space<hbm>>
    %dma_start3A_550 = tpu.memref_squeeze %dma_start3A_549 : memref<1x256x128xf32, #tpu.memory_space<hbm>> -> memref<256x128xf32, #tpu.memory_space<hbm>>
    %dma_start3A_551 = arith.constant 0 : i32
    %dma_start3A_552 = tpu.memref_slice %arg4[%dma_start3A_546, %sub3A_423, %dma_start3A_551] : memref<8x512x128xf32, #tpu.memory_space<vmem_shared>> -> memref<1x256x128xf32, #tpu.memory_space<vmem_shared>>
    %dma_start3A_553 = tpu.memref_squeeze %dma_start3A_552 : memref<1x256x128xf32, #tpu.memory_space<vmem_shared>> -> memref<256x128xf32, #tpu.memory_space<vmem_shared>>
    tpu.enqueue_dma source(%dma_start3A_553 : memref<256x128xf32, #tpu.memory_space<vmem_shared>>) target(%dma_start3A_550 : memref<256x128xf32, #tpu.memory_space<hbm>>) target_semaphore(%arg5 : memref<!tpu.dma_semaphore, #tpu.memory_space<semaphore_mem>>)
    %dma_start3A_554 = arith.constant 2 : i32
    %dma_start3A_555 = arith.constant 0 : i32
    %dma_start3A_556 = arith.constant 0 : i32
    %dma_start3A_557 = tpu.memref_slice %arg3[%add3A_433, %dma_start3A_555, %dma_start3A_556] : memref<2048x256x128xf32, #tpu.memory_space<hbm>> -> memref<1x256x128xf32, #tpu.memory_space<hbm>>
    %dma_start3A_558 = tpu.memref_squeeze %dma_start3A_557 : memref<1x256x128xf32, #tpu.memory_space<hbm>> -> memref<256x128xf32, #tpu.memory_space<hbm>>
    %dma_start3A_559 = arith.constant 0 : i32
    %dma_start3A_560 = tpu.memref_slice %arg4[%dma_start3A_554, %sub3A_431, %dma_start3A_559] : memref<8x512x128xf32, #tpu.memory_space<vmem_shared>> -> memref<1x256x128xf32, #tpu.memory_space<vmem_shared>>
    %dma_start3A_561 = tpu.memref_squeeze %dma_start3A_560 : memref<1x256x128xf32, #tpu.memory_space<vmem_shared>> -> memref<256x128xf32, #tpu.memory_space<vmem_shared>>
    tpu.enqueue_dma source(%dma_start3A_561 : memref<256x128xf32, #tpu.memory_space<vmem_shared>>) target(%dma_start3A_558 : memref<256x128xf32, #tpu.memory_space<hbm>>) target_semaphore(%arg5 : memref<!tpu.dma_semaphore, #tpu.memory_space<semaphore_mem>>)
    %dma_start3A_562 = arith.constant 1 : i32
    %dma_start3A_563 = arith.constant 0 : i32
    %dma_start3A_564 = arith.constant 0 : i32
    %dma_start3A_565 = tpu.memref_slice %arg3[%add3A_441, %dma_start3A_563, %dma_start3A_564] : memref<2048x256x128xf32, #tpu.memory_space<hbm>> -> memref<1x256x128xf32, #tpu.memory_space<hbm>>
    %dma_start3A_566 = tpu.memref_squeeze %dma_start3A_565 : memref<1x256x128xf32, #tpu.memory_space<hbm>> -> memref<256x128xf32, #tpu.memory_space<hbm>>
    %dma_start3A_567 = arith.constant 0 : i32
    %dma_start3A_568 = tpu.memref_slice %arg4[%dma_start3A_562, %sub3A_439, %dma_start3A_567] : memref<8x512x128xf32, #tpu.memory_space<vmem_shared>> -> memref<1x256x128xf32, #tpu.memory_space<vmem_shared>>
    %dma_start3A_569 = tpu.memref_squeeze %dma_start3A_568 : memref<1x256x128xf32, #tpu.memory_space<vmem_shared>> -> memref<256x128xf32, #tpu.memory_space<vmem_shared>>
    tpu.enqueue_dma source(%dma_start3A_569 : memref<256x128xf32, #tpu.memory_space<vmem_shared>>) target(%dma_start3A_566 : memref<256x128xf32, #tpu.memory_space<hbm>>) target_semaphore(%arg5 : memref<!tpu.dma_semaphore, #tpu.memory_space<semaphore_mem>>)
    %dma_start3A_570 = arith.constant 0 : i32
    %dma_start3A_571 = arith.constant 0 : i32
    %dma_start3A_572 = arith.constant 0 : i32
    %dma_start3A_573 = tpu.memref_slice %arg3[%add3A_449, %dma_start3A_571, %dma_start3A_572] : memref<2048x256x128xf32, #tpu.memory_space<hbm>> -> memref<1x256x128xf32, #tpu.memory_space<hbm>>
    %dma_start3A_574 = tpu.memref_squeeze %dma_start3A_573 : memref<1x256x128xf32, #tpu.memory_space<hbm>> -> memref<256x128xf32, #tpu.memory_space<hbm>>
    %dma_start3A_575 = arith.constant 0 : i32
    %dma_start3A_576 = tpu.memref_slice %arg4[%dma_start3A_570, %sub3A_447, %dma_start3A_575] : memref<8x512x128xf32, #tpu.memory_space<vmem_shared>> -> memref<1x256x128xf32, #tpu.memory_space<vmem_shared>>
    %dma_start3A_577 = tpu.memref_squeeze %dma_start3A_576 : memref<1x256x128xf32, #tpu.memory_space<vmem_shared>> -> memref<256x128xf32, #tpu.memory_space<vmem_shared>>
    tpu.enqueue_dma source(%dma_start3A_577 : memref<256x128xf32, #tpu.memory_space<vmem_shared>>) target(%dma_start3A_574 : memref<256x128xf32, #tpu.memory_space<hbm>>) target_semaphore(%arg5 : memref<!tpu.dma_semaphore, #tpu.memory_space<semaphore_mem>>)
    %dma_start3A_578 = arith.constant 7 : i32
    %dma_start3A_579 = arith.constant 0 : i32
    %dma_start3A_580 = arith.constant 0 : i32
    %dma_start3A_581 = tpu.memref_slice %arg3[%add3A_457, %dma_start3A_579, %dma_start3A_580] : memref<2048x256x128xf32, #tpu.memory_space<hbm>> -> memref<1x256x128xf32, #tpu.memory_space<hbm>>
    %dma_start3A_582 = tpu.memref_squeeze %dma_start3A_581 : memref<1x256x128xf32, #tpu.memory_space<hbm>> -> memref<256x128xf32, #tpu.memory_space<hbm>>
    %dma_start3A_583 = arith.constant 0 : i32
    %dma_start3A_584 = tpu.memref_slice %arg4[%dma_start3A_578, %sub3A_455, %dma_start3A_583] : memref<8x512x128xf32, #tpu.memory_space<vmem_shared>> -> memref<1x256x128xf32, #tpu.memory_space<vmem_shared>>
    %dma_start3A_585 = tpu.memref_squeeze %dma_start3A_584 : memref<1x256x128xf32, #tpu.memory_space<vmem_shared>> -> memref<256x128xf32, #tpu.memory_space<vmem_shared>>
    tpu.enqueue_dma source(%dma_start3A_585 : memref<256x128xf32, #tpu.memory_space<vmem_shared>>) target(%dma_start3A_582 : memref<256x128xf32, #tpu.memory_space<hbm>>) target_semaphore(%arg5 : memref<!tpu.dma_semaphore, #tpu.memory_space<semaphore_mem>>)
    %dma_start3A_586 = arith.constant 6 : i32
    %dma_start3A_587 = arith.constant 0 : i32
    %dma_start3A_588 = arith.constant 0 : i32
    %dma_start3A_589 = tpu.memref_slice %arg3[%add3A_465, %dma_start3A_587, %dma_start3A_588] : memref<2048x256x128xf32, #tpu.memory_space<hbm>> -> memref<1x256x128xf32, #tpu.memory_space<hbm>>
    %dma_start3A_590 = tpu.memref_squeeze %dma_start3A_589 : memref<1x256x128xf32, #tpu.memory_space<hbm>> -> memref<256x128xf32, #tpu.memory_space<hbm>>
    %dma_start3A_591 = arith.constant 0 : i32
    %dma_start3A_592 = tpu.memref_slice %arg4[%dma_start3A_586, %sub3A_463, %dma_start3A_591] : memref<8x512x128xf32, #tpu.memory_space<vmem_shared>> -> memref<1x256x128xf32, #tpu.memory_space<vmem_shared>>
    %dma_start3A_593 = tpu.memref_squeeze %dma_start3A_592 : memref<1x256x128xf32, #tpu.memory_space<vmem_shared>> -> memref<256x128xf32, #tpu.memory_space<vmem_shared>>
    tpu.enqueue_dma source(%dma_start3A_593 : memref<256x128xf32, #tpu.memory_space<vmem_shared>>) target(%dma_start3A_590 : memref<256x128xf32, #tpu.memory_space<hbm>>) target_semaphore(%arg5 : memref<!tpu.dma_semaphore, #tpu.memory_space<semaphore_mem>>)
    %dma_start3A_594 = arith.constant 5 : i32
    %dma_start3A_595 = arith.constant 0 : i32
    %dma_start3A_596 = arith.constant 0 : i32
    %dma_start3A_597 = tpu.memref_slice %arg3[%add3A_473, %dma_start3A_595, %dma_start3A_596] : memref<2048x256x128xf32, #tpu.memory_space<hbm>> -> memref<1x256x128xf32, #tpu.memory_space<hbm>>
    %dma_start3A_598 = tpu.memref_squeeze %dma_start3A_597 : memref<1x256x128xf32, #tpu.memory_space<hbm>> -> memref<256x128xf32, #tpu.memory_space<hbm>>
    %dma_start3A_599 = arith.constant 0 : i32
    %dma_start3A_600 = tpu.memref_slice %arg4[%dma_start3A_594, %sub3A_471, %dma_start3A_599] : memref<8x512x128xf32, #tpu.memory_space<vmem_shared>> -> memref<1x256x128xf32, #tpu.memory_space<vmem_shared>>
    %dma_start3A_601 = tpu.memref_squeeze %dma_start3A_600 : memref<1x256x128xf32, #tpu.memory_space<vmem_shared>> -> memref<256x128xf32, #tpu.memory_space<vmem_shared>>
    tpu.enqueue_dma source(%dma_start3A_601 : memref<256x128xf32, #tpu.memory_space<vmem_shared>>) target(%dma_start3A_598 : memref<256x128xf32, #tpu.memory_space<hbm>>) target_semaphore(%arg5 : memref<!tpu.dma_semaphore, #tpu.memory_space<semaphore_mem>>)
    %dma_start3A_602 = arith.constant 4 : i32
    %dma_start3A_603 = arith.constant 0 : i32
    %dma_start3A_604 = arith.constant 0 : i32
    %dma_start3A_605 = tpu.memref_slice %arg3[%add3A_481, %dma_start3A_603, %dma_start3A_604] : memref<2048x256x128xf32, #tpu.memory_space<hbm>> -> memref<1x256x128xf32, #tpu.memory_space<hbm>>
    %dma_start3A_606 = tpu.memref_squeeze %dma_start3A_605 : memref<1x256x128xf32, #tpu.memory_space<hbm>> -> memref<256x128xf32, #tpu.memory_space<hbm>>
    %dma_start3A_607 = arith.constant 0 : i32
    %dma_start3A_608 = tpu.memref_slice %arg4[%dma_start3A_602, %sub3A_479, %dma_start3A_607] : memref<8x512x128xf32, #tpu.memory_space<vmem_shared>> -> memref<1x256x128xf32, #tpu.memory_space<vmem_shared>>
    %dma_start3A_609 = tpu.memref_squeeze %dma_start3A_608 : memref<1x256x128xf32, #tpu.memory_space<vmem_shared>> -> memref<256x128xf32, #tpu.memory_space<vmem_shared>>
    tpu.enqueue_dma source(%dma_start3A_609 : memref<256x128xf32, #tpu.memory_space<vmem_shared>>) target(%dma_start3A_606 : memref<256x128xf32, #tpu.memory_space<hbm>>) target_semaphore(%arg5 : memref<!tpu.dma_semaphore, #tpu.memory_space<semaphore_mem>>)
    %dma_start3A_610 = arith.constant 3 : i32
    %dma_start3A_611 = arith.constant 0 : i32
    %dma_start3A_612 = arith.constant 0 : i32
    %dma_start3A_613 = tpu.memref_slice %arg3[%add3A_489, %dma_start3A_611, %dma_start3A_612] : memref<2048x256x128xf32, #tpu.memory_space<hbm>> -> memref<1x256x128xf32, #tpu.memory_space<hbm>>
    %dma_start3A_614 = tpu.memref_squeeze %dma_start3A_613 : memref<1x256x128xf32, #tpu.memory_space<hbm>> -> memref<256x128xf32, #tpu.memory_space<hbm>>
    %dma_start3A_615 = arith.constant 0 : i32
    %dma_start3A_616 = tpu.memref_slice %arg4[%dma_start3A_610, %sub3A_487, %dma_start3A_615] : memref<8x512x128xf32, #tpu.memory_space<vmem_shared>> -> memref<1x256x128xf32, #tpu.memory_space<vmem_shared>>
    %dma_start3A_617 = tpu.memref_squeeze %dma_start3A_616 : memref<1x256x128xf32, #tpu.memory_space<vmem_shared>> -> memref<256x128xf32, #tpu.memory_space<vmem_shared>>
    tpu.enqueue_dma source(%dma_start3A_617 : memref<256x128xf32, #tpu.memory_space<vmem_shared>>) target(%dma_start3A_614 : memref<256x128xf32, #tpu.memory_space<hbm>>) target_semaphore(%arg5 : memref<!tpu.dma_semaphore, #tpu.memory_space<semaphore_mem>>)
    %dma_start3A_618 = arith.constant 2 : i32
    %dma_start3A_619 = arith.constant 0 : i32
    %dma_start3A_620 = arith.constant 0 : i32
    %dma_start3A_621 = tpu.memref_slice %arg3[%add3A_497, %dma_start3A_619, %dma_start3A_620] : memref<2048x256x128xf32, #tpu.memory_space<hbm>> -> memref<1x256x128xf32, #tpu.memory_space<hbm>>
    %dma_start3A_622 = tpu.memref_squeeze %dma_start3A_621 : memref<1x256x128xf32, #tpu.memory_space<hbm>> -> memref<256x128xf32, #tpu.memory_space<hbm>>
    %dma_start3A_623 = arith.constant 0 : i32
    %dma_start3A_624 = tpu.memref_slice %arg4[%dma_start3A_618, %sub3A_495, %dma_start3A_623] : memref<8x512x128xf32, #tpu.memory_space<vmem_shared>> -> memref<1x256x128xf32, #tpu.memory_space<vmem_shared>>
    %dma_start3A_625 = tpu.memref_squeeze %dma_start3A_624 : memref<1x256x128xf32, #tpu.memory_space<vmem_shared>> -> memref<256x128xf32, #tpu.memory_space<vmem_shared>>
    tpu.enqueue_dma source(%dma_start3A_625 : memref<256x128xf32, #tpu.memory_space<vmem_shared>>) target(%dma_start3A_622 : memref<256x128xf32, #tpu.memory_space<hbm>>) target_semaphore(%arg5 : memref<!tpu.dma_semaphore, #tpu.memory_space<semaphore_mem>>)
    %dma_start3A_626 = arith.constant 1 : i32
    %dma_start3A_627 = arith.constant 0 : i32
    %dma_start3A_628 = arith.constant 0 : i32
    %dma_start3A_629 = tpu.memref_slice %arg3[%add3A_505, %dma_start3A_627, %dma_start3A_628] : memref<2048x256x128xf32, #tpu.memory_space<hbm>> -> memref<1x256x128xf32, #tpu.memory_space<hbm>>
    %dma_start3A_630 = tpu.memref_squeeze %dma_start3A_629 : memref<1x256x128xf32, #tpu.memory_space<hbm>> -> memref<256x128xf32, #tpu.memory_space<hbm>>
    %dma_start3A_631 = arith.constant 0 : i32
    %dma_start3A_632 = tpu.memref_slice %arg4[%dma_start3A_626, %sub3A_503, %dma_start3A_631] : memref<8x512x128xf32, #tpu.memory_space<vmem_shared>> -> memref<1x256x128xf32, #tpu.memory_space<vmem_shared>>
    %dma_start3A_633 = tpu.memref_squeeze %dma_start3A_632 : memref<1x256x128xf32, #tpu.memory_space<vmem_shared>> -> memref<256x128xf32, #tpu.memory_space<vmem_shared>>
    tpu.enqueue_dma source(%dma_start3A_633 : memref<256x128xf32, #tpu.memory_space<vmem_shared>>) target(%dma_start3A_630 : memref<256x128xf32, #tpu.memory_space<hbm>>) target_semaphore(%arg5 : memref<!tpu.dma_semaphore, #tpu.memory_space<semaphore_mem>>)
    %dma_start3A_634 = arith.constant 0 : i32
    %dma_start3A_635 = arith.constant 0 : i32
    %dma_start3A_636 = arith.constant 0 : i32
    %dma_start3A_637 = tpu.memref_slice %arg3[%add3A_513, %dma_start3A_635, %dma_start3A_636] : memref<2048x256x128xf32, #tpu.memory_space<hbm>> -> memref<1x256x128xf32, #tpu.memory_space<hbm>>
    %dma_start3A_638 = tpu.memref_squeeze %dma_start3A_637 : memref<1x256x128xf32, #tpu.memory_space<hbm>> -> memref<256x128xf32, #tpu.memory_space<hbm>>
    %dma_start3A_639 = arith.constant 0 : i32
    %dma_start3A_640 = tpu.memref_slice %arg4[%dma_start3A_634, %sub3A_511, %dma_start3A_639] : memref<8x512x128xf32, #tpu.memory_space<vmem_shared>> -> memref<1x256x128xf32, #tpu.memory_space<vmem_shared>>
    %dma_start3A_641 = tpu.memref_squeeze %dma_start3A_640 : memref<1x256x128xf32, #tpu.memory_space<vmem_shared>> -> memref<256x128xf32, #tpu.memory_space<vmem_shared>>
    tpu.enqueue_dma source(%dma_start3A_641 : memref<256x128xf32, #tpu.memory_space<vmem_shared>>) target(%dma_start3A_638 : memref<256x128xf32, #tpu.memory_space<hbm>>) target_semaphore(%arg5 : memref<!tpu.dma_semaphore, #tpu.memory_space<semaphore_mem>>)
    %dma_wait3A_642 = arith.constant 7 : i32
    %dma_wait3A_643 = arith.constant 0 : i32
    %dma_wait3A_644 = arith.constant 0 : i32
    %dma_wait3A_645 = tpu.memref_slice %arg3[%add3A_393, %dma_wait3A_643, %dma_wait3A_644] : memref<2048x256x128xf32, #tpu.memory_space<hbm>> -> memref<1x256x128xf32, #tpu.memory_space<hbm>>
    %dma_wait3A_646 = tpu.memref_squeeze %dma_wait3A_645 : memref<1x256x128xf32, #tpu.memory_space<hbm>> -> memref<256x128xf32, #tpu.memory_space<hbm>>
    %dma_wait3A_647 = arith.constant 0 : i32
    %dma_wait3A_648 = tpu.memref_slice %arg4[%dma_wait3A_642, %sub3A_391, %dma_wait3A_647] : memref<8x512x128xf32, #tpu.memory_space<vmem_shared>> -> memref<1x256x128xf32, #tpu.memory_space<vmem_shared>>
    %dma_wait3A_649 = tpu.memref_squeeze %dma_wait3A_648 : memref<1x256x128xf32, #tpu.memory_space<vmem_shared>> -> memref<256x128xf32, #tpu.memory_space<vmem_shared>>
    tpu.wait_dma2 semaphore(%arg5 : memref<!tpu.dma_semaphore, #tpu.memory_space<semaphore_mem>>) src(%dma_wait3A_649 : memref<256x128xf32, #tpu.memory_space<vmem_shared>>) dst(%dma_wait3A_646 : memref<256x128xf32, #tpu.memory_space<hbm>>)
    %dma_wait3A_650 = arith.constant 6 : i32
    %dma_wait3A_651 = arith.constant 0 : i32
    %dma_wait3A_652 = arith.constant 0 : i32
    %dma_wait3A_653 = tpu.memref_slice %arg3[%add3A_401, %dma_wait3A_651, %dma_wait3A_652] : memref<2048x256x128xf32, #tpu.memory_space<hbm>> -> memref<1x256x128xf32, #tpu.memory_space<hbm>>
    %dma_wait3A_654 = tpu.memref_squeeze %dma_wait3A_653 : memref<1x256x128xf32, #tpu.memory_space<hbm>> -> memref<256x128xf32, #tpu.memory_space<hbm>>
    %dma_wait3A_655 = arith.constant 0 : i32
    %dma_wait3A_656 = tpu.memref_slice %arg4[%dma_wait3A_650, %sub3A_399, %dma_wait3A_655] : memref<8x512x128xf32, #tpu.memory_space<vmem_shared>> -> memref<1x256x128xf32, #tpu.memory_space<vmem_shared>>
    %dma_wait3A_657 = tpu.memref_squeeze %dma_wait3A_656 : memref<1x256x128xf32, #tpu.memory_space<vmem_shared>> -> memref<256x128xf32, #tpu.memory_space<vmem_shared>>
    tpu.wait_dma2 semaphore(%arg5 : memref<!tpu.dma_semaphore, #tpu.memory_space<semaphore_mem>>) src(%dma_wait3A_657 : memref<256x128xf32, #tpu.memory_space<vmem_shared>>) dst(%dma_wait3A_654 : memref<256x128xf32, #tpu.memory_space<hbm>>)
    %dma_wait3A_658 = arith.constant 5 : i32
    %dma_wait3A_659 = arith.constant 0 : i32
    %dma_wait3A_660 = arith.constant 0 : i32
    %dma_wait3A_661 = tpu.memref_slice %arg3[%add3A_409, %dma_wait3A_659, %dma_wait3A_660] : memref<2048x256x128xf32, #tpu.memory_space<hbm>> -> memref<1x256x128xf32, #tpu.memory_space<hbm>>
    %dma_wait3A_662 = tpu.memref_squeeze %dma_wait3A_661 : memref<1x256x128xf32, #tpu.memory_space<hbm>> -> memref<256x128xf32, #tpu.memory_space<hbm>>
    %dma_wait3A_663 = arith.constant 0 : i32
    %dma_wait3A_664 = tpu.memref_slice %arg4[%dma_wait3A_658, %sub3A_407, %dma_wait3A_663] : memref<8x512x128xf32, #tpu.memory_space<vmem_shared>> -> memref<1x256x128xf32, #tpu.memory_space<vmem_shared>>
    %dma_wait3A_665 = tpu.memref_squeeze %dma_wait3A_664 : memref<1x256x128xf32, #tpu.memory_space<vmem_shared>> -> memref<256x128xf32, #tpu.memory_space<vmem_shared>>
    tpu.wait_dma2 semaphore(%arg5 : memref<!tpu.dma_semaphore, #tpu.memory_space<semaphore_mem>>) src(%dma_wait3A_665 : memref<256x128xf32, #tpu.memory_space<vmem_shared>>) dst(%dma_wait3A_662 : memref<256x128xf32, #tpu.memory_space<hbm>>)
    %dma_wait3A_666 = arith.constant 4 : i32
    %dma_wait3A_667 = arith.constant 0 : i32
    %dma_wait3A_668 = arith.constant 0 : i32
    %dma_wait3A_669 = tpu.memref_slice %arg3[%add3A_417, %dma_wait3A_667, %dma_wait3A_668] : memref<2048x256x128xf32, #tpu.memory_space<hbm>> -> memref<1x256x128xf32, #tpu.memory_space<hbm>>
    %dma_wait3A_670 = tpu.memref_squeeze %dma_wait3A_669 : memref<1x256x128xf32, #tpu.memory_space<hbm>> -> memref<256x128xf32, #tpu.memory_space<hbm>>
    %dma_wait3A_671 = arith.constant 0 : i32
    %dma_wait3A_672 = tpu.memref_slice %arg4[%dma_wait3A_666, %sub3A_415, %dma_wait3A_671] : memref<8x512x128xf32, #tpu.memory_space<vmem_shared>> -> memref<1x256x128xf32, #tpu.memory_space<vmem_shared>>
    %dma_wait3A_673 = tpu.memref_squeeze %dma_wait3A_672 : memref<1x256x128xf32, #tpu.memory_space<vmem_shared>> -> memref<256x128xf32, #tpu.memory_space<vmem_shared>>
    tpu.wait_dma2 semaphore(%arg5 : memref<!tpu.dma_semaphore, #tpu.memory_space<semaphore_mem>>) src(%dma_wait3A_673 : memref<256x128xf32, #tpu.memory_space<vmem_shared>>) dst(%dma_wait3A_670 : memref<256x128xf32, #tpu.memory_space<hbm>>)
    %dma_wait3A_674 = arith.constant 3 : i32
    %dma_wait3A_675 = arith.constant 0 : i32
    %dma_wait3A_676 = arith.constant 0 : i32
    %dma_wait3A_677 = tpu.memref_slice %arg3[%add3A_425, %dma_wait3A_675, %dma_wait3A_676] : memref<2048x256x128xf32, #tpu.memory_space<hbm>> -> memref<1x256x128xf32, #tpu.memory_space<hbm>>
    %dma_wait3A_678 = tpu.memref_squeeze %dma_wait3A_677 : memref<1x256x128xf32, #tpu.memory_space<hbm>> -> memref<256x128xf32, #tpu.memory_space<hbm>>
    %dma_wait3A_679 = arith.constant 0 : i32
    %dma_wait3A_680 = tpu.memref_slice %arg4[%dma_wait3A_674, %sub3A_423, %dma_wait3A_679] : memref<8x512x128xf32, #tpu.memory_space<vmem_shared>> -> memref<1x256x128xf32, #tpu.memory_space<vmem_shared>>
    %dma_wait3A_681 = tpu.memref_squeeze %dma_wait3A_680 : memref<1x256x128xf32, #tpu.memory_space<vmem_shared>> -> memref<256x128xf32, #tpu.memory_space<vmem_shared>>
    tpu.wait_dma2 semaphore(%arg5 : memref<!tpu.dma_semaphore, #tpu.memory_space<semaphore_mem>>) src(%dma_wait3A_681 : memref<256x128xf32, #tpu.memory_space<vmem_shared>>) dst(%dma_wait3A_678 : memref<256x128xf32, #tpu.memory_space<hbm>>)
    %dma_wait3A_682 = arith.constant 2 : i32
    %dma_wait3A_683 = arith.constant 0 : i32
    %dma_wait3A_684 = arith.constant 0 : i32
    %dma_wait3A_685 = tpu.memref_slice %arg3[%add3A_433, %dma_wait3A_683, %dma_wait3A_684] : memref<2048x256x128xf32, #tpu.memory_space<hbm>> -> memref<1x256x128xf32, #tpu.memory_space<hbm>>
    %dma_wait3A_686 = tpu.memref_squeeze %dma_wait3A_685 : memref<1x256x128xf32, #tpu.memory_space<hbm>> -> memref<256x128xf32, #tpu.memory_space<hbm>>
    %dma_wait3A_687 = arith.constant 0 : i32
    %dma_wait3A_688 = tpu.memref_slice %arg4[%dma_wait3A_682, %sub3A_431, %dma_wait3A_687] : memref<8x512x128xf32, #tpu.memory_space<vmem_shared>> -> memref<1x256x128xf32, #tpu.memory_space<vmem_shared>>
    %dma_wait3A_689 = tpu.memref_squeeze %dma_wait3A_688 : memref<1x256x128xf32, #tpu.memory_space<vmem_shared>> -> memref<256x128xf32, #tpu.memory_space<vmem_shared>>
    tpu.wait_dma2 semaphore(%arg5 : memref<!tpu.dma_semaphore, #tpu.memory_space<semaphore_mem>>) src(%dma_wait3A_689 : memref<256x128xf32, #tpu.memory_space<vmem_shared>>) dst(%dma_wait3A_686 : memref<256x128xf32, #tpu.memory_space<hbm>>)
    %dma_wait3A_690 = arith.constant 1 : i32
    %dma_wait3A_691 = arith.constant 0 : i32
    %dma_wait3A_692 = arith.constant 0 : i32
    %dma_wait3A_693 = tpu.memref_slice %arg3[%add3A_441, %dma_wait3A_691, %dma_wait3A_692] : memref<2048x256x128xf32, #tpu.memory_space<hbm>> -> memref<1x256x128xf32, #tpu.memory_space<hbm>>
    %dma_wait3A_694 = tpu.memref_squeeze %dma_wait3A_693 : memref<1x256x128xf32, #tpu.memory_space<hbm>> -> memref<256x128xf32, #tpu.memory_space<hbm>>
    %dma_wait3A_695 = arith.constant 0 : i32
    %dma_wait3A_696 = tpu.memref_slice %arg4[%dma_wait3A_690, %sub3A_439, %dma_wait3A_695] : memref<8x512x128xf32, #tpu.memory_space<vmem_shared>> -> memref<1x256x128xf32, #tpu.memory_space<vmem_shared>>
    %dma_wait3A_697 = tpu.memref_squeeze %dma_wait3A_696 : memref<1x256x128xf32, #tpu.memory_space<vmem_shared>> -> memref<256x128xf32, #tpu.memory_space<vmem_shared>>
    tpu.wait_dma2 semaphore(%arg5 : memref<!tpu.dma_semaphore, #tpu.memory_space<semaphore_mem>>) src(%dma_wait3A_697 : memref<256x128xf32, #tpu.memory_space<vmem_shared>>) dst(%dma_wait3A_694 : memref<256x128xf32, #tpu.memory_space<hbm>>)
    %dma_wait3A_698 = arith.constant 0 : i32
    %dma_wait3A_699 = arith.constant 0 : i32
    %dma_wait3A_700 = arith.constant 0 : i32
    %dma_wait3A_701 = tpu.memref_slice %arg3[%add3A_449, %dma_wait3A_699, %dma_wait3A_700] : memref<2048x256x128xf32, #tpu.memory_space<hbm>> -> memref<1x256x128xf32, #tpu.memory_space<hbm>>
    %dma_wait3A_702 = tpu.memref_squeeze %dma_wait3A_701 : memref<1x256x128xf32, #tpu.memory_space<hbm>> -> memref<256x128xf32, #tpu.memory_space<hbm>>
    %dma_wait3A_703 = arith.constant 0 : i32
    %dma_wait3A_704 = tpu.memref_slice %arg4[%dma_wait3A_698, %sub3A_447, %dma_wait3A_703] : memref<8x512x128xf32, #tpu.memory_space<vmem_shared>> -> memref<1x256x128xf32, #tpu.memory_space<vmem_shared>>
    %dma_wait3A_705 = tpu.memref_squeeze %dma_wait3A_704 : memref<1x256x128xf32, #tpu.memory_space<vmem_shared>> -> memref<256x128xf32, #tpu.memory_space<vmem_shared>>
    tpu.wait_dma2 semaphore(%arg5 : memref<!tpu.dma_semaphore, #tpu.memory_space<semaphore_mem>>) src(%dma_wait3A_705 : memref<256x128xf32, #tpu.memory_space<vmem_shared>>) dst(%dma_wait3A_702 : memref<256x128xf32, #tpu.memory_space<hbm>>)
    %dma_wait3A_706 = arith.constant 7 : i32
    %dma_wait3A_707 = arith.constant 0 : i32
    %dma_wait3A_708 = arith.constant 0 : i32
    %dma_wait3A_709 = tpu.memref_slice %arg3[%add3A_457, %dma_wait3A_707, %dma_wait3A_708] : memref<2048x256x128xf32, #tpu.memory_space<hbm>> -> memref<1x256x128xf32, #tpu.memory_space<hbm>>
    %dma_wait3A_710 = tpu.memref_squeeze %dma_wait3A_709 : memref<1x256x128xf32, #tpu.memory_space<hbm>> -> memref<256x128xf32, #tpu.memory_space<hbm>>
    %dma_wait3A_711 = arith.constant 0 : i32
    %dma_wait3A_712 = tpu.memref_slice %arg4[%dma_wait3A_706, %sub3A_455, %dma_wait3A_711] : memref<8x512x128xf32, #tpu.memory_space<vmem_shared>> -> memref<1x256x128xf32, #tpu.memory_space<vmem_shared>>
    %dma_wait3A_713 = tpu.memref_squeeze %dma_wait3A_712 : memref<1x256x128xf32, #tpu.memory_space<vmem_shared>> -> memref<256x128xf32, #tpu.memory_space<vmem_shared>>
    tpu.wait_dma2 semaphore(%arg5 : memref<!tpu.dma_semaphore, #tpu.memory_space<semaphore_mem>>) src(%dma_wait3A_713 : memref<256x128xf32, #tpu.memory_space<vmem_shared>>) dst(%dma_wait3A_710 : memref<256x128xf32, #tpu.memory_space<hbm>>)
    %dma_wait3A_714 = arith.constant 6 : i32
    %dma_wait3A_715 = arith.constant 0 : i32
    %dma_wait3A_716 = arith.constant 0 : i32
    %dma_wait3A_717 = tpu.memref_slice %arg3[%add3A_465, %dma_wait3A_715, %dma_wait3A_716] : memref<2048x256x128xf32, #tpu.memory_space<hbm>> -> memref<1x256x128xf32, #tpu.memory_space<hbm>>
    %dma_wait3A_718 = tpu.memref_squeeze %dma_wait3A_717 : memref<1x256x128xf32, #tpu.memory_space<hbm>> -> memref<256x128xf32, #tpu.memory_space<hbm>>
    %dma_wait3A_719 = arith.constant 0 : i32
    %dma_wait3A_720 = tpu.memref_slice %arg4[%dma_wait3A_714, %sub3A_463, %dma_wait3A_719] : memref<8x512x128xf32, #tpu.memory_space<vmem_shared>> -> memref<1x256x128xf32, #tpu.memory_space<vmem_shared>>
    %dma_wait3A_721 = tpu.memref_squeeze %dma_wait3A_720 : memref<1x256x128xf32, #tpu.memory_space<vmem_shared>> -> memref<256x128xf32, #tpu.memory_space<vmem_shared>>
    tpu.wait_dma2 semaphore(%arg5 : memref<!tpu.dma_semaphore, #tpu.memory_space<semaphore_mem>>) src(%dma_wait3A_721 : memref<256x128xf32, #tpu.memory_space<vmem_shared>>) dst(%dma_wait3A_718 : memref<256x128xf32, #tpu.memory_space<hbm>>)
    %dma_wait3A_722 = arith.constant 5 : i32
    %dma_wait3A_723 = arith.constant 0 : i32
    %dma_wait3A_724 = arith.constant 0 : i32
    %dma_wait3A_725 = tpu.memref_slice %arg3[%add3A_473, %dma_wait3A_723, %dma_wait3A_724] : memref<2048x256x128xf32, #tpu.memory_space<hbm>> -> memref<1x256x128xf32, #tpu.memory_space<hbm>>
    %dma_wait3A_726 = tpu.memref_squeeze %dma_wait3A_725 : memref<1x256x128xf32, #tpu.memory_space<hbm>> -> memref<256x128xf32, #tpu.memory_space<hbm>>
    %dma_wait3A_727 = arith.constant 0 : i32
    %dma_wait3A_728 = tpu.memref_slice %arg4[%dma_wait3A_722, %sub3A_471, %dma_wait3A_727] : memref<8x512x128xf32, #tpu.memory_space<vmem_shared>> -> memref<1x256x128xf32, #tpu.memory_space<vmem_shared>>
    %dma_wait3A_729 = tpu.memref_squeeze %dma_wait3A_728 : memref<1x256x128xf32, #tpu.memory_space<vmem_shared>> -> memref<256x128xf32, #tpu.memory_space<vmem_shared>>
    tpu.wait_dma2 semaphore(%arg5 : memref<!tpu.dma_semaphore, #tpu.memory_space<semaphore_mem>>) src(%dma_wait3A_729 : memref<256x128xf32, #tpu.memory_space<vmem_shared>>) dst(%dma_wait3A_726 : memref<256x128xf32, #tpu.memory_space<hbm>>)
    %dma_wait3A_730 = arith.constant 4 : i32
    %dma_wait3A_731 = arith.constant 0 : i32
    %dma_wait3A_732 = arith.constant 0 : i32
    %dma_wait3A_733 = tpu.memref_slice %arg3[%add3A_481, %dma_wait3A_731, %dma_wait3A_732] : memref<2048x256x128xf32, #tpu.memory_space<hbm>> -> memref<1x256x128xf32, #tpu.memory_space<hbm>>
    %dma_wait3A_734 = tpu.memref_squeeze %dma_wait3A_733 : memref<1x256x128xf32, #tpu.memory_space<hbm>> -> memref<256x128xf32, #tpu.memory_space<hbm>>
    %dma_wait3A_735 = arith.constant 0 : i32
    %dma_wait3A_736 = tpu.memref_slice %arg4[%dma_wait3A_730, %sub3A_479, %dma_wait3A_735] : memref<8x512x128xf32, #tpu.memory_space<vmem_shared>> -> memref<1x256x128xf32, #tpu.memory_space<vmem_shared>>
    %dma_wait3A_737 = tpu.memref_squeeze %dma_wait3A_736 : memref<1x256x128xf32, #tpu.memory_space<vmem_shared>> -> memref<256x128xf32, #tpu.memory_space<vmem_shared>>
    tpu.wait_dma2 semaphore(%arg5 : memref<!tpu.dma_semaphore, #tpu.memory_space<semaphore_mem>>) src(%dma_wait3A_737 : memref<256x128xf32, #tpu.memory_space<vmem_shared>>) dst(%dma_wait3A_734 : memref<256x128xf32, #tpu.memory_space<hbm>>)
    %dma_wait3A_738 = arith.constant 3 : i32
    %dma_wait3A_739 = arith.constant 0 : i32
    %dma_wait3A_740 = arith.constant 0 : i32
    %dma_wait3A_741 = tpu.memref_slice %arg3[%add3A_489, %dma_wait3A_739, %dma_wait3A_740] : memref<2048x256x128xf32, #tpu.memory_space<hbm>> -> memref<1x256x128xf32, #tpu.memory_space<hbm>>
    %dma_wait3A_742 = tpu.memref_squeeze %dma_wait3A_741 : memref<1x256x128xf32, #tpu.memory_space<hbm>> -> memref<256x128xf32, #tpu.memory_space<hbm>>
    %dma_wait3A_743 = arith.constant 0 : i32
    %dma_wait3A_744 = tpu.memref_slice %arg4[%dma_wait3A_738, %sub3A_487, %dma_wait3A_743] : memref<8x512x128xf32, #tpu.memory_space<vmem_shared>> -> memref<1x256x128xf32, #tpu.memory_space<vmem_shared>>
    %dma_wait3A_745 = tpu.memref_squeeze %dma_wait3A_744 : memref<1x256x128xf32, #tpu.memory_space<vmem_shared>> -> memref<256x128xf32, #tpu.memory_space<vmem_shared>>
    tpu.wait_dma2 semaphore(%arg5 : memref<!tpu.dma_semaphore, #tpu.memory_space<semaphore_mem>>) src(%dma_wait3A_745 : memref<256x128xf32, #tpu.memory_space<vmem_shared>>) dst(%dma_wait3A_742 : memref<256x128xf32, #tpu.memory_space<hbm>>)
    %dma_wait3A_746 = arith.constant 2 : i32
    %dma_wait3A_747 = arith.constant 0 : i32
    %dma_wait3A_748 = arith.constant 0 : i32
    %dma_wait3A_749 = tpu.memref_slice %arg3[%add3A_497, %dma_wait3A_747, %dma_wait3A_748] : memref<2048x256x128xf32, #tpu.memory_space<hbm>> -> memref<1x256x128xf32, #tpu.memory_space<hbm>>
    %dma_wait3A_750 = tpu.memref_squeeze %dma_wait3A_749 : memref<1x256x128xf32, #tpu.memory_space<hbm>> -> memref<256x128xf32, #tpu.memory_space<hbm>>
    %dma_wait3A_751 = arith.constant 0 : i32
    %dma_wait3A_752 = tpu.memref_slice %arg4[%dma_wait3A_746, %sub3A_495, %dma_wait3A_751] : memref<8x512x128xf32, #tpu.memory_space<vmem_shared>> -> memref<1x256x128xf32, #tpu.memory_space<vmem_shared>>
    %dma_wait3A_753 = tpu.memref_squeeze %dma_wait3A_752 : memref<1x256x128xf32, #tpu.memory_space<vmem_shared>> -> memref<256x128xf32, #tpu.memory_space<vmem_shared>>
    tpu.wait_dma2 semaphore(%arg5 : memref<!tpu.dma_semaphore, #tpu.memory_space<semaphore_mem>>) src(%dma_wait3A_753 : memref<256x128xf32, #tpu.memory_space<vmem_shared>>) dst(%dma_wait3A_750 : memref<256x128xf32, #tpu.memory_space<hbm>>)
    %dma_wait3A_754 = arith.constant 1 : i32
    %dma_wait3A_755 = arith.constant 0 : i32
    %dma_wait3A_756 = arith.constant 0 : i32
    %dma_wait3A_757 = tpu.memref_slice %arg3[%add3A_505, %dma_wait3A_755, %dma_wait3A_756] : memref<2048x256x128xf32, #tpu.memory_space<hbm>> -> memref<1x256x128xf32, #tpu.memory_space<hbm>>
    %dma_wait3A_758 = tpu.memref_squeeze %dma_wait3A_757 : memref<1x256x128xf32, #tpu.memory_space<hbm>> -> memref<256x128xf32, #tpu.memory_space<hbm>>
    %dma_wait3A_759 = arith.constant 0 : i32
    %dma_wait3A_760 = tpu.memref_slice %arg4[%dma_wait3A_754, %sub3A_503, %dma_wait3A_759] : memref<8x512x128xf32, #tpu.memory_space<vmem_shared>> -> memref<1x256x128xf32, #tpu.memory_space<vmem_shared>>
    %dma_wait3A_761 = tpu.memref_squeeze %dma_wait3A_760 : memref<1x256x128xf32, #tpu.memory_space<vmem_shared>> -> memref<256x128xf32, #tpu.memory_space<vmem_shared>>
    tpu.wait_dma2 semaphore(%arg5 : memref<!tpu.dma_semaphore, #tpu.memory_space<semaphore_mem>>) src(%dma_wait3A_761 : memref<256x128xf32, #tpu.memory_space<vmem_shared>>) dst(%dma_wait3A_758 : memref<256x128xf32, #tpu.memory_space<hbm>>)
    %dma_wait3A_762 = arith.constant 0 : i32
    %dma_wait3A_763 = arith.constant 0 : i32
    %dma_wait3A_764 = arith.constant 0 : i32
    %dma_wait3A_765 = tpu.memref_slice %arg3[%add3A_513, %dma_wait3A_763, %dma_wait3A_764] : memref<2048x256x128xf32, #tpu.memory_space<hbm>> -> memref<1x256x128xf32, #tpu.memory_space<hbm>>
    %dma_wait3A_766 = tpu.memref_squeeze %dma_wait3A_765 : memref<1x256x128xf32, #tpu.memory_space<hbm>> -> memref<256x128xf32, #tpu.memory_space<hbm>>
    %dma_wait3A_767 = arith.constant 0 : i32
    %dma_wait3A_768 = tpu.memref_slice %arg4[%dma_wait3A_762, %sub3A_511, %dma_wait3A_767] : memref<8x512x128xf32, #tpu.memory_space<vmem_shared>> -> memref<1x256x128xf32, #tpu.memory_space<vmem_shared>>
    %dma_wait3A_769 = tpu.memref_squeeze %dma_wait3A_768 : memref<1x256x128xf32, #tpu.memory_space<vmem_shared>> -> memref<256x128xf32, #tpu.memory_space<vmem_shared>>
    tpu.wait_dma2 semaphore(%arg5 : memref<!tpu.dma_semaphore, #tpu.memory_space<semaphore_mem>>) src(%dma_wait3A_769 : memref<256x128xf32, #tpu.memory_space<vmem_shared>>) dst(%dma_wait3A_766 : memref<256x128xf32, #tpu.memory_space<hbm>>)
    %mul3A_770 = arith.constant 8 : i32
    %mul3A_771 = arith.muli %mul3A_770, %add3A : i32
    %sub3A_772 = arith.constant 255 : i32
    %sub3A_773 = arith.subi %sub3A_772, %mul3A_771 : i32
    %sub3A_774 = arith.constant 4 : i32
    %sub3A_775 = arith.subi %sub3A_773, %sub3A_774 : i32
    %add3A_776 = arith.constant 32 : i32
    %add3A_777 = arith.addi %mul3A_4, %add3A_776 : i32
    %mul3A_778 = arith.constant 8 : i32
    %mul3A_779 = arith.muli %mul3A_778, %add3A : i32
    %sub3A_780 = arith.constant 255 : i32
    %sub3A_781 = arith.subi %sub3A_780, %mul3A_779 : i32
    %sub3A_782 = arith.constant 4 : i32
    %sub3A_783 = arith.subi %sub3A_781, %sub3A_782 : i32
    %add3A_784 = arith.constant 33 : i32
    %add3A_785 = arith.addi %mul3A_4, %add3A_784 : i32
    %mul3A_786 = arith.constant 8 : i32
    %mul3A_787 = arith.muli %mul3A_786, %add3A : i32
    %sub3A_788 = arith.constant 255 : i32
    %sub3A_789 = arith.subi %sub3A_788, %mul3A_787 : i32
    %sub3A_790 = arith.constant 4 : i32
    %sub3A_791 = arith.subi %sub3A_789, %sub3A_790 : i32
    %add3A_792 = arith.constant 34 : i32
    %add3A_793 = arith.addi %mul3A_4, %add3A_792 : i32
    %mul3A_794 = arith.constant 8 : i32
    %mul3A_795 = arith.muli %mul3A_794, %add3A : i32
    %sub3A_796 = arith.constant 255 : i32
    %sub3A_797 = arith.subi %sub3A_796, %mul3A_795 : i32
    %sub3A_798 = arith.constant 4 : i32
    %sub3A_799 = arith.subi %sub3A_797, %sub3A_798 : i32
    %add3A_800 = arith.constant 35 : i32
    %add3A_801 = arith.addi %mul3A_4, %add3A_800 : i32
    %mul3A_802 = arith.constant 8 : i32
    %mul3A_803 = arith.muli %mul3A_802, %add3A : i32
    %sub3A_804 = arith.constant 255 : i32
    %sub3A_805 = arith.subi %sub3A_804, %mul3A_803 : i32
    %sub3A_806 = arith.constant 4 : i32
    %sub3A_807 = arith.subi %sub3A_805, %sub3A_806 : i32
    %add3A_808 = arith.constant 36 : i32
    %add3A_809 = arith.addi %mul3A_4, %add3A_808 : i32
    %mul3A_810 = arith.constant 8 : i32
    %mul3A_811 = arith.muli %mul3A_810, %add3A : i32
    %sub3A_812 = arith.constant 255 : i32
    %sub3A_813 = arith.subi %sub3A_812, %mul3A_811 : i32
    %sub3A_814 = arith.constant 4 : i32
    %sub3A_815 = arith.subi %sub3A_813, %sub3A_814 : i32
    %add3A_816 = arith.constant 37 : i32
    %add3A_817 = arith.addi %mul3A_4, %add3A_816 : i32
    %mul3A_818 = arith.constant 8 : i32
    %mul3A_819 = arith.muli %mul3A_818, %add3A : i32
    %sub3A_820 = arith.constant 255 : i32
    %sub3A_821 = arith.subi %sub3A_820, %mul3A_819 : i32
    %sub3A_822 = arith.constant 4 : i32
    %sub3A_823 = arith.subi %sub3A_821, %sub3A_822 : i32
    %add3A_824 = arith.constant 38 : i32
    %add3A_825 = arith.addi %mul3A_4, %add3A_824 : i32
    %mul3A_826 = arith.constant 8 : i32
    %mul3A_827 = arith.muli %mul3A_826, %add3A : i32
    %sub3A_828 = arith.constant 255 : i32
    %sub3A_829 = arith.subi %sub3A_828, %mul3A_827 : i32
    %sub3A_830 = arith.constant 4 : i32
    %sub3A_831 = arith.subi %sub3A_829, %sub3A_830 : i32
    %add3A_832 = arith.constant 39 : i32
    %add3A_833 = arith.addi %mul3A_4, %add3A_832 : i32
    %mul3A_834 = arith.constant 8 : i32
    %mul3A_835 = arith.muli %mul3A_834, %add3A : i32
    %sub3A_836 = arith.constant 255 : i32
    %sub3A_837 = arith.subi %sub3A_836, %mul3A_835 : i32
    %sub3A_838 = arith.constant 5 : i32
    %sub3A_839 = arith.subi %sub3A_837, %sub3A_838 : i32
    %add3A_840 = arith.constant 40 : i32
    %add3A_841 = arith.addi %mul3A_4, %add3A_840 : i32
    %mul3A_842 = arith.constant 8 : i32
    %mul3A_843 = arith.muli %mul3A_842, %add3A : i32
    %sub3A_844 = arith.constant 255 : i32
    %sub3A_845 = arith.subi %sub3A_844, %mul3A_843 : i32
    %sub3A_846 = arith.constant 5 : i32
    %sub3A_847 = arith.subi %sub3A_845, %sub3A_846 : i32
    %add3A_848 = arith.constant 41 : i32
    %add3A_849 = arith.addi %mul3A_4, %add3A_848 : i32
    %mul3A_850 = arith.constant 8 : i32
    %mul3A_851 = arith.muli %mul3A_850, %add3A : i32
    %sub3A_852 = arith.constant 255 : i32
    %sub3A_853 = arith.subi %sub3A_852, %mul3A_851 : i32
    %sub3A_854 = arith.constant 5 : i32
    %sub3A_855 = arith.subi %sub3A_853, %sub3A_854 : i32
    %add3A_856 = arith.constant 42 : i32
    %add3A_857 = arith.addi %mul3A_4, %add3A_856 : i32
    %mul3A_858 = arith.constant 8 : i32
    %mul3A_859 = arith.muli %mul3A_858, %add3A : i32
    %sub3A_860 = arith.constant 255 : i32
    %sub3A_861 = arith.subi %sub3A_860, %mul3A_859 : i32
    %sub3A_862 = arith.constant 5 : i32
    %sub3A_863 = arith.subi %sub3A_861, %sub3A_862 : i32
    %add3A_864 = arith.constant 43 : i32
    %add3A_865 = arith.addi %mul3A_4, %add3A_864 : i32
    %mul3A_866 = arith.constant 8 : i32
    %mul3A_867 = arith.muli %mul3A_866, %add3A : i32
    %sub3A_868 = arith.constant 255 : i32
    %sub3A_869 = arith.subi %sub3A_868, %mul3A_867 : i32
    %sub3A_870 = arith.constant 5 : i32
    %sub3A_871 = arith.subi %sub3A_869, %sub3A_870 : i32
    %add3A_872 = arith.constant 44 : i32
    %add3A_873 = arith.addi %mul3A_4, %add3A_872 : i32
    %mul3A_874 = arith.constant 8 : i32
    %mul3A_875 = arith.muli %mul3A_874, %add3A : i32
    %sub3A_876 = arith.constant 255 : i32
    %sub3A_877 = arith.subi %sub3A_876, %mul3A_875 : i32
    %sub3A_878 = arith.constant 5 : i32
    %sub3A_879 = arith.subi %sub3A_877, %sub3A_878 : i32
    %add3A_880 = arith.constant 45 : i32
    %add3A_881 = arith.addi %mul3A_4, %add3A_880 : i32
    %mul3A_882 = arith.constant 8 : i32
    %mul3A_883 = arith.muli %mul3A_882, %add3A : i32
    %sub3A_884 = arith.constant 255 : i32
    %sub3A_885 = arith.subi %sub3A_884, %mul3A_883 : i32
    %sub3A_886 = arith.constant 5 : i32
    %sub3A_887 = arith.subi %sub3A_885, %sub3A_886 : i32
    %add3A_888 = arith.constant 46 : i32
    %add3A_889 = arith.addi %mul3A_4, %add3A_888 : i32
    %mul3A_890 = arith.constant 8 : i32
    %mul3A_891 = arith.muli %mul3A_890, %add3A : i32
    %sub3A_892 = arith.constant 255 : i32
    %sub3A_893 = arith.subi %sub3A_892, %mul3A_891 : i32
    %sub3A_894 = arith.constant 5 : i32
    %sub3A_895 = arith.subi %sub3A_893, %sub3A_894 : i32
    %add3A_896 = arith.constant 47 : i32
    %add3A_897 = arith.addi %mul3A_4, %add3A_896 : i32
    %dma_start3A_898 = arith.constant 7 : i32
    %dma_start3A_899 = arith.constant 0 : i32
    %dma_start3A_900 = arith.constant 0 : i32
    %dma_start3A_901 = tpu.memref_slice %arg3[%add3A_777, %dma_start3A_899, %dma_start3A_900] : memref<2048x256x128xf32, #tpu.memory_space<hbm>> -> memref<1x256x128xf32, #tpu.memory_space<hbm>>
    %dma_start3A_902 = tpu.memref_squeeze %dma_start3A_901 : memref<1x256x128xf32, #tpu.memory_space<hbm>> -> memref<256x128xf32, #tpu.memory_space<hbm>>
    %dma_start3A_903 = arith.constant 0 : i32
    %dma_start3A_904 = tpu.memref_slice %arg4[%dma_start3A_898, %sub3A_775, %dma_start3A_903] : memref<8x512x128xf32, #tpu.memory_space<vmem_shared>> -> memref<1x256x128xf32, #tpu.memory_space<vmem_shared>>
    %dma_start3A_905 = tpu.memref_squeeze %dma_start3A_904 : memref<1x256x128xf32, #tpu.memory_space<vmem_shared>> -> memref<256x128xf32, #tpu.memory_space<vmem_shared>>
    tpu.enqueue_dma source(%dma_start3A_905 : memref<256x128xf32, #tpu.memory_space<vmem_shared>>) target(%dma_start3A_902 : memref<256x128xf32, #tpu.memory_space<hbm>>) target_semaphore(%arg5 : memref<!tpu.dma_semaphore, #tpu.memory_space<semaphore_mem>>)
    %dma_start3A_906 = arith.constant 6 : i32
    %dma_start3A_907 = arith.constant 0 : i32
    %dma_start3A_908 = arith.constant 0 : i32
    %dma_start3A_909 = tpu.memref_slice %arg3[%add3A_785, %dma_start3A_907, %dma_start3A_908] : memref<2048x256x128xf32, #tpu.memory_space<hbm>> -> memref<1x256x128xf32, #tpu.memory_space<hbm>>
    %dma_start3A_910 = tpu.memref_squeeze %dma_start3A_909 : memref<1x256x128xf32, #tpu.memory_space<hbm>> -> memref<256x128xf32, #tpu.memory_space<hbm>>
    %dma_start3A_911 = arith.constant 0 : i32
    %dma_start3A_912 = tpu.memref_slice %arg4[%dma_start3A_906, %sub3A_783, %dma_start3A_911] : memref<8x512x128xf32, #tpu.memory_space<vmem_shared>> -> memref<1x256x128xf32, #tpu.memory_space<vmem_shared>>
    %dma_start3A_913 = tpu.memref_squeeze %dma_start3A_912 : memref<1x256x128xf32, #tpu.memory_space<vmem_shared>> -> memref<256x128xf32, #tpu.memory_space<vmem_shared>>
    tpu.enqueue_dma source(%dma_start3A_913 : memref<256x128xf32, #tpu.memory_space<vmem_shared>>) target(%dma_start3A_910 : memref<256x128xf32, #tpu.memory_space<hbm>>) target_semaphore(%arg5 : memref<!tpu.dma_semaphore, #tpu.memory_space<semaphore_mem>>)
    %dma_start3A_914 = arith.constant 5 : i32
    %dma_start3A_915 = arith.constant 0 : i32
    %dma_start3A_916 = arith.constant 0 : i32
    %dma_start3A_917 = tpu.memref_slice %arg3[%add3A_793, %dma_start3A_915, %dma_start3A_916] : memref<2048x256x128xf32, #tpu.memory_space<hbm>> -> memref<1x256x128xf32, #tpu.memory_space<hbm>>
    %dma_start3A_918 = tpu.memref_squeeze %dma_start3A_917 : memref<1x256x128xf32, #tpu.memory_space<hbm>> -> memref<256x128xf32, #tpu.memory_space<hbm>>
    %dma_start3A_919 = arith.constant 0 : i32
    %dma_start3A_920 = tpu.memref_slice %arg4[%dma_start3A_914, %sub3A_791, %dma_start3A_919] : memref<8x512x128xf32, #tpu.memory_space<vmem_shared>> -> memref<1x256x128xf32, #tpu.memory_space<vmem_shared>>
    %dma_start3A_921 = tpu.memref_squeeze %dma_start3A_920 : memref<1x256x128xf32, #tpu.memory_space<vmem_shared>> -> memref<256x128xf32, #tpu.memory_space<vmem_shared>>
    tpu.enqueue_dma source(%dma_start3A_921 : memref<256x128xf32, #tpu.memory_space<vmem_shared>>) target(%dma_start3A_918 : memref<256x128xf32, #tpu.memory_space<hbm>>) target_semaphore(%arg5 : memref<!tpu.dma_semaphore, #tpu.memory_space<semaphore_mem>>)
    %dma_start3A_922 = arith.constant 4 : i32
    %dma_start3A_923 = arith.constant 0 : i32
    %dma_start3A_924 = arith.constant 0 : i32
    %dma_start3A_925 = tpu.memref_slice %arg3[%add3A_801, %dma_start3A_923, %dma_start3A_924] : memref<2048x256x128xf32, #tpu.memory_space<hbm>> -> memref<1x256x128xf32, #tpu.memory_space<hbm>>
    %dma_start3A_926 = tpu.memref_squeeze %dma_start3A_925 : memref<1x256x128xf32, #tpu.memory_space<hbm>> -> memref<256x128xf32, #tpu.memory_space<hbm>>
    %dma_start3A_927 = arith.constant 0 : i32
    %dma_start3A_928 = tpu.memref_slice %arg4[%dma_start3A_922, %sub3A_799, %dma_start3A_927] : memref<8x512x128xf32, #tpu.memory_space<vmem_shared>> -> memref<1x256x128xf32, #tpu.memory_space<vmem_shared>>
    %dma_start3A_929 = tpu.memref_squeeze %dma_start3A_928 : memref<1x256x128xf32, #tpu.memory_space<vmem_shared>> -> memref<256x128xf32, #tpu.memory_space<vmem_shared>>
    tpu.enqueue_dma source(%dma_start3A_929 : memref<256x128xf32, #tpu.memory_space<vmem_shared>>) target(%dma_start3A_926 : memref<256x128xf32, #tpu.memory_space<hbm>>) target_semaphore(%arg5 : memref<!tpu.dma_semaphore, #tpu.memory_space<semaphore_mem>>)
    %dma_start3A_930 = arith.constant 3 : i32
    %dma_start3A_931 = arith.constant 0 : i32
    %dma_start3A_932 = arith.constant 0 : i32
    %dma_start3A_933 = tpu.memref_slice %arg3[%add3A_809, %dma_start3A_931, %dma_start3A_932] : memref<2048x256x128xf32, #tpu.memory_space<hbm>> -> memref<1x256x128xf32, #tpu.memory_space<hbm>>
    %dma_start3A_934 = tpu.memref_squeeze %dma_start3A_933 : memref<1x256x128xf32, #tpu.memory_space<hbm>> -> memref<256x128xf32, #tpu.memory_space<hbm>>
    %dma_start3A_935 = arith.constant 0 : i32
    %dma_start3A_936 = tpu.memref_slice %arg4[%dma_start3A_930, %sub3A_807, %dma_start3A_935] : memref<8x512x128xf32, #tpu.memory_space<vmem_shared>> -> memref<1x256x128xf32, #tpu.memory_space<vmem_shared>>
    %dma_start3A_937 = tpu.memref_squeeze %dma_start3A_936 : memref<1x256x128xf32, #tpu.memory_space<vmem_shared>> -> memref<256x128xf32, #tpu.memory_space<vmem_shared>>
    tpu.enqueue_dma source(%dma_start3A_937 : memref<256x128xf32, #tpu.memory_space<vmem_shared>>) target(%dma_start3A_934 : memref<256x128xf32, #tpu.memory_space<hbm>>) target_semaphore(%arg5 : memref<!tpu.dma_semaphore, #tpu.memory_space<semaphore_mem>>)
    %dma_start3A_938 = arith.constant 2 : i32
    %dma_start3A_939 = arith.constant 0 : i32
    %dma_start3A_940 = arith.constant 0 : i32
    %dma_start3A_941 = tpu.memref_slice %arg3[%add3A_817, %dma_start3A_939, %dma_start3A_940] : memref<2048x256x128xf32, #tpu.memory_space<hbm>> -> memref<1x256x128xf32, #tpu.memory_space<hbm>>
    %dma_start3A_942 = tpu.memref_squeeze %dma_start3A_941 : memref<1x256x128xf32, #tpu.memory_space<hbm>> -> memref<256x128xf32, #tpu.memory_space<hbm>>
    %dma_start3A_943 = arith.constant 0 : i32
    %dma_start3A_944 = tpu.memref_slice %arg4[%dma_start3A_938, %sub3A_815, %dma_start3A_943] : memref<8x512x128xf32, #tpu.memory_space<vmem_shared>> -> memref<1x256x128xf32, #tpu.memory_space<vmem_shared>>
    %dma_start3A_945 = tpu.memref_squeeze %dma_start3A_944 : memref<1x256x128xf32, #tpu.memory_space<vmem_shared>> -> memref<256x128xf32, #tpu.memory_space<vmem_shared>>
    tpu.enqueue_dma source(%dma_start3A_945 : memref<256x128xf32, #tpu.memory_space<vmem_shared>>) target(%dma_start3A_942 : memref<256x128xf32, #tpu.memory_space<hbm>>) target_semaphore(%arg5 : memref<!tpu.dma_semaphore, #tpu.memory_space<semaphore_mem>>)
    %dma_start3A_946 = arith.constant 1 : i32
    %dma_start3A_947 = arith.constant 0 : i32
    %dma_start3A_948 = arith.constant 0 : i32
    %dma_start3A_949 = tpu.memref_slice %arg3[%add3A_825, %dma_start3A_947, %dma_start3A_948] : memref<2048x256x128xf32, #tpu.memory_space<hbm>> -> memref<1x256x128xf32, #tpu.memory_space<hbm>>
    %dma_start3A_950 = tpu.memref_squeeze %dma_start3A_949 : memref<1x256x128xf32, #tpu.memory_space<hbm>> -> memref<256x128xf32, #tpu.memory_space<hbm>>
    %dma_start3A_951 = arith.constant 0 : i32
    %dma_start3A_952 = tpu.memref_slice %arg4[%dma_start3A_946, %sub3A_823, %dma_start3A_951] : memref<8x512x128xf32, #tpu.memory_space<vmem_shared>> -> memref<1x256x128xf32, #tpu.memory_space<vmem_shared>>
    %dma_start3A_953 = tpu.memref_squeeze %dma_start3A_952 : memref<1x256x128xf32, #tpu.memory_space<vmem_shared>> -> memref<256x128xf32, #tpu.memory_space<vmem_shared>>
    tpu.enqueue_dma source(%dma_start3A_953 : memref<256x128xf32, #tpu.memory_space<vmem_shared>>) target(%dma_start3A_950 : memref<256x128xf32, #tpu.memory_space<hbm>>) target_semaphore(%arg5 : memref<!tpu.dma_semaphore, #tpu.memory_space<semaphore_mem>>)
    %dma_start3A_954 = arith.constant 0 : i32
    %dma_start3A_955 = arith.constant 0 : i32
    %dma_start3A_956 = arith.constant 0 : i32
    %dma_start3A_957 = tpu.memref_slice %arg3[%add3A_833, %dma_start3A_955, %dma_start3A_956] : memref<2048x256x128xf32, #tpu.memory_space<hbm>> -> memref<1x256x128xf32, #tpu.memory_space<hbm>>
    %dma_start3A_958 = tpu.memref_squeeze %dma_start3A_957 : memref<1x256x128xf32, #tpu.memory_space<hbm>> -> memref<256x128xf32, #tpu.memory_space<hbm>>
    %dma_start3A_959 = arith.constant 0 : i32
    %dma_start3A_960 = tpu.memref_slice %arg4[%dma_start3A_954, %sub3A_831, %dma_start3A_959] : memref<8x512x128xf32, #tpu.memory_space<vmem_shared>> -> memref<1x256x128xf32, #tpu.memory_space<vmem_shared>>
    %dma_start3A_961 = tpu.memref_squeeze %dma_start3A_960 : memref<1x256x128xf32, #tpu.memory_space<vmem_shared>> -> memref<256x128xf32, #tpu.memory_space<vmem_shared>>
    tpu.enqueue_dma source(%dma_start3A_961 : memref<256x128xf32, #tpu.memory_space<vmem_shared>>) target(%dma_start3A_958 : memref<256x128xf32, #tpu.memory_space<hbm>>) target_semaphore(%arg5 : memref<!tpu.dma_semaphore, #tpu.memory_space<semaphore_mem>>)
    %dma_start3A_962 = arith.constant 7 : i32
    %dma_start3A_963 = arith.constant 0 : i32
    %dma_start3A_964 = arith.constant 0 : i32
    %dma_start3A_965 = tpu.memref_slice %arg3[%add3A_841, %dma_start3A_963, %dma_start3A_964] : memref<2048x256x128xf32, #tpu.memory_space<hbm>> -> memref<1x256x128xf32, #tpu.memory_space<hbm>>
    %dma_start3A_966 = tpu.memref_squeeze %dma_start3A_965 : memref<1x256x128xf32, #tpu.memory_space<hbm>> -> memref<256x128xf32, #tpu.memory_space<hbm>>
    %dma_start3A_967 = arith.constant 0 : i32
    %dma_start3A_968 = tpu.memref_slice %arg4[%dma_start3A_962, %sub3A_839, %dma_start3A_967] : memref<8x512x128xf32, #tpu.memory_space<vmem_shared>> -> memref<1x256x128xf32, #tpu.memory_space<vmem_shared>>
    %dma_start3A_969 = tpu.memref_squeeze %dma_start3A_968 : memref<1x256x128xf32, #tpu.memory_space<vmem_shared>> -> memref<256x128xf32, #tpu.memory_space<vmem_shared>>
    tpu.enqueue_dma source(%dma_start3A_969 : memref<256x128xf32, #tpu.memory_space<vmem_shared>>) target(%dma_start3A_966 : memref<256x128xf32, #tpu.memory_space<hbm>>) target_semaphore(%arg5 : memref<!tpu.dma_semaphore, #tpu.memory_space<semaphore_mem>>)
    %dma_start3A_970 = arith.constant 6 : i32
    %dma_start3A_971 = arith.constant 0 : i32
    %dma_start3A_972 = arith.constant 0 : i32
    %dma_start3A_973 = tpu.memref_slice %arg3[%add3A_849, %dma_start3A_971, %dma_start3A_972] : memref<2048x256x128xf32, #tpu.memory_space<hbm>> -> memref<1x256x128xf32, #tpu.memory_space<hbm>>
    %dma_start3A_974 = tpu.memref_squeeze %dma_start3A_973 : memref<1x256x128xf32, #tpu.memory_space<hbm>> -> memref<256x128xf32, #tpu.memory_space<hbm>>
    %dma_start3A_975 = arith.constant 0 : i32
    %dma_start3A_976 = tpu.memref_slice %arg4[%dma_start3A_970, %sub3A_847, %dma_start3A_975] : memref<8x512x128xf32, #tpu.memory_space<vmem_shared>> -> memref<1x256x128xf32, #tpu.memory_space<vmem_shared>>
    %dma_start3A_977 = tpu.memref_squeeze %dma_start3A_976 : memref<1x256x128xf32, #tpu.memory_space<vmem_shared>> -> memref<256x128xf32, #tpu.memory_space<vmem_shared>>
    tpu.enqueue_dma source(%dma_start3A_977 : memref<256x128xf32, #tpu.memory_space<vmem_shared>>) target(%dma_start3A_974 : memref<256x128xf32, #tpu.memory_space<hbm>>) target_semaphore(%arg5 : memref<!tpu.dma_semaphore, #tpu.memory_space<semaphore_mem>>)
    %dma_start3A_978 = arith.constant 5 : i32
    %dma_start3A_979 = arith.constant 0 : i32
    %dma_start3A_980 = arith.constant 0 : i32
    %dma_start3A_981 = tpu.memref_slice %arg3[%add3A_857, %dma_start3A_979, %dma_start3A_980] : memref<2048x256x128xf32, #tpu.memory_space<hbm>> -> memref<1x256x128xf32, #tpu.memory_space<hbm>>
    %dma_start3A_982 = tpu.memref_squeeze %dma_start3A_981 : memref<1x256x128xf32, #tpu.memory_space<hbm>> -> memref<256x128xf32, #tpu.memory_space<hbm>>
    %dma_start3A_983 = arith.constant 0 : i32
    %dma_start3A_984 = tpu.memref_slice %arg4[%dma_start3A_978, %sub3A_855, %dma_start3A_983] : memref<8x512x128xf32, #tpu.memory_space<vmem_shared>> -> memref<1x256x128xf32, #tpu.memory_space<vmem_shared>>
    %dma_start3A_985 = tpu.memref_squeeze %dma_start3A_984 : memref<1x256x128xf32, #tpu.memory_space<vmem_shared>> -> memref<256x128xf32, #tpu.memory_space<vmem_shared>>
    tpu.enqueue_dma source(%dma_start3A_985 : memref<256x128xf32, #tpu.memory_space<vmem_shared>>) target(%dma_start3A_982 : memref<256x128xf32, #tpu.memory_space<hbm>>) target_semaphore(%arg5 : memref<!tpu.dma_semaphore, #tpu.memory_space<semaphore_mem>>)
    %dma_start3A_986 = arith.constant 4 : i32
    %dma_start3A_987 = arith.constant 0 : i32
    %dma_start3A_988 = arith.constant 0 : i32
    %dma_start3A_989 = tpu.memref_slice %arg3[%add3A_865, %dma_start3A_987, %dma_start3A_988] : memref<2048x256x128xf32, #tpu.memory_space<hbm>> -> memref<1x256x128xf32, #tpu.memory_space<hbm>>
    %dma_start3A_990 = tpu.memref_squeeze %dma_start3A_989 : memref<1x256x128xf32, #tpu.memory_space<hbm>> -> memref<256x128xf32, #tpu.memory_space<hbm>>
    %dma_start3A_991 = arith.constant 0 : i32
    %dma_start3A_992 = tpu.memref_slice %arg4[%dma_start3A_986, %sub3A_863, %dma_start3A_991] : memref<8x512x128xf32, #tpu.memory_space<vmem_shared>> -> memref<1x256x128xf32, #tpu.memory_space<vmem_shared>>
    %dma_start3A_993 = tpu.memref_squeeze %dma_start3A_992 : memref<1x256x128xf32, #tpu.memory_space<vmem_shared>> -> memref<256x128xf32, #tpu.memory_space<vmem_shared>>
    tpu.enqueue_dma source(%dma_start3A_993 : memref<256x128xf32, #tpu.memory_space<vmem_shared>>) target(%dma_start3A_990 : memref<256x128xf32, #tpu.memory_space<hbm>>) target_semaphore(%arg5 : memref<!tpu.dma_semaphore, #tpu.memory_space<semaphore_mem>>)
    %dma_start3A_994 = arith.constant 3 : i32
    %dma_start3A_995 = arith.constant 0 : i32
    %dma_start3A_996 = arith.constant 0 : i32
    %dma_start3A_997 = tpu.memref_slice %arg3[%add3A_873, %dma_start3A_995, %dma_start3A_996] : memref<2048x256x128xf32, #tpu.memory_space<hbm>> -> memref<1x256x128xf32, #tpu.memory_space<hbm>>
    %dma_start3A_998 = tpu.memref_squeeze %dma_start3A_997 : memref<1x256x128xf32, #tpu.memory_space<hbm>> -> memref<256x128xf32, #tpu.memory_space<hbm>>
    %dma_start3A_999 = arith.constant 0 : i32
    %dma_start3A_1000 = tpu.memref_slice %arg4[%dma_start3A_994, %sub3A_871, %dma_start3A_999] : memref<8x512x128xf32, #tpu.memory_space<vmem_shared>> -> memref<1x256x128xf32, #tpu.memory_space<vmem_shared>>
    %dma_start3A_1001 = tpu.memref_squeeze %dma_start3A_1000 : memref<1x256x128xf32, #tpu.memory_space<vmem_shared>> -> memref<256x128xf32, #tpu.memory_space<vmem_shared>>
    tpu.enqueue_dma source(%dma_start3A_1001 : memref<256x128xf32, #tpu.memory_space<vmem_shared>>) target(%dma_start3A_998 : memref<256x128xf32, #tpu.memory_space<hbm>>) target_semaphore(%arg5 : memref<!tpu.dma_semaphore, #tpu.memory_space<semaphore_mem>>)
    %dma_start3A_1002 = arith.constant 2 : i32
    %dma_start3A_1003 = arith.constant 0 : i32
    %dma_start3A_1004 = arith.constant 0 : i32
    %dma_start3A_1005 = tpu.memref_slice %arg3[%add3A_881, %dma_start3A_1003, %dma_start3A_1004] : memref<2048x256x128xf32, #tpu.memory_space<hbm>> -> memref<1x256x128xf32, #tpu.memory_space<hbm>>
    %dma_start3A_1006 = tpu.memref_squeeze %dma_start3A_1005 : memref<1x256x128xf32, #tpu.memory_space<hbm>> -> memref<256x128xf32, #tpu.memory_space<hbm>>
    %dma_start3A_1007 = arith.constant 0 : i32
    %dma_start3A_1008 = tpu.memref_slice %arg4[%dma_start3A_1002, %sub3A_879, %dma_start3A_1007] : memref<8x512x128xf32, #tpu.memory_space<vmem_shared>> -> memref<1x256x128xf32, #tpu.memory_space<vmem_shared>>
    %dma_start3A_1009 = tpu.memref_squeeze %dma_start3A_1008 : memref<1x256x128xf32, #tpu.memory_space<vmem_shared>> -> memref<256x128xf32, #tpu.memory_space<vmem_shared>>
    tpu.enqueue_dma source(%dma_start3A_1009 : memref<256x128xf32, #tpu.memory_space<vmem_shared>>) target(%dma_start3A_1006 : memref<256x128xf32, #tpu.memory_space<hbm>>) target_semaphore(%arg5 : memref<!tpu.dma_semaphore, #tpu.memory_space<semaphore_mem>>)
    %dma_start3A_1010 = arith.constant 1 : i32
    %dma_start3A_1011 = arith.constant 0 : i32
    %dma_start3A_1012 = arith.constant 0 : i32
    %dma_start3A_1013 = tpu.memref_slice %arg3[%add3A_889, %dma_start3A_1011, %dma_start3A_1012] : memref<2048x256x128xf32, #tpu.memory_space<hbm>> -> memref<1x256x128xf32, #tpu.memory_space<hbm>>
    %dma_start3A_1014 = tpu.memref_squeeze %dma_start3A_1013 : memref<1x256x128xf32, #tpu.memory_space<hbm>> -> memref<256x128xf32, #tpu.memory_space<hbm>>
    %dma_start3A_1015 = arith.constant 0 : i32
    %dma_start3A_1016 = tpu.memref_slice %arg4[%dma_start3A_1010, %sub3A_887, %dma_start3A_1015] : memref<8x512x128xf32, #tpu.memory_space<vmem_shared>> -> memref<1x256x128xf32, #tpu.memory_space<vmem_shared>>
    %dma_start3A_1017 = tpu.memref_squeeze %dma_start3A_1016 : memref<1x256x128xf32, #tpu.memory_space<vmem_shared>> -> memref<256x128xf32, #tpu.memory_space<vmem_shared>>
    tpu.enqueue_dma source(%dma_start3A_1017 : memref<256x128xf32, #tpu.memory_space<vmem_shared>>) target(%dma_start3A_1014 : memref<256x128xf32, #tpu.memory_space<hbm>>) target_semaphore(%arg5 : memref<!tpu.dma_semaphore, #tpu.memory_space<semaphore_mem>>)
    %dma_start3A_1018 = arith.constant 0 : i32
    %dma_start3A_1019 = arith.constant 0 : i32
    %dma_start3A_1020 = arith.constant 0 : i32
    %dma_start3A_1021 = tpu.memref_slice %arg3[%add3A_897, %dma_start3A_1019, %dma_start3A_1020] : memref<2048x256x128xf32, #tpu.memory_space<hbm>> -> memref<1x256x128xf32, #tpu.memory_space<hbm>>
    %dma_start3A_1022 = tpu.memref_squeeze %dma_start3A_1021 : memref<1x256x128xf32, #tpu.memory_space<hbm>> -> memref<256x128xf32, #tpu.memory_space<hbm>>
    %dma_start3A_1023 = arith.constant 0 : i32
    %dma_start3A_1024 = tpu.memref_slice %arg4[%dma_start3A_1018, %sub3A_895, %dma_start3A_1023] : memref<8x512x128xf32, #tpu.memory_space<vmem_shared>> -> memref<1x256x128xf32, #tpu.memory_space<vmem_shared>>
    %dma_start3A_1025 = tpu.memref_squeeze %dma_start3A_1024 : memref<1x256x128xf32, #tpu.memory_space<vmem_shared>> -> memref<256x128xf32, #tpu.memory_space<vmem_shared>>
    tpu.enqueue_dma source(%dma_start3A_1025 : memref<256x128xf32, #tpu.memory_space<vmem_shared>>) target(%dma_start3A_1022 : memref<256x128xf32, #tpu.memory_space<hbm>>) target_semaphore(%arg5 : memref<!tpu.dma_semaphore, #tpu.memory_space<semaphore_mem>>)
    %dma_wait3A_1026 = arith.constant 7 : i32
    %dma_wait3A_1027 = arith.constant 0 : i32
    %dma_wait3A_1028 = arith.constant 0 : i32
    %dma_wait3A_1029 = tpu.memref_slice %arg3[%add3A_777, %dma_wait3A_1027, %dma_wait3A_1028] : memref<2048x256x128xf32, #tpu.memory_space<hbm>> -> memref<1x256x128xf32, #tpu.memory_space<hbm>>
    %dma_wait3A_1030 = tpu.memref_squeeze %dma_wait3A_1029 : memref<1x256x128xf32, #tpu.memory_space<hbm>> -> memref<256x128xf32, #tpu.memory_space<hbm>>
    %dma_wait3A_1031 = arith.constant 0 : i32
    %dma_wait3A_1032 = tpu.memref_slice %arg4[%dma_wait3A_1026, %sub3A_775, %dma_wait3A_1031] : memref<8x512x128xf32, #tpu.memory_space<vmem_shared>> -> memref<1x256x128xf32, #tpu.memory_space<vmem_shared>>
    %dma_wait3A_1033 = tpu.memref_squeeze %dma_wait3A_1032 : memref<1x256x128xf32, #tpu.memory_space<vmem_shared>> -> memref<256x128xf32, #tpu.memory_space<vmem_shared>>
    tpu.wait_dma2 semaphore(%arg5 : memref<!tpu.dma_semaphore, #tpu.memory_space<semaphore_mem>>) src(%dma_wait3A_1033 : memref<256x128xf32, #tpu.memory_space<vmem_shared>>) dst(%dma_wait3A_1030 : memref<256x128xf32, #tpu.memory_space<hbm>>)
    %dma_wait3A_1034 = arith.constant 6 : i32
    %dma_wait3A_1035 = arith.constant 0 : i32
    %dma_wait3A_1036 = arith.constant 0 : i32
    %dma_wait3A_1037 = tpu.memref_slice %arg3[%add3A_785, %dma_wait3A_1035, %dma_wait3A_1036] : memref<2048x256x128xf32, #tpu.memory_space<hbm>> -> memref<1x256x128xf32, #tpu.memory_space<hbm>>
    %dma_wait3A_1038 = tpu.memref_squeeze %dma_wait3A_1037 : memref<1x256x128xf32, #tpu.memory_space<hbm>> -> memref<256x128xf32, #tpu.memory_space<hbm>>
    %dma_wait3A_1039 = arith.constant 0 : i32
    %dma_wait3A_1040 = tpu.memref_slice %arg4[%dma_wait3A_1034, %sub3A_783, %dma_wait3A_1039] : memref<8x512x128xf32, #tpu.memory_space<vmem_shared>> -> memref<1x256x128xf32, #tpu.memory_space<vmem_shared>>
    %dma_wait3A_1041 = tpu.memref_squeeze %dma_wait3A_1040 : memref<1x256x128xf32, #tpu.memory_space<vmem_shared>> -> memref<256x128xf32, #tpu.memory_space<vmem_shared>>
    tpu.wait_dma2 semaphore(%arg5 : memref<!tpu.dma_semaphore, #tpu.memory_space<semaphore_mem>>) src(%dma_wait3A_1041 : memref<256x128xf32, #tpu.memory_space<vmem_shared>>) dst(%dma_wait3A_1038 : memref<256x128xf32, #tpu.memory_space<hbm>>)
    %dma_wait3A_1042 = arith.constant 5 : i32
    %dma_wait3A_1043 = arith.constant 0 : i32
    %dma_wait3A_1044 = arith.constant 0 : i32
    %dma_wait3A_1045 = tpu.memref_slice %arg3[%add3A_793, %dma_wait3A_1043, %dma_wait3A_1044] : memref<2048x256x128xf32, #tpu.memory_space<hbm>> -> memref<1x256x128xf32, #tpu.memory_space<hbm>>
    %dma_wait3A_1046 = tpu.memref_squeeze %dma_wait3A_1045 : memref<1x256x128xf32, #tpu.memory_space<hbm>> -> memref<256x128xf32, #tpu.memory_space<hbm>>
    %dma_wait3A_1047 = arith.constant 0 : i32
    %dma_wait3A_1048 = tpu.memref_slice %arg4[%dma_wait3A_1042, %sub3A_791, %dma_wait3A_1047] : memref<8x512x128xf32, #tpu.memory_space<vmem_shared>> -> memref<1x256x128xf32, #tpu.memory_space<vmem_shared>>
    %dma_wait3A_1049 = tpu.memref_squeeze %dma_wait3A_1048 : memref<1x256x128xf32, #tpu.memory_space<vmem_shared>> -> memref<256x128xf32, #tpu.memory_space<vmem_shared>>
    tpu.wait_dma2 semaphore(%arg5 : memref<!tpu.dma_semaphore, #tpu.memory_space<semaphore_mem>>) src(%dma_wait3A_1049 : memref<256x128xf32, #tpu.memory_space<vmem_shared>>) dst(%dma_wait3A_1046 : memref<256x128xf32, #tpu.memory_space<hbm>>)
    %dma_wait3A_1050 = arith.constant 4 : i32
    %dma_wait3A_1051 = arith.constant 0 : i32
    %dma_wait3A_1052 = arith.constant 0 : i32
    %dma_wait3A_1053 = tpu.memref_slice %arg3[%add3A_801, %dma_wait3A_1051, %dma_wait3A_1052] : memref<2048x256x128xf32, #tpu.memory_space<hbm>> -> memref<1x256x128xf32, #tpu.memory_space<hbm>>
    %dma_wait3A_1054 = tpu.memref_squeeze %dma_wait3A_1053 : memref<1x256x128xf32, #tpu.memory_space<hbm>> -> memref<256x128xf32, #tpu.memory_space<hbm>>
    %dma_wait3A_1055 = arith.constant 0 : i32
    %dma_wait3A_1056 = tpu.memref_slice %arg4[%dma_wait3A_1050, %sub3A_799, %dma_wait3A_1055] : memref<8x512x128xf32, #tpu.memory_space<vmem_shared>> -> memref<1x256x128xf32, #tpu.memory_space<vmem_shared>>
    %dma_wait3A_1057 = tpu.memref_squeeze %dma_wait3A_1056 : memref<1x256x128xf32, #tpu.memory_space<vmem_shared>> -> memref<256x128xf32, #tpu.memory_space<vmem_shared>>
    tpu.wait_dma2 semaphore(%arg5 : memref<!tpu.dma_semaphore, #tpu.memory_space<semaphore_mem>>) src(%dma_wait3A_1057 : memref<256x128xf32, #tpu.memory_space<vmem_shared>>) dst(%dma_wait3A_1054 : memref<256x128xf32, #tpu.memory_space<hbm>>)
    %dma_wait3A_1058 = arith.constant 3 : i32
    %dma_wait3A_1059 = arith.constant 0 : i32
    %dma_wait3A_1060 = arith.constant 0 : i32
    %dma_wait3A_1061 = tpu.memref_slice %arg3[%add3A_809, %dma_wait3A_1059, %dma_wait3A_1060] : memref<2048x256x128xf32, #tpu.memory_space<hbm>> -> memref<1x256x128xf32, #tpu.memory_space<hbm>>
    %dma_wait3A_1062 = tpu.memref_squeeze %dma_wait3A_1061 : memref<1x256x128xf32, #tpu.memory_space<hbm>> -> memref<256x128xf32, #tpu.memory_space<hbm>>
    %dma_wait3A_1063 = arith.constant 0 : i32
    %dma_wait3A_1064 = tpu.memref_slice %arg4[%dma_wait3A_1058, %sub3A_807, %dma_wait3A_1063] : memref<8x512x128xf32, #tpu.memory_space<vmem_shared>> -> memref<1x256x128xf32, #tpu.memory_space<vmem_shared>>
    %dma_wait3A_1065 = tpu.memref_squeeze %dma_wait3A_1064 : memref<1x256x128xf32, #tpu.memory_space<vmem_shared>> -> memref<256x128xf32, #tpu.memory_space<vmem_shared>>
    tpu.wait_dma2 semaphore(%arg5 : memref<!tpu.dma_semaphore, #tpu.memory_space<semaphore_mem>>) src(%dma_wait3A_1065 : memref<256x128xf32, #tpu.memory_space<vmem_shared>>) dst(%dma_wait3A_1062 : memref<256x128xf32, #tpu.memory_space<hbm>>)
    %dma_wait3A_1066 = arith.constant 2 : i32
    %dma_wait3A_1067 = arith.constant 0 : i32
    %dma_wait3A_1068 = arith.constant 0 : i32
    %dma_wait3A_1069 = tpu.memref_slice %arg3[%add3A_817, %dma_wait3A_1067, %dma_wait3A_1068] : memref<2048x256x128xf32, #tpu.memory_space<hbm>> -> memref<1x256x128xf32, #tpu.memory_space<hbm>>
    %dma_wait3A_1070 = tpu.memref_squeeze %dma_wait3A_1069 : memref<1x256x128xf32, #tpu.memory_space<hbm>> -> memref<256x128xf32, #tpu.memory_space<hbm>>
    %dma_wait3A_1071 = arith.constant 0 : i32
    %dma_wait3A_1072 = tpu.memref_slice %arg4[%dma_wait3A_1066, %sub3A_815, %dma_wait3A_1071] : memref<8x512x128xf32, #tpu.memory_space<vmem_shared>> -> memref<1x256x128xf32, #tpu.memory_space<vmem_shared>>
    %dma_wait3A_1073 = tpu.memref_squeeze %dma_wait3A_1072 : memref<1x256x128xf32, #tpu.memory_space<vmem_shared>> -> memref<256x128xf32, #tpu.memory_space<vmem_shared>>
    tpu.wait_dma2 semaphore(%arg5 : memref<!tpu.dma_semaphore, #tpu.memory_space<semaphore_mem>>) src(%dma_wait3A_1073 : memref<256x128xf32, #tpu.memory_space<vmem_shared>>) dst(%dma_wait3A_1070 : memref<256x128xf32, #tpu.memory_space<hbm>>)
    %dma_wait3A_1074 = arith.constant 1 : i32
    %dma_wait3A_1075 = arith.constant 0 : i32
    %dma_wait3A_1076 = arith.constant 0 : i32
    %dma_wait3A_1077 = tpu.memref_slice %arg3[%add3A_825, %dma_wait3A_1075, %dma_wait3A_1076] : memref<2048x256x128xf32, #tpu.memory_space<hbm>> -> memref<1x256x128xf32, #tpu.memory_space<hbm>>
    %dma_wait3A_1078 = tpu.memref_squeeze %dma_wait3A_1077 : memref<1x256x128xf32, #tpu.memory_space<hbm>> -> memref<256x128xf32, #tpu.memory_space<hbm>>
    %dma_wait3A_1079 = arith.constant 0 : i32
    %dma_wait3A_1080 = tpu.memref_slice %arg4[%dma_wait3A_1074, %sub3A_823, %dma_wait3A_1079] : memref<8x512x128xf32, #tpu.memory_space<vmem_shared>> -> memref<1x256x128xf32, #tpu.memory_space<vmem_shared>>
    %dma_wait3A_1081 = tpu.memref_squeeze %dma_wait3A_1080 : memref<1x256x128xf32, #tpu.memory_space<vmem_shared>> -> memref<256x128xf32, #tpu.memory_space<vmem_shared>>
    tpu.wait_dma2 semaphore(%arg5 : memref<!tpu.dma_semaphore, #tpu.memory_space<semaphore_mem>>) src(%dma_wait3A_1081 : memref<256x128xf32, #tpu.memory_space<vmem_shared>>) dst(%dma_wait3A_1078 : memref<256x128xf32, #tpu.memory_space<hbm>>)
    %dma_wait3A_1082 = arith.constant 0 : i32
    %dma_wait3A_1083 = arith.constant 0 : i32
    %dma_wait3A_1084 = arith.constant 0 : i32
    %dma_wait3A_1085 = tpu.memref_slice %arg3[%add3A_833, %dma_wait3A_1083, %dma_wait3A_1084] : memref<2048x256x128xf32, #tpu.memory_space<hbm>> -> memref<1x256x128xf32, #tpu.memory_space<hbm>>
    %dma_wait3A_1086 = tpu.memref_squeeze %dma_wait3A_1085 : memref<1x256x128xf32, #tpu.memory_space<hbm>> -> memref<256x128xf32, #tpu.memory_space<hbm>>
    %dma_wait3A_1087 = arith.constant 0 : i32
    %dma_wait3A_1088 = tpu.memref_slice %arg4[%dma_wait3A_1082, %sub3A_831, %dma_wait3A_1087] : memref<8x512x128xf32, #tpu.memory_space<vmem_shared>> -> memref<1x256x128xf32, #tpu.memory_space<vmem_shared>>
    %dma_wait3A_1089 = tpu.memref_squeeze %dma_wait3A_1088 : memref<1x256x128xf32, #tpu.memory_space<vmem_shared>> -> memref<256x128xf32, #tpu.memory_space<vmem_shared>>
    tpu.wait_dma2 semaphore(%arg5 : memref<!tpu.dma_semaphore, #tpu.memory_space<semaphore_mem>>) src(%dma_wait3A_1089 : memref<256x128xf32, #tpu.memory_space<vmem_shared>>) dst(%dma_wait3A_1086 : memref<256x128xf32, #tpu.memory_space<hbm>>)
    %dma_wait3A_1090 = arith.constant 7 : i32
    %dma_wait3A_1091 = arith.constant 0 : i32
    %dma_wait3A_1092 = arith.constant 0 : i32
    %dma_wait3A_1093 = tpu.memref_slice %arg3[%add3A_841, %dma_wait3A_1091, %dma_wait3A_1092] : memref<2048x256x128xf32, #tpu.memory_space<hbm>> -> memref<1x256x128xf32, #tpu.memory_space<hbm>>
    %dma_wait3A_1094 = tpu.memref_squeeze %dma_wait3A_1093 : memref<1x256x128xf32, #tpu.memory_space<hbm>> -> memref<256x128xf32, #tpu.memory_space<hbm>>
    %dma_wait3A_1095 = arith.constant 0 : i32
    %dma_wait3A_1096 = tpu.memref_slice %arg4[%dma_wait3A_1090, %sub3A_839, %dma_wait3A_1095] : memref<8x512x128xf32, #tpu.memory_space<vmem_shared>> -> memref<1x256x128xf32, #tpu.memory_space<vmem_shared>>
    %dma_wait3A_1097 = tpu.memref_squeeze %dma_wait3A_1096 : memref<1x256x128xf32, #tpu.memory_space<vmem_shared>> -> memref<256x128xf32, #tpu.memory_space<vmem_shared>>
    tpu.wait_dma2 semaphore(%arg5 : memref<!tpu.dma_semaphore, #tpu.memory_space<semaphore_mem>>) src(%dma_wait3A_1097 : memref<256x128xf32, #tpu.memory_space<vmem_shared>>) dst(%dma_wait3A_1094 : memref<256x128xf32, #tpu.memory_space<hbm>>)
    %dma_wait3A_1098 = arith.constant 6 : i32
    %dma_wait3A_1099 = arith.constant 0 : i32
    %dma_wait3A_1100 = arith.constant 0 : i32
    %dma_wait3A_1101 = tpu.memref_slice %arg3[%add3A_849, %dma_wait3A_1099, %dma_wait3A_1100] : memref<2048x256x128xf32, #tpu.memory_space<hbm>> -> memref<1x256x128xf32, #tpu.memory_space<hbm>>
    %dma_wait3A_1102 = tpu.memref_squeeze %dma_wait3A_1101 : memref<1x256x128xf32, #tpu.memory_space<hbm>> -> memref<256x128xf32, #tpu.memory_space<hbm>>
    %dma_wait3A_1103 = arith.constant 0 : i32
    %dma_wait3A_1104 = tpu.memref_slice %arg4[%dma_wait3A_1098, %sub3A_847, %dma_wait3A_1103] : memref<8x512x128xf32, #tpu.memory_space<vmem_shared>> -> memref<1x256x128xf32, #tpu.memory_space<vmem_shared>>
    %dma_wait3A_1105 = tpu.memref_squeeze %dma_wait3A_1104 : memref<1x256x128xf32, #tpu.memory_space<vmem_shared>> -> memref<256x128xf32, #tpu.memory_space<vmem_shared>>
    tpu.wait_dma2 semaphore(%arg5 : memref<!tpu.dma_semaphore, #tpu.memory_space<semaphore_mem>>) src(%dma_wait3A_1105 : memref<256x128xf32, #tpu.memory_space<vmem_shared>>) dst(%dma_wait3A_1102 : memref<256x128xf32, #tpu.memory_space<hbm>>)
    %dma_wait3A_1106 = arith.constant 5 : i32
    %dma_wait3A_1107 = arith.constant 0 : i32
    %dma_wait3A_1108 = arith.constant 0 : i32
    %dma_wait3A_1109 = tpu.memref_slice %arg3[%add3A_857, %dma_wait3A_1107, %dma_wait3A_1108] : memref<2048x256x128xf32, #tpu.memory_space<hbm>> -> memref<1x256x128xf32, #tpu.memory_space<hbm>>
    %dma_wait3A_1110 = tpu.memref_squeeze %dma_wait3A_1109 : memref<1x256x128xf32, #tpu.memory_space<hbm>> -> memref<256x128xf32, #tpu.memory_space<hbm>>
    %dma_wait3A_1111 = arith.constant 0 : i32
    %dma_wait3A_1112 = tpu.memref_slice %arg4[%dma_wait3A_1106, %sub3A_855, %dma_wait3A_1111] : memref<8x512x128xf32, #tpu.memory_space<vmem_shared>> -> memref<1x256x128xf32, #tpu.memory_space<vmem_shared>>
    %dma_wait3A_1113 = tpu.memref_squeeze %dma_wait3A_1112 : memref<1x256x128xf32, #tpu.memory_space<vmem_shared>> -> memref<256x128xf32, #tpu.memory_space<vmem_shared>>
    tpu.wait_dma2 semaphore(%arg5 : memref<!tpu.dma_semaphore, #tpu.memory_space<semaphore_mem>>) src(%dma_wait3A_1113 : memref<256x128xf32, #tpu.memory_space<vmem_shared>>) dst(%dma_wait3A_1110 : memref<256x128xf32, #tpu.memory_space<hbm>>)
    %dma_wait3A_1114 = arith.constant 4 : i32
    %dma_wait3A_1115 = arith.constant 0 : i32
    %dma_wait3A_1116 = arith.constant 0 : i32
    %dma_wait3A_1117 = tpu.memref_slice %arg3[%add3A_865, %dma_wait3A_1115, %dma_wait3A_1116] : memref<2048x256x128xf32, #tpu.memory_space<hbm>> -> memref<1x256x128xf32, #tpu.memory_space<hbm>>
    %dma_wait3A_1118 = tpu.memref_squeeze %dma_wait3A_1117 : memref<1x256x128xf32, #tpu.memory_space<hbm>> -> memref<256x128xf32, #tpu.memory_space<hbm>>
    %dma_wait3A_1119 = arith.constant 0 : i32
    %dma_wait3A_1120 = tpu.memref_slice %arg4[%dma_wait3A_1114, %sub3A_863, %dma_wait3A_1119] : memref<8x512x128xf32, #tpu.memory_space<vmem_shared>> -> memref<1x256x128xf32, #tpu.memory_space<vmem_shared>>
    %dma_wait3A_1121 = tpu.memref_squeeze %dma_wait3A_1120 : memref<1x256x128xf32, #tpu.memory_space<vmem_shared>> -> memref<256x128xf32, #tpu.memory_space<vmem_shared>>
    tpu.wait_dma2 semaphore(%arg5 : memref<!tpu.dma_semaphore, #tpu.memory_space<semaphore_mem>>) src(%dma_wait3A_1121 : memref<256x128xf32, #tpu.memory_space<vmem_shared>>) dst(%dma_wait3A_1118 : memref<256x128xf32, #tpu.memory_space<hbm>>)
    %dma_wait3A_1122 = arith.constant 3 : i32
    %dma_wait3A_1123 = arith.constant 0 : i32
    %dma_wait3A_1124 = arith.constant 0 : i32
    %dma_wait3A_1125 = tpu.memref_slice %arg3[%add3A_873, %dma_wait3A_1123, %dma_wait3A_1124] : memref<2048x256x128xf32, #tpu.memory_space<hbm>> -> memref<1x256x128xf32, #tpu.memory_space<hbm>>
    %dma_wait3A_1126 = tpu.memref_squeeze %dma_wait3A_1125 : memref<1x256x128xf32, #tpu.memory_space<hbm>> -> memref<256x128xf32, #tpu.memory_space<hbm>>
    %dma_wait3A_1127 = arith.constant 0 : i32
    %dma_wait3A_1128 = tpu.memref_slice %arg4[%dma_wait3A_1122, %sub3A_871, %dma_wait3A_1127] : memref<8x512x128xf32, #tpu.memory_space<vmem_shared>> -> memref<1x256x128xf32, #tpu.memory_space<vmem_shared>>
    %dma_wait3A_1129 = tpu.memref_squeeze %dma_wait3A_1128 : memref<1x256x128xf32, #tpu.memory_space<vmem_shared>> -> memref<256x128xf32, #tpu.memory_space<vmem_shared>>
    tpu.wait_dma2 semaphore(%arg5 : memref<!tpu.dma_semaphore, #tpu.memory_space<semaphore_mem>>) src(%dma_wait3A_1129 : memref<256x128xf32, #tpu.memory_space<vmem_shared>>) dst(%dma_wait3A_1126 : memref<256x128xf32, #tpu.memory_space<hbm>>)
    %dma_wait3A_1130 = arith.constant 2 : i32
    %dma_wait3A_1131 = arith.constant 0 : i32
    %dma_wait3A_1132 = arith.constant 0 : i32
    %dma_wait3A_1133 = tpu.memref_slice %arg3[%add3A_881, %dma_wait3A_1131, %dma_wait3A_1132] : memref<2048x256x128xf32, #tpu.memory_space<hbm>> -> memref<1x256x128xf32, #tpu.memory_space<hbm>>
    %dma_wait3A_1134 = tpu.memref_squeeze %dma_wait3A_1133 : memref<1x256x128xf32, #tpu.memory_space<hbm>> -> memref<256x128xf32, #tpu.memory_space<hbm>>
    %dma_wait3A_1135 = arith.constant 0 : i32
    %dma_wait3A_1136 = tpu.memref_slice %arg4[%dma_wait3A_1130, %sub3A_879, %dma_wait3A_1135] : memref<8x512x128xf32, #tpu.memory_space<vmem_shared>> -> memref<1x256x128xf32, #tpu.memory_space<vmem_shared>>
    %dma_wait3A_1137 = tpu.memref_squeeze %dma_wait3A_1136 : memref<1x256x128xf32, #tpu.memory_space<vmem_shared>> -> memref<256x128xf32, #tpu.memory_space<vmem_shared>>
    tpu.wait_dma2 semaphore(%arg5 : memref<!tpu.dma_semaphore, #tpu.memory_space<semaphore_mem>>) src(%dma_wait3A_1137 : memref<256x128xf32, #tpu.memory_space<vmem_shared>>) dst(%dma_wait3A_1134 : memref<256x128xf32, #tpu.memory_space<hbm>>)
    %dma_wait3A_1138 = arith.constant 1 : i32
    %dma_wait3A_1139 = arith.constant 0 : i32
    %dma_wait3A_1140 = arith.constant 0 : i32
    %dma_wait3A_1141 = tpu.memref_slice %arg3[%add3A_889, %dma_wait3A_1139, %dma_wait3A_1140] : memref<2048x256x128xf32, #tpu.memory_space<hbm>> -> memref<1x256x128xf32, #tpu.memory_space<hbm>>
    %dma_wait3A_1142 = tpu.memref_squeeze %dma_wait3A_1141 : memref<1x256x128xf32, #tpu.memory_space<hbm>> -> memref<256x128xf32, #tpu.memory_space<hbm>>
    %dma_wait3A_1143 = arith.constant 0 : i32
    %dma_wait3A_1144 = tpu.memref_slice %arg4[%dma_wait3A_1138, %sub3A_887, %dma_wait3A_1143] : memref<8x512x128xf32, #tpu.memory_space<vmem_shared>> -> memref<1x256x128xf32, #tpu.memory_space<vmem_shared>>
    %dma_wait3A_1145 = tpu.memref_squeeze %dma_wait3A_1144 : memref<1x256x128xf32, #tpu.memory_space<vmem_shared>> -> memref<256x128xf32, #tpu.memory_space<vmem_shared>>
    tpu.wait_dma2 semaphore(%arg5 : memref<!tpu.dma_semaphore, #tpu.memory_space<semaphore_mem>>) src(%dma_wait3A_1145 : memref<256x128xf32, #tpu.memory_space<vmem_shared>>) dst(%dma_wait3A_1142 : memref<256x128xf32, #tpu.memory_space<hbm>>)
    %dma_wait3A_1146 = arith.constant 0 : i32
    %dma_wait3A_1147 = arith.constant 0 : i32
    %dma_wait3A_1148 = arith.constant 0 : i32
    %dma_wait3A_1149 = tpu.memref_slice %arg3[%add3A_897, %dma_wait3A_1147, %dma_wait3A_1148] : memref<2048x256x128xf32, #tpu.memory_space<hbm>> -> memref<1x256x128xf32, #tpu.memory_space<hbm>>
    %dma_wait3A_1150 = tpu.memref_squeeze %dma_wait3A_1149 : memref<1x256x128xf32, #tpu.memory_space<hbm>> -> memref<256x128xf32, #tpu.memory_space<hbm>>
    %dma_wait3A_1151 = arith.constant 0 : i32
    %dma_wait3A_1152 = tpu.memref_slice %arg4[%dma_wait3A_1146, %sub3A_895, %dma_wait3A_1151] : memref<8x512x128xf32, #tpu.memory_space<vmem_shared>> -> memref<1x256x128xf32, #tpu.memory_space<vmem_shared>>
    %dma_wait3A_1153 = tpu.memref_squeeze %dma_wait3A_1152 : memref<1x256x128xf32, #tpu.memory_space<vmem_shared>> -> memref<256x128xf32, #tpu.memory_space<vmem_shared>>
    tpu.wait_dma2 semaphore(%arg5 : memref<!tpu.dma_semaphore, #tpu.memory_space<semaphore_mem>>) src(%dma_wait3A_1153 : memref<256x128xf32, #tpu.memory_space<vmem_shared>>) dst(%dma_wait3A_1150 : memref<256x128xf32, #tpu.memory_space<hbm>>)
    %mul3A_1154 = arith.constant 8 : i32
    %mul3A_1155 = arith.muli %mul3A_1154, %add3A : i32
    %sub3A_1156 = arith.constant 255 : i32
    %sub3A_1157 = arith.subi %sub3A_1156, %mul3A_1155 : i32
    %sub3A_1158 = arith.constant 6 : i32
    %sub3A_1159 = arith.subi %sub3A_1157, %sub3A_1158 : i32
    %add3A_1160 = arith.constant 48 : i32
    %add3A_1161 = arith.addi %mul3A_4, %add3A_1160 : i32
    %mul3A_1162 = arith.constant 8 : i32
    %mul3A_1163 = arith.muli %mul3A_1162, %add3A : i32
    %sub3A_1164 = arith.constant 255 : i32
    %sub3A_1165 = arith.subi %sub3A_1164, %mul3A_1163 : i32
    %sub3A_1166 = arith.constant 6 : i32
    %sub3A_1167 = arith.subi %sub3A_1165, %sub3A_1166 : i32
    %add3A_1168 = arith.constant 49 : i32
    %add3A_1169 = arith.addi %mul3A_4, %add3A_1168 : i32
    %mul3A_1170 = arith.constant 8 : i32
    %mul3A_1171 = arith.muli %mul3A_1170, %add3A : i32
    %sub3A_1172 = arith.constant 255 : i32
    %sub3A_1173 = arith.subi %sub3A_1172, %mul3A_1171 : i32
    %sub3A_1174 = arith.constant 6 : i32
    %sub3A_1175 = arith.subi %sub3A_1173, %sub3A_1174 : i32
    %add3A_1176 = arith.constant 50 : i32
    %add3A_1177 = arith.addi %mul3A_4, %add3A_1176 : i32
    %mul3A_1178 = arith.constant 8 : i32
    %mul3A_1179 = arith.muli %mul3A_1178, %add3A : i32
    %sub3A_1180 = arith.constant 255 : i32
    %sub3A_1181 = arith.subi %sub3A_1180, %mul3A_1179 : i32
    %sub3A_1182 = arith.constant 6 : i32
    %sub3A_1183 = arith.subi %sub3A_1181, %sub3A_1182 : i32
    %add3A_1184 = arith.constant 51 : i32
    %add3A_1185 = arith.addi %mul3A_4, %add3A_1184 : i32
    %mul3A_1186 = arith.constant 8 : i32
    %mul3A_1187 = arith.muli %mul3A_1186, %add3A : i32
    %sub3A_1188 = arith.constant 255 : i32
    %sub3A_1189 = arith.subi %sub3A_1188, %mul3A_1187 : i32
    %sub3A_1190 = arith.constant 6 : i32
    %sub3A_1191 = arith.subi %sub3A_1189, %sub3A_1190 : i32
    %add3A_1192 = arith.constant 52 : i32
    %add3A_1193 = arith.addi %mul3A_4, %add3A_1192 : i32
    %mul3A_1194 = arith.constant 8 : i32
    %mul3A_1195 = arith.muli %mul3A_1194, %add3A : i32
    %sub3A_1196 = arith.constant 255 : i32
    %sub3A_1197 = arith.subi %sub3A_1196, %mul3A_1195 : i32
    %sub3A_1198 = arith.constant 6 : i32
    %sub3A_1199 = arith.subi %sub3A_1197, %sub3A_1198 : i32
    %add3A_1200 = arith.constant 53 : i32
    %add3A_1201 = arith.addi %mul3A_4, %add3A_1200 : i32
    %mul3A_1202 = arith.constant 8 : i32
    %mul3A_1203 = arith.muli %mul3A_1202, %add3A : i32
    %sub3A_1204 = arith.constant 255 : i32
    %sub3A_1205 = arith.subi %sub3A_1204, %mul3A_1203 : i32
    %sub3A_1206 = arith.constant 6 : i32
    %sub3A_1207 = arith.subi %sub3A_1205, %sub3A_1206 : i32
    %add3A_1208 = arith.constant 54 : i32
    %add3A_1209 = arith.addi %mul3A_4, %add3A_1208 : i32
    %mul3A_1210 = arith.constant 8 : i32
    %mul3A_1211 = arith.muli %mul3A_1210, %add3A : i32
    %sub3A_1212 = arith.constant 255 : i32
    %sub3A_1213 = arith.subi %sub3A_1212, %mul3A_1211 : i32
    %sub3A_1214 = arith.constant 6 : i32
    %sub3A_1215 = arith.subi %sub3A_1213, %sub3A_1214 : i32
    %add3A_1216 = arith.constant 55 : i32
    %add3A_1217 = arith.addi %mul3A_4, %add3A_1216 : i32
    %mul3A_1218 = arith.constant 8 : i32
    %mul3A_1219 = arith.muli %mul3A_1218, %add3A : i32
    %sub3A_1220 = arith.constant 255 : i32
    %sub3A_1221 = arith.subi %sub3A_1220, %mul3A_1219 : i32
    %sub3A_1222 = arith.constant 7 : i32
    %sub3A_1223 = arith.subi %sub3A_1221, %sub3A_1222 : i32
    %add3A_1224 = arith.constant 56 : i32
    %add3A_1225 = arith.addi %mul3A_4, %add3A_1224 : i32
    %mul3A_1226 = arith.constant 8 : i32
    %mul3A_1227 = arith.muli %mul3A_1226, %add3A : i32
    %sub3A_1228 = arith.constant 255 : i32
    %sub3A_1229 = arith.subi %sub3A_1228, %mul3A_1227 : i32
    %sub3A_1230 = arith.constant 7 : i32
    %sub3A_1231 = arith.subi %sub3A_1229, %sub3A_1230 : i32
    %add3A_1232 = arith.constant 57 : i32
    %add3A_1233 = arith.addi %mul3A_4, %add3A_1232 : i32
    %mul3A_1234 = arith.constant 8 : i32
    %mul3A_1235 = arith.muli %mul3A_1234, %add3A : i32
    %sub3A_1236 = arith.constant 255 : i32
    %sub3A_1237 = arith.subi %sub3A_1236, %mul3A_1235 : i32
    %sub3A_1238 = arith.constant 7 : i32
    %sub3A_1239 = arith.subi %sub3A_1237, %sub3A_1238 : i32
    %add3A_1240 = arith.constant 58 : i32
    %add3A_1241 = arith.addi %mul3A_4, %add3A_1240 : i32
    %mul3A_1242 = arith.constant 8 : i32
    %mul3A_1243 = arith.muli %mul3A_1242, %add3A : i32
    %sub3A_1244 = arith.constant 255 : i32
    %sub3A_1245 = arith.subi %sub3A_1244, %mul3A_1243 : i32
    %sub3A_1246 = arith.constant 7 : i32
    %sub3A_1247 = arith.subi %sub3A_1245, %sub3A_1246 : i32
    %add3A_1248 = arith.constant 59 : i32
    %add3A_1249 = arith.addi %mul3A_4, %add3A_1248 : i32
    %mul3A_1250 = arith.constant 8 : i32
    %mul3A_1251 = arith.muli %mul3A_1250, %add3A : i32
    %sub3A_1252 = arith.constant 255 : i32
    %sub3A_1253 = arith.subi %sub3A_1252, %mul3A_1251 : i32
    %sub3A_1254 = arith.constant 7 : i32
    %sub3A_1255 = arith.subi %sub3A_1253, %sub3A_1254 : i32
    %add3A_1256 = arith.constant 60 : i32
    %add3A_1257 = arith.addi %mul3A_4, %add3A_1256 : i32
    %mul3A_1258 = arith.constant 8 : i32
    %mul3A_1259 = arith.muli %mul3A_1258, %add3A : i32
    %sub3A_1260 = arith.constant 255 : i32
    %sub3A_1261 = arith.subi %sub3A_1260, %mul3A_1259 : i32
    %sub3A_1262 = arith.constant 7 : i32
    %sub3A_1263 = arith.subi %sub3A_1261, %sub3A_1262 : i32
    %add3A_1264 = arith.constant 61 : i32
    %add3A_1265 = arith.addi %mul3A_4, %add3A_1264 : i32
    %mul3A_1266 = arith.constant 8 : i32
    %mul3A_1267 = arith.muli %mul3A_1266, %add3A : i32
    %sub3A_1268 = arith.constant 255 : i32
    %sub3A_1269 = arith.subi %sub3A_1268, %mul3A_1267 : i32
    %sub3A_1270 = arith.constant 7 : i32
    %sub3A_1271 = arith.subi %sub3A_1269, %sub3A_1270 : i32
    %add3A_1272 = arith.constant 62 : i32
    %add3A_1273 = arith.addi %mul3A_4, %add3A_1272 : i32
    %mul3A_1274 = arith.constant 8 : i32
    %mul3A_1275 = arith.muli %mul3A_1274, %add3A : i32
    %sub3A_1276 = arith.constant 255 : i32
    %sub3A_1277 = arith.subi %sub3A_1276, %mul3A_1275 : i32
    %sub3A_1278 = arith.constant 7 : i32
    %sub3A_1279 = arith.subi %sub3A_1277, %sub3A_1278 : i32
    %add3A_1280 = arith.constant 63 : i32
    %add3A_1281 = arith.addi %mul3A_4, %add3A_1280 : i32
    %dma_start3A_1282 = arith.constant 7 : i32
    %dma_start3A_1283 = arith.constant 0 : i32
    %dma_start3A_1284 = arith.constant 0 : i32
    %dma_start3A_1285 = tpu.memref_slice %arg3[%add3A_1161, %dma_start3A_1283, %dma_start3A_1284] : memref<2048x256x128xf32, #tpu.memory_space<hbm>> -> memref<1x256x128xf32, #tpu.memory_space<hbm>>
    %dma_start3A_1286 = tpu.memref_squeeze %dma_start3A_1285 : memref<1x256x128xf32, #tpu.memory_space<hbm>> -> memref<256x128xf32, #tpu.memory_space<hbm>>
    %dma_start3A_1287 = arith.constant 0 : i32
    %dma_start3A_1288 = tpu.memref_slice %arg4[%dma_start3A_1282, %sub3A_1159, %dma_start3A_1287] : memref<8x512x128xf32, #tpu.memory_space<vmem_shared>> -> memref<1x256x128xf32, #tpu.memory_space<vmem_shared>>
    %dma_start3A_1289 = tpu.memref_squeeze %dma_start3A_1288 : memref<1x256x128xf32, #tpu.memory_space<vmem_shared>> -> memref<256x128xf32, #tpu.memory_space<vmem_shared>>
    tpu.enqueue_dma source(%dma_start3A_1289 : memref<256x128xf32, #tpu.memory_space<vmem_shared>>) target(%dma_start3A_1286 : memref<256x128xf32, #tpu.memory_space<hbm>>) target_semaphore(%arg5 : memref<!tpu.dma_semaphore, #tpu.memory_space<semaphore_mem>>)
    %dma_start3A_1290 = arith.constant 6 : i32
    %dma_start3A_1291 = arith.constant 0 : i32
    %dma_start3A_1292 = arith.constant 0 : i32
    %dma_start3A_1293 = tpu.memref_slice %arg3[%add3A_1169, %dma_start3A_1291, %dma_start3A_1292] : memref<2048x256x128xf32, #tpu.memory_space<hbm>> -> memref<1x256x128xf32, #tpu.memory_space<hbm>>
    %dma_start3A_1294 = tpu.memref_squeeze %dma_start3A_1293 : memref<1x256x128xf32, #tpu.memory_space<hbm>> -> memref<256x128xf32, #tpu.memory_space<hbm>>
    %dma_start3A_1295 = arith.constant 0 : i32
    %dma_start3A_1296 = tpu.memref_slice %arg4[%dma_start3A_1290, %sub3A_1167, %dma_start3A_1295] : memref<8x512x128xf32, #tpu.memory_space<vmem_shared>> -> memref<1x256x128xf32, #tpu.memory_space<vmem_shared>>
    %dma_start3A_1297 = tpu.memref_squeeze %dma_start3A_1296 : memref<1x256x128xf32, #tpu.memory_space<vmem_shared>> -> memref<256x128xf32, #tpu.memory_space<vmem_shared>>
    tpu.enqueue_dma source(%dma_start3A_1297 : memref<256x128xf32, #tpu.memory_space<vmem_shared>>) target(%dma_start3A_1294 : memref<256x128xf32, #tpu.memory_space<hbm>>) target_semaphore(%arg5 : memref<!tpu.dma_semaphore, #tpu.memory_space<semaphore_mem>>)
    %dma_start3A_1298 = arith.constant 5 : i32
    %dma_start3A_1299 = arith.constant 0 : i32
    %dma_start3A_1300 = arith.constant 0 : i32
    %dma_start3A_1301 = tpu.memref_slice %arg3[%add3A_1177, %dma_start3A_1299, %dma_start3A_1300] : memref<2048x256x128xf32, #tpu.memory_space<hbm>> -> memref<1x256x128xf32, #tpu.memory_space<hbm>>
    %dma_start3A_1302 = tpu.memref_squeeze %dma_start3A_1301 : memref<1x256x128xf32, #tpu.memory_space<hbm>> -> memref<256x128xf32, #tpu.memory_space<hbm>>
    %dma_start3A_1303 = arith.constant 0 : i32
    %dma_start3A_1304 = tpu.memref_slice %arg4[%dma_start3A_1298, %sub3A_1175, %dma_start3A_1303] : memref<8x512x128xf32, #tpu.memory_space<vmem_shared>> -> memref<1x256x128xf32, #tpu.memory_space<vmem_shared>>
    %dma_start3A_1305 = tpu.memref_squeeze %dma_start3A_1304 : memref<1x256x128xf32, #tpu.memory_space<vmem_shared>> -> memref<256x128xf32, #tpu.memory_space<vmem_shared>>
    tpu.enqueue_dma source(%dma_start3A_1305 : memref<256x128xf32, #tpu.memory_space<vmem_shared>>) target(%dma_start3A_1302 : memref<256x128xf32, #tpu.memory_space<hbm>>) target_semaphore(%arg5 : memref<!tpu.dma_semaphore, #tpu.memory_space<semaphore_mem>>)
    %dma_start3A_1306 = arith.constant 4 : i32
    %dma_start3A_1307 = arith.constant 0 : i32
    %dma_start3A_1308 = arith.constant 0 : i32
    %dma_start3A_1309 = tpu.memref_slice %arg3[%add3A_1185, %dma_start3A_1307, %dma_start3A_1308] : memref<2048x256x128xf32, #tpu.memory_space<hbm>> -> memref<1x256x128xf32, #tpu.memory_space<hbm>>
    %dma_start3A_1310 = tpu.memref_squeeze %dma_start3A_1309 : memref<1x256x128xf32, #tpu.memory_space<hbm>> -> memref<256x128xf32, #tpu.memory_space<hbm>>
    %dma_start3A_1311 = arith.constant 0 : i32
    %dma_start3A_1312 = tpu.memref_slice %arg4[%dma_start3A_1306, %sub3A_1183, %dma_start3A_1311] : memref<8x512x128xf32, #tpu.memory_space<vmem_shared>> -> memref<1x256x128xf32, #tpu.memory_space<vmem_shared>>
    %dma_start3A_1313 = tpu.memref_squeeze %dma_start3A_1312 : memref<1x256x128xf32, #tpu.memory_space<vmem_shared>> -> memref<256x128xf32, #tpu.memory_space<vmem_shared>>
    tpu.enqueue_dma source(%dma_start3A_1313 : memref<256x128xf32, #tpu.memory_space<vmem_shared>>) target(%dma_start3A_1310 : memref<256x128xf32, #tpu.memory_space<hbm>>) target_semaphore(%arg5 : memref<!tpu.dma_semaphore, #tpu.memory_space<semaphore_mem>>)
    %dma_start3A_1314 = arith.constant 3 : i32
    %dma_start3A_1315 = arith.constant 0 : i32
    %dma_start3A_1316 = arith.constant 0 : i32
    %dma_start3A_1317 = tpu.memref_slice %arg3[%add3A_1193, %dma_start3A_1315, %dma_start3A_1316] : memref<2048x256x128xf32, #tpu.memory_space<hbm>> -> memref<1x256x128xf32, #tpu.memory_space<hbm>>
    %dma_start3A_1318 = tpu.memref_squeeze %dma_start3A_1317 : memref<1x256x128xf32, #tpu.memory_space<hbm>> -> memref<256x128xf32, #tpu.memory_space<hbm>>
    %dma_start3A_1319 = arith.constant 0 : i32
    %dma_start3A_1320 = tpu.memref_slice %arg4[%dma_start3A_1314, %sub3A_1191, %dma_start3A_1319] : memref<8x512x128xf32, #tpu.memory_space<vmem_shared>> -> memref<1x256x128xf32, #tpu.memory_space<vmem_shared>>
    %dma_start3A_1321 = tpu.memref_squeeze %dma_start3A_1320 : memref<1x256x128xf32, #tpu.memory_space<vmem_shared>> -> memref<256x128xf32, #tpu.memory_space<vmem_shared>>
    tpu.enqueue_dma source(%dma_start3A_1321 : memref<256x128xf32, #tpu.memory_space<vmem_shared>>) target(%dma_start3A_1318 : memref<256x128xf32, #tpu.memory_space<hbm>>) target_semaphore(%arg5 : memref<!tpu.dma_semaphore, #tpu.memory_space<semaphore_mem>>)
    %dma_start3A_1322 = arith.constant 2 : i32
    %dma_start3A_1323 = arith.constant 0 : i32
    %dma_start3A_1324 = arith.constant 0 : i32
    %dma_start3A_1325 = tpu.memref_slice %arg3[%add3A_1201, %dma_start3A_1323, %dma_start3A_1324] : memref<2048x256x128xf32, #tpu.memory_space<hbm>> -> memref<1x256x128xf32, #tpu.memory_space<hbm>>
    %dma_start3A_1326 = tpu.memref_squeeze %dma_start3A_1325 : memref<1x256x128xf32, #tpu.memory_space<hbm>> -> memref<256x128xf32, #tpu.memory_space<hbm>>
    %dma_start3A_1327 = arith.constant 0 : i32
    %dma_start3A_1328 = tpu.memref_slice %arg4[%dma_start3A_1322, %sub3A_1199, %dma_start3A_1327] : memref<8x512x128xf32, #tpu.memory_space<vmem_shared>> -> memref<1x256x128xf32, #tpu.memory_space<vmem_shared>>
    %dma_start3A_1329 = tpu.memref_squeeze %dma_start3A_1328 : memref<1x256x128xf32, #tpu.memory_space<vmem_shared>> -> memref<256x128xf32, #tpu.memory_space<vmem_shared>>
    tpu.enqueue_dma source(%dma_start3A_1329 : memref<256x128xf32, #tpu.memory_space<vmem_shared>>) target(%dma_start3A_1326 : memref<256x128xf32, #tpu.memory_space<hbm>>) target_semaphore(%arg5 : memref<!tpu.dma_semaphore, #tpu.memory_space<semaphore_mem>>)
    %dma_start3A_1330 = arith.constant 1 : i32
    %dma_start3A_1331 = arith.constant 0 : i32
    %dma_start3A_1332 = arith.constant 0 : i32
    %dma_start3A_1333 = tpu.memref_slice %arg3[%add3A_1209, %dma_start3A_1331, %dma_start3A_1332] : memref<2048x256x128xf32, #tpu.memory_space<hbm>> -> memref<1x256x128xf32, #tpu.memory_space<hbm>>
    %dma_start3A_1334 = tpu.memref_squeeze %dma_start3A_1333 : memref<1x256x128xf32, #tpu.memory_space<hbm>> -> memref<256x128xf32, #tpu.memory_space<hbm>>
    %dma_start3A_1335 = arith.constant 0 : i32
    %dma_start3A_1336 = tpu.memref_slice %arg4[%dma_start3A_1330, %sub3A_1207, %dma_start3A_1335] : memref<8x512x128xf32, #tpu.memory_space<vmem_shared>> -> memref<1x256x128xf32, #tpu.memory_space<vmem_shared>>
    %dma_start3A_1337 = tpu.memref_squeeze %dma_start3A_1336 : memref<1x256x128xf32, #tpu.memory_space<vmem_shared>> -> memref<256x128xf32, #tpu.memory_space<vmem_shared>>
    tpu.enqueue_dma source(%dma_start3A_1337 : memref<256x128xf32, #tpu.memory_space<vmem_shared>>) target(%dma_start3A_1334 : memref<256x128xf32, #tpu.memory_space<hbm>>) target_semaphore(%arg5 : memref<!tpu.dma_semaphore, #tpu.memory_space<semaphore_mem>>)
    %dma_start3A_1338 = arith.constant 0 : i32
    %dma_start3A_1339 = arith.constant 0 : i32
    %dma_start3A_1340 = arith.constant 0 : i32
    %dma_start3A_1341 = tpu.memref_slice %arg3[%add3A_1217, %dma_start3A_1339, %dma_start3A_1340] : memref<2048x256x128xf32, #tpu.memory_space<hbm>> -> memref<1x256x128xf32, #tpu.memory_space<hbm>>
    %dma_start3A_1342 = tpu.memref_squeeze %dma_start3A_1341 : memref<1x256x128xf32, #tpu.memory_space<hbm>> -> memref<256x128xf32, #tpu.memory_space<hbm>>
    %dma_start3A_1343 = arith.constant 0 : i32
    %dma_start3A_1344 = tpu.memref_slice %arg4[%dma_start3A_1338, %sub3A_1215, %dma_start3A_1343] : memref<8x512x128xf32, #tpu.memory_space<vmem_shared>> -> memref<1x256x128xf32, #tpu.memory_space<vmem_shared>>
    %dma_start3A_1345 = tpu.memref_squeeze %dma_start3A_1344 : memref<1x256x128xf32, #tpu.memory_space<vmem_shared>> -> memref<256x128xf32, #tpu.memory_space<vmem_shared>>
    tpu.enqueue_dma source(%dma_start3A_1345 : memref<256x128xf32, #tpu.memory_space<vmem_shared>>) target(%dma_start3A_1342 : memref<256x128xf32, #tpu.memory_space<hbm>>) target_semaphore(%arg5 : memref<!tpu.dma_semaphore, #tpu.memory_space<semaphore_mem>>)
    %dma_start3A_1346 = arith.constant 7 : i32
    %dma_start3A_1347 = arith.constant 0 : i32
    %dma_start3A_1348 = arith.constant 0 : i32
    %dma_start3A_1349 = tpu.memref_slice %arg3[%add3A_1225, %dma_start3A_1347, %dma_start3A_1348] : memref<2048x256x128xf32, #tpu.memory_space<hbm>> -> memref<1x256x128xf32, #tpu.memory_space<hbm>>
    %dma_start3A_1350 = tpu.memref_squeeze %dma_start3A_1349 : memref<1x256x128xf32, #tpu.memory_space<hbm>> -> memref<256x128xf32, #tpu.memory_space<hbm>>
    %dma_start3A_1351 = arith.constant 0 : i32
    %dma_start3A_1352 = tpu.memref_slice %arg4[%dma_start3A_1346, %sub3A_1223, %dma_start3A_1351] : memref<8x512x128xf32, #tpu.memory_space<vmem_shared>> -> memref<1x256x128xf32, #tpu.memory_space<vmem_shared>>
    %dma_start3A_1353 = tpu.memref_squeeze %dma_start3A_1352 : memref<1x256x128xf32, #tpu.memory_space<vmem_shared>> -> memref<256x128xf32, #tpu.memory_space<vmem_shared>>
    tpu.enqueue_dma source(%dma_start3A_1353 : memref<256x128xf32, #tpu.memory_space<vmem_shared>>) target(%dma_start3A_1350 : memref<256x128xf32, #tpu.memory_space<hbm>>) target_semaphore(%arg5 : memref<!tpu.dma_semaphore, #tpu.memory_space<semaphore_mem>>)
    %dma_start3A_1354 = arith.constant 6 : i32
    %dma_start3A_1355 = arith.constant 0 : i32
    %dma_start3A_1356 = arith.constant 0 : i32
    %dma_start3A_1357 = tpu.memref_slice %arg3[%add3A_1233, %dma_start3A_1355, %dma_start3A_1356] : memref<2048x256x128xf32, #tpu.memory_space<hbm>> -> memref<1x256x128xf32, #tpu.memory_space<hbm>>
    %dma_start3A_1358 = tpu.memref_squeeze %dma_start3A_1357 : memref<1x256x128xf32, #tpu.memory_space<hbm>> -> memref<256x128xf32, #tpu.memory_space<hbm>>
    %dma_start3A_1359 = arith.constant 0 : i32
    %dma_start3A_1360 = tpu.memref_slice %arg4[%dma_start3A_1354, %sub3A_1231, %dma_start3A_1359] : memref<8x512x128xf32, #tpu.memory_space<vmem_shared>> -> memref<1x256x128xf32, #tpu.memory_space<vmem_shared>>
    %dma_start3A_1361 = tpu.memref_squeeze %dma_start3A_1360 : memref<1x256x128xf32, #tpu.memory_space<vmem_shared>> -> memref<256x128xf32, #tpu.memory_space<vmem_shared>>
    tpu.enqueue_dma source(%dma_start3A_1361 : memref<256x128xf32, #tpu.memory_space<vmem_shared>>) target(%dma_start3A_1358 : memref<256x128xf32, #tpu.memory_space<hbm>>) target_semaphore(%arg5 : memref<!tpu.dma_semaphore, #tpu.memory_space<semaphore_mem>>)
    %dma_start3A_1362 = arith.constant 5 : i32
    %dma_start3A_1363 = arith.constant 0 : i32
    %dma_start3A_1364 = arith.constant 0 : i32
    %dma_start3A_1365 = tpu.memref_slice %arg3[%add3A_1241, %dma_start3A_1363, %dma_start3A_1364] : memref<2048x256x128xf32, #tpu.memory_space<hbm>> -> memref<1x256x128xf32, #tpu.memory_space<hbm>>
    %dma_start3A_1366 = tpu.memref_squeeze %dma_start3A_1365 : memref<1x256x128xf32, #tpu.memory_space<hbm>> -> memref<256x128xf32, #tpu.memory_space<hbm>>
    %dma_start3A_1367 = arith.constant 0 : i32
    %dma_start3A_1368 = tpu.memref_slice %arg4[%dma_start3A_1362, %sub3A_1239, %dma_start3A_1367] : memref<8x512x128xf32, #tpu.memory_space<vmem_shared>> -> memref<1x256x128xf32, #tpu.memory_space<vmem_shared>>
    %dma_start3A_1369 = tpu.memref_squeeze %dma_start3A_1368 : memref<1x256x128xf32, #tpu.memory_space<vmem_shared>> -> memref<256x128xf32, #tpu.memory_space<vmem_shared>>
    tpu.enqueue_dma source(%dma_start3A_1369 : memref<256x128xf32, #tpu.memory_space<vmem_shared>>) target(%dma_start3A_1366 : memref<256x128xf32, #tpu.memory_space<hbm>>) target_semaphore(%arg5 : memref<!tpu.dma_semaphore, #tpu.memory_space<semaphore_mem>>)
    %dma_start3A_1370 = arith.constant 4 : i32
    %dma_start3A_1371 = arith.constant 0 : i32
    %dma_start3A_1372 = arith.constant 0 : i32
    %dma_start3A_1373 = tpu.memref_slice %arg3[%add3A_1249, %dma_start3A_1371, %dma_start3A_1372] : memref<2048x256x128xf32, #tpu.memory_space<hbm>> -> memref<1x256x128xf32, #tpu.memory_space<hbm>>
    %dma_start3A_1374 = tpu.memref_squeeze %dma_start3A_1373 : memref<1x256x128xf32, #tpu.memory_space<hbm>> -> memref<256x128xf32, #tpu.memory_space<hbm>>
    %dma_start3A_1375 = arith.constant 0 : i32
    %dma_start3A_1376 = tpu.memref_slice %arg4[%dma_start3A_1370, %sub3A_1247, %dma_start3A_1375] : memref<8x512x128xf32, #tpu.memory_space<vmem_shared>> -> memref<1x256x128xf32, #tpu.memory_space<vmem_shared>>
    %dma_start3A_1377 = tpu.memref_squeeze %dma_start3A_1376 : memref<1x256x128xf32, #tpu.memory_space<vmem_shared>> -> memref<256x128xf32, #tpu.memory_space<vmem_shared>>
    tpu.enqueue_dma source(%dma_start3A_1377 : memref<256x128xf32, #tpu.memory_space<vmem_shared>>) target(%dma_start3A_1374 : memref<256x128xf32, #tpu.memory_space<hbm>>) target_semaphore(%arg5 : memref<!tpu.dma_semaphore, #tpu.memory_space<semaphore_mem>>)
    %dma_start3A_1378 = arith.constant 3 : i32
    %dma_start3A_1379 = arith.constant 0 : i32
    %dma_start3A_1380 = arith.constant 0 : i32
    %dma_start3A_1381 = tpu.memref_slice %arg3[%add3A_1257, %dma_start3A_1379, %dma_start3A_1380] : memref<2048x256x128xf32, #tpu.memory_space<hbm>> -> memref<1x256x128xf32, #tpu.memory_space<hbm>>
    %dma_start3A_1382 = tpu.memref_squeeze %dma_start3A_1381 : memref<1x256x128xf32, #tpu.memory_space<hbm>> -> memref<256x128xf32, #tpu.memory_space<hbm>>
    %dma_start3A_1383 = arith.constant 0 : i32
    %dma_start3A_1384 = tpu.memref_slice %arg4[%dma_start3A_1378, %sub3A_1255, %dma_start3A_1383] : memref<8x512x128xf32, #tpu.memory_space<vmem_shared>> -> memref<1x256x128xf32, #tpu.memory_space<vmem_shared>>
    %dma_start3A_1385 = tpu.memref_squeeze %dma_start3A_1384 : memref<1x256x128xf32, #tpu.memory_space<vmem_shared>> -> memref<256x128xf32, #tpu.memory_space<vmem_shared>>
    tpu.enqueue_dma source(%dma_start3A_1385 : memref<256x128xf32, #tpu.memory_space<vmem_shared>>) target(%dma_start3A_1382 : memref<256x128xf32, #tpu.memory_space<hbm>>) target_semaphore(%arg5 : memref<!tpu.dma_semaphore, #tpu.memory_space<semaphore_mem>>)
    %dma_start3A_1386 = arith.constant 2 : i32
    %dma_start3A_1387 = arith.constant 0 : i32
    %dma_start3A_1388 = arith.constant 0 : i32
    %dma_start3A_1389 = tpu.memref_slice %arg3[%add3A_1265, %dma_start3A_1387, %dma_start3A_1388] : memref<2048x256x128xf32, #tpu.memory_space<hbm>> -> memref<1x256x128xf32, #tpu.memory_space<hbm>>
    %dma_start3A_1390 = tpu.memref_squeeze %dma_start3A_1389 : memref<1x256x128xf32, #tpu.memory_space<hbm>> -> memref<256x128xf32, #tpu.memory_space<hbm>>
    %dma_start3A_1391 = arith.constant 0 : i32
    %dma_start3A_1392 = tpu.memref_slice %arg4[%dma_start3A_1386, %sub3A_1263, %dma_start3A_1391] : memref<8x512x128xf32, #tpu.memory_space<vmem_shared>> -> memref<1x256x128xf32, #tpu.memory_space<vmem_shared>>
    %dma_start3A_1393 = tpu.memref_squeeze %dma_start3A_1392 : memref<1x256x128xf32, #tpu.memory_space<vmem_shared>> -> memref<256x128xf32, #tpu.memory_space<vmem_shared>>
    tpu.enqueue_dma source(%dma_start3A_1393 : memref<256x128xf32, #tpu.memory_space<vmem_shared>>) target(%dma_start3A_1390 : memref<256x128xf32, #tpu.memory_space<hbm>>) target_semaphore(%arg5 : memref<!tpu.dma_semaphore, #tpu.memory_space<semaphore_mem>>)
    %dma_start3A_1394 = arith.constant 1 : i32
    %dma_start3A_1395 = arith.constant 0 : i32
    %dma_start3A_1396 = arith.constant 0 : i32
    %dma_start3A_1397 = tpu.memref_slice %arg3[%add3A_1273, %dma_start3A_1395, %dma_start3A_1396] : memref<2048x256x128xf32, #tpu.memory_space<hbm>> -> memref<1x256x128xf32, #tpu.memory_space<hbm>>
    %dma_start3A_1398 = tpu.memref_squeeze %dma_start3A_1397 : memref<1x256x128xf32, #tpu.memory_space<hbm>> -> memref<256x128xf32, #tpu.memory_space<hbm>>
    %dma_start3A_1399 = arith.constant 0 : i32
    %dma_start3A_1400 = tpu.memref_slice %arg4[%dma_start3A_1394, %sub3A_1271, %dma_start3A_1399] : memref<8x512x128xf32, #tpu.memory_space<vmem_shared>> -> memref<1x256x128xf32, #tpu.memory_space<vmem_shared>>
    %dma_start3A_1401 = tpu.memref_squeeze %dma_start3A_1400 : memref<1x256x128xf32, #tpu.memory_space<vmem_shared>> -> memref<256x128xf32, #tpu.memory_space<vmem_shared>>
    tpu.enqueue_dma source(%dma_start3A_1401 : memref<256x128xf32, #tpu.memory_space<vmem_shared>>) target(%dma_start3A_1398 : memref<256x128xf32, #tpu.memory_space<hbm>>) target_semaphore(%arg5 : memref<!tpu.dma_semaphore, #tpu.memory_space<semaphore_mem>>)
    %dma_start3A_1402 = arith.constant 0 : i32
    %dma_start3A_1403 = arith.constant 0 : i32
    %dma_start3A_1404 = arith.constant 0 : i32
    %dma_start3A_1405 = tpu.memref_slice %arg3[%add3A_1281, %dma_start3A_1403, %dma_start3A_1404] : memref<2048x256x128xf32, #tpu.memory_space<hbm>> -> memref<1x256x128xf32, #tpu.memory_space<hbm>>
    %dma_start3A_1406 = tpu.memref_squeeze %dma_start3A_1405 : memref<1x256x128xf32, #tpu.memory_space<hbm>> -> memref<256x128xf32, #tpu.memory_space<hbm>>
    %dma_start3A_1407 = arith.constant 0 : i32
    %dma_start3A_1408 = tpu.memref_slice %arg4[%dma_start3A_1402, %sub3A_1279, %dma_start3A_1407] : memref<8x512x128xf32, #tpu.memory_space<vmem_shared>> -> memref<1x256x128xf32, #tpu.memory_space<vmem_shared>>
    %dma_start3A_1409 = tpu.memref_squeeze %dma_start3A_1408 : memref<1x256x128xf32, #tpu.memory_space<vmem_shared>> -> memref<256x128xf32, #tpu.memory_space<vmem_shared>>
    tpu.enqueue_dma source(%dma_start3A_1409 : memref<256x128xf32, #tpu.memory_space<vmem_shared>>) target(%dma_start3A_1406 : memref<256x128xf32, #tpu.memory_space<hbm>>) target_semaphore(%arg5 : memref<!tpu.dma_semaphore, #tpu.memory_space<semaphore_mem>>)
    %dma_wait3A_1410 = arith.constant 7 : i32
    %dma_wait3A_1411 = arith.constant 0 : i32
    %dma_wait3A_1412 = arith.constant 0 : i32
    %dma_wait3A_1413 = tpu.memref_slice %arg3[%add3A_1161, %dma_wait3A_1411, %dma_wait3A_1412] : memref<2048x256x128xf32, #tpu.memory_space<hbm>> -> memref<1x256x128xf32, #tpu.memory_space<hbm>>
    %dma_wait3A_1414 = tpu.memref_squeeze %dma_wait3A_1413 : memref<1x256x128xf32, #tpu.memory_space<hbm>> -> memref<256x128xf32, #tpu.memory_space<hbm>>
    %dma_wait3A_1415 = arith.constant 0 : i32
    %dma_wait3A_1416 = tpu.memref_slice %arg4[%dma_wait3A_1410, %sub3A_1159, %dma_wait3A_1415] : memref<8x512x128xf32, #tpu.memory_space<vmem_shared>> -> memref<1x256x128xf32, #tpu.memory_space<vmem_shared>>
    %dma_wait3A_1417 = tpu.memref_squeeze %dma_wait3A_1416 : memref<1x256x128xf32, #tpu.memory_space<vmem_shared>> -> memref<256x128xf32, #tpu.memory_space<vmem_shared>>
    tpu.wait_dma2 semaphore(%arg5 : memref<!tpu.dma_semaphore, #tpu.memory_space<semaphore_mem>>) src(%dma_wait3A_1417 : memref<256x128xf32, #tpu.memory_space<vmem_shared>>) dst(%dma_wait3A_1414 : memref<256x128xf32, #tpu.memory_space<hbm>>)
    %dma_wait3A_1418 = arith.constant 6 : i32
    %dma_wait3A_1419 = arith.constant 0 : i32
    %dma_wait3A_1420 = arith.constant 0 : i32
    %dma_wait3A_1421 = tpu.memref_slice %arg3[%add3A_1169, %dma_wait3A_1419, %dma_wait3A_1420] : memref<2048x256x128xf32, #tpu.memory_space<hbm>> -> memref<1x256x128xf32, #tpu.memory_space<hbm>>
    %dma_wait3A_1422 = tpu.memref_squeeze %dma_wait3A_1421 : memref<1x256x128xf32, #tpu.memory_space<hbm>> -> memref<256x128xf32, #tpu.memory_space<hbm>>
    %dma_wait3A_1423 = arith.constant 0 : i32
    %dma_wait3A_1424 = tpu.memref_slice %arg4[%dma_wait3A_1418, %sub3A_1167, %dma_wait3A_1423] : memref<8x512x128xf32, #tpu.memory_space<vmem_shared>> -> memref<1x256x128xf32, #tpu.memory_space<vmem_shared>>
    %dma_wait3A_1425 = tpu.memref_squeeze %dma_wait3A_1424 : memref<1x256x128xf32, #tpu.memory_space<vmem_shared>> -> memref<256x128xf32, #tpu.memory_space<vmem_shared>>
    tpu.wait_dma2 semaphore(%arg5 : memref<!tpu.dma_semaphore, #tpu.memory_space<semaphore_mem>>) src(%dma_wait3A_1425 : memref<256x128xf32, #tpu.memory_space<vmem_shared>>) dst(%dma_wait3A_1422 : memref<256x128xf32, #tpu.memory_space<hbm>>)
    %dma_wait3A_1426 = arith.constant 5 : i32
    %dma_wait3A_1427 = arith.constant 0 : i32
    %dma_wait3A_1428 = arith.constant 0 : i32
    %dma_wait3A_1429 = tpu.memref_slice %arg3[%add3A_1177, %dma_wait3A_1427, %dma_wait3A_1428] : memref<2048x256x128xf32, #tpu.memory_space<hbm>> -> memref<1x256x128xf32, #tpu.memory_space<hbm>>
    %dma_wait3A_1430 = tpu.memref_squeeze %dma_wait3A_1429 : memref<1x256x128xf32, #tpu.memory_space<hbm>> -> memref<256x128xf32, #tpu.memory_space<hbm>>
    %dma_wait3A_1431 = arith.constant 0 : i32
    %dma_wait3A_1432 = tpu.memref_slice %arg4[%dma_wait3A_1426, %sub3A_1175, %dma_wait3A_1431] : memref<8x512x128xf32, #tpu.memory_space<vmem_shared>> -> memref<1x256x128xf32, #tpu.memory_space<vmem_shared>>
    %dma_wait3A_1433 = tpu.memref_squeeze %dma_wait3A_1432 : memref<1x256x128xf32, #tpu.memory_space<vmem_shared>> -> memref<256x128xf32, #tpu.memory_space<vmem_shared>>
    tpu.wait_dma2 semaphore(%arg5 : memref<!tpu.dma_semaphore, #tpu.memory_space<semaphore_mem>>) src(%dma_wait3A_1433 : memref<256x128xf32, #tpu.memory_space<vmem_shared>>) dst(%dma_wait3A_1430 : memref<256x128xf32, #tpu.memory_space<hbm>>)
    %dma_wait3A_1434 = arith.constant 4 : i32
    %dma_wait3A_1435 = arith.constant 0 : i32
    %dma_wait3A_1436 = arith.constant 0 : i32
    %dma_wait3A_1437 = tpu.memref_slice %arg3[%add3A_1185, %dma_wait3A_1435, %dma_wait3A_1436] : memref<2048x256x128xf32, #tpu.memory_space<hbm>> -> memref<1x256x128xf32, #tpu.memory_space<hbm>>
    %dma_wait3A_1438 = tpu.memref_squeeze %dma_wait3A_1437 : memref<1x256x128xf32, #tpu.memory_space<hbm>> -> memref<256x128xf32, #tpu.memory_space<hbm>>
    %dma_wait3A_1439 = arith.constant 0 : i32
    %dma_wait3A_1440 = tpu.memref_slice %arg4[%dma_wait3A_1434, %sub3A_1183, %dma_wait3A_1439] : memref<8x512x128xf32, #tpu.memory_space<vmem_shared>> -> memref<1x256x128xf32, #tpu.memory_space<vmem_shared>>
    %dma_wait3A_1441 = tpu.memref_squeeze %dma_wait3A_1440 : memref<1x256x128xf32, #tpu.memory_space<vmem_shared>> -> memref<256x128xf32, #tpu.memory_space<vmem_shared>>
    tpu.wait_dma2 semaphore(%arg5 : memref<!tpu.dma_semaphore, #tpu.memory_space<semaphore_mem>>) src(%dma_wait3A_1441 : memref<256x128xf32, #tpu.memory_space<vmem_shared>>) dst(%dma_wait3A_1438 : memref<256x128xf32, #tpu.memory_space<hbm>>)
    %dma_wait3A_1442 = arith.constant 3 : i32
    %dma_wait3A_1443 = arith.constant 0 : i32
    %dma_wait3A_1444 = arith.constant 0 : i32
    %dma_wait3A_1445 = tpu.memref_slice %arg3[%add3A_1193, %dma_wait3A_1443, %dma_wait3A_1444] : memref<2048x256x128xf32, #tpu.memory_space<hbm>> -> memref<1x256x128xf32, #tpu.memory_space<hbm>>
    %dma_wait3A_1446 = tpu.memref_squeeze %dma_wait3A_1445 : memref<1x256x128xf32, #tpu.memory_space<hbm>> -> memref<256x128xf32, #tpu.memory_space<hbm>>
    %dma_wait3A_1447 = arith.constant 0 : i32
    %dma_wait3A_1448 = tpu.memref_slice %arg4[%dma_wait3A_1442, %sub3A_1191, %dma_wait3A_1447] : memref<8x512x128xf32, #tpu.memory_space<vmem_shared>> -> memref<1x256x128xf32, #tpu.memory_space<vmem_shared>>
    %dma_wait3A_1449 = tpu.memref_squeeze %dma_wait3A_1448 : memref<1x256x128xf32, #tpu.memory_space<vmem_shared>> -> memref<256x128xf32, #tpu.memory_space<vmem_shared>>
    tpu.wait_dma2 semaphore(%arg5 : memref<!tpu.dma_semaphore, #tpu.memory_space<semaphore_mem>>) src(%dma_wait3A_1449 : memref<256x128xf32, #tpu.memory_space<vmem_shared>>) dst(%dma_wait3A_1446 : memref<256x128xf32, #tpu.memory_space<hbm>>)
    %dma_wait3A_1450 = arith.constant 2 : i32
    %dma_wait3A_1451 = arith.constant 0 : i32
    %dma_wait3A_1452 = arith.constant 0 : i32
    %dma_wait3A_1453 = tpu.memref_slice %arg3[%add3A_1201, %dma_wait3A_1451, %dma_wait3A_1452] : memref<2048x256x128xf32, #tpu.memory_space<hbm>> -> memref<1x256x128xf32, #tpu.memory_space<hbm>>
    %dma_wait3A_1454 = tpu.memref_squeeze %dma_wait3A_1453 : memref<1x256x128xf32, #tpu.memory_space<hbm>> -> memref<256x128xf32, #tpu.memory_space<hbm>>
    %dma_wait3A_1455 = arith.constant 0 : i32
    %dma_wait3A_1456 = tpu.memref_slice %arg4[%dma_wait3A_1450, %sub3A_1199, %dma_wait3A_1455] : memref<8x512x128xf32, #tpu.memory_space<vmem_shared>> -> memref<1x256x128xf32, #tpu.memory_space<vmem_shared>>
    %dma_wait3A_1457 = tpu.memref_squeeze %dma_wait3A_1456 : memref<1x256x128xf32, #tpu.memory_space<vmem_shared>> -> memref<256x128xf32, #tpu.memory_space<vmem_shared>>
    tpu.wait_dma2 semaphore(%arg5 : memref<!tpu.dma_semaphore, #tpu.memory_space<semaphore_mem>>) src(%dma_wait3A_1457 : memref<256x128xf32, #tpu.memory_space<vmem_shared>>) dst(%dma_wait3A_1454 : memref<256x128xf32, #tpu.memory_space<hbm>>)
    %dma_wait3A_1458 = arith.constant 1 : i32
    %dma_wait3A_1459 = arith.constant 0 : i32
    %dma_wait3A_1460 = arith.constant 0 : i32
    %dma_wait3A_1461 = tpu.memref_slice %arg3[%add3A_1209, %dma_wait3A_1459, %dma_wait3A_1460] : memref<2048x256x128xf32, #tpu.memory_space<hbm>> -> memref<1x256x128xf32, #tpu.memory_space<hbm>>
    %dma_wait3A_1462 = tpu.memref_squeeze %dma_wait3A_1461 : memref<1x256x128xf32, #tpu.memory_space<hbm>> -> memref<256x128xf32, #tpu.memory_space<hbm>>
    %dma_wait3A_1463 = arith.constant 0 : i32
    %dma_wait3A_1464 = tpu.memref_slice %arg4[%dma_wait3A_1458, %sub3A_1207, %dma_wait3A_1463] : memref<8x512x128xf32, #tpu.memory_space<vmem_shared>> -> memref<1x256x128xf32, #tpu.memory_space<vmem_shared>>
    %dma_wait3A_1465 = tpu.memref_squeeze %dma_wait3A_1464 : memref<1x256x128xf32, #tpu.memory_space<vmem_shared>> -> memref<256x128xf32, #tpu.memory_space<vmem_shared>>
    tpu.wait_dma2 semaphore(%arg5 : memref<!tpu.dma_semaphore, #tpu.memory_space<semaphore_mem>>) src(%dma_wait3A_1465 : memref<256x128xf32, #tpu.memory_space<vmem_shared>>) dst(%dma_wait3A_1462 : memref<256x128xf32, #tpu.memory_space<hbm>>)
    %dma_wait3A_1466 = arith.constant 0 : i32
    %dma_wait3A_1467 = arith.constant 0 : i32
    %dma_wait3A_1468 = arith.constant 0 : i32
    %dma_wait3A_1469 = tpu.memref_slice %arg3[%add3A_1217, %dma_wait3A_1467, %dma_wait3A_1468] : memref<2048x256x128xf32, #tpu.memory_space<hbm>> -> memref<1x256x128xf32, #tpu.memory_space<hbm>>
    %dma_wait3A_1470 = tpu.memref_squeeze %dma_wait3A_1469 : memref<1x256x128xf32, #tpu.memory_space<hbm>> -> memref<256x128xf32, #tpu.memory_space<hbm>>
    %dma_wait3A_1471 = arith.constant 0 : i32
    %dma_wait3A_1472 = tpu.memref_slice %arg4[%dma_wait3A_1466, %sub3A_1215, %dma_wait3A_1471] : memref<8x512x128xf32, #tpu.memory_space<vmem_shared>> -> memref<1x256x128xf32, #tpu.memory_space<vmem_shared>>
    %dma_wait3A_1473 = tpu.memref_squeeze %dma_wait3A_1472 : memref<1x256x128xf32, #tpu.memory_space<vmem_shared>> -> memref<256x128xf32, #tpu.memory_space<vmem_shared>>
    tpu.wait_dma2 semaphore(%arg5 : memref<!tpu.dma_semaphore, #tpu.memory_space<semaphore_mem>>) src(%dma_wait3A_1473 : memref<256x128xf32, #tpu.memory_space<vmem_shared>>) dst(%dma_wait3A_1470 : memref<256x128xf32, #tpu.memory_space<hbm>>)
    %dma_wait3A_1474 = arith.constant 7 : i32
    %dma_wait3A_1475 = arith.constant 0 : i32
    %dma_wait3A_1476 = arith.constant 0 : i32
    %dma_wait3A_1477 = tpu.memref_slice %arg3[%add3A_1225, %dma_wait3A_1475, %dma_wait3A_1476] : memref<2048x256x128xf32, #tpu.memory_space<hbm>> -> memref<1x256x128xf32, #tpu.memory_space<hbm>>
    %dma_wait3A_1478 = tpu.memref_squeeze %dma_wait3A_1477 : memref<1x256x128xf32, #tpu.memory_space<hbm>> -> memref<256x128xf32, #tpu.memory_space<hbm>>
    %dma_wait3A_1479 = arith.constant 0 : i32
    %dma_wait3A_1480 = tpu.memref_slice %arg4[%dma_wait3A_1474, %sub3A_1223, %dma_wait3A_1479] : memref<8x512x128xf32, #tpu.memory_space<vmem_shared>> -> memref<1x256x128xf32, #tpu.memory_space<vmem_shared>>
    %dma_wait3A_1481 = tpu.memref_squeeze %dma_wait3A_1480 : memref<1x256x128xf32, #tpu.memory_space<vmem_shared>> -> memref<256x128xf32, #tpu.memory_space<vmem_shared>>
    tpu.wait_dma2 semaphore(%arg5 : memref<!tpu.dma_semaphore, #tpu.memory_space<semaphore_mem>>) src(%dma_wait3A_1481 : memref<256x128xf32, #tpu.memory_space<vmem_shared>>) dst(%dma_wait3A_1478 : memref<256x128xf32, #tpu.memory_space<hbm>>)
    %dma_wait3A_1482 = arith.constant 6 : i32
    %dma_wait3A_1483 = arith.constant 0 : i32
    %dma_wait3A_1484 = arith.constant 0 : i32
    %dma_wait3A_1485 = tpu.memref_slice %arg3[%add3A_1233, %dma_wait3A_1483, %dma_wait3A_1484] : memref<2048x256x128xf32, #tpu.memory_space<hbm>> -> memref<1x256x128xf32, #tpu.memory_space<hbm>>
    %dma_wait3A_1486 = tpu.memref_squeeze %dma_wait3A_1485 : memref<1x256x128xf32, #tpu.memory_space<hbm>> -> memref<256x128xf32, #tpu.memory_space<hbm>>
    %dma_wait3A_1487 = arith.constant 0 : i32
    %dma_wait3A_1488 = tpu.memref_slice %arg4[%dma_wait3A_1482, %sub3A_1231, %dma_wait3A_1487] : memref<8x512x128xf32, #tpu.memory_space<vmem_shared>> -> memref<1x256x128xf32, #tpu.memory_space<vmem_shared>>
    %dma_wait3A_1489 = tpu.memref_squeeze %dma_wait3A_1488 : memref<1x256x128xf32, #tpu.memory_space<vmem_shared>> -> memref<256x128xf32, #tpu.memory_space<vmem_shared>>
    tpu.wait_dma2 semaphore(%arg5 : memref<!tpu.dma_semaphore, #tpu.memory_space<semaphore_mem>>) src(%dma_wait3A_1489 : memref<256x128xf32, #tpu.memory_space<vmem_shared>>) dst(%dma_wait3A_1486 : memref<256x128xf32, #tpu.memory_space<hbm>>)
    %dma_wait3A_1490 = arith.constant 5 : i32
    %dma_wait3A_1491 = arith.constant 0 : i32
    %dma_wait3A_1492 = arith.constant 0 : i32
    %dma_wait3A_1493 = tpu.memref_slice %arg3[%add3A_1241, %dma_wait3A_1491, %dma_wait3A_1492] : memref<2048x256x128xf32, #tpu.memory_space<hbm>> -> memref<1x256x128xf32, #tpu.memory_space<hbm>>
    %dma_wait3A_1494 = tpu.memref_squeeze %dma_wait3A_1493 : memref<1x256x128xf32, #tpu.memory_space<hbm>> -> memref<256x128xf32, #tpu.memory_space<hbm>>
    %dma_wait3A_1495 = arith.constant 0 : i32
    %dma_wait3A_1496 = tpu.memref_slice %arg4[%dma_wait3A_1490, %sub3A_1239, %dma_wait3A_1495] : memref<8x512x128xf32, #tpu.memory_space<vmem_shared>> -> memref<1x256x128xf32, #tpu.memory_space<vmem_shared>>
    %dma_wait3A_1497 = tpu.memref_squeeze %dma_wait3A_1496 : memref<1x256x128xf32, #tpu.memory_space<vmem_shared>> -> memref<256x128xf32, #tpu.memory_space<vmem_shared>>
    tpu.wait_dma2 semaphore(%arg5 : memref<!tpu.dma_semaphore, #tpu.memory_space<semaphore_mem>>) src(%dma_wait3A_1497 : memref<256x128xf32, #tpu.memory_space<vmem_shared>>) dst(%dma_wait3A_1494 : memref<256x128xf32, #tpu.memory_space<hbm>>)
    %dma_wait3A_1498 = arith.constant 4 : i32
    %dma_wait3A_1499 = arith.constant 0 : i32
    %dma_wait3A_1500 = arith.constant 0 : i32
    %dma_wait3A_1501 = tpu.memref_slice %arg3[%add3A_1249, %dma_wait3A_1499, %dma_wait3A_1500] : memref<2048x256x128xf32, #tpu.memory_space<hbm>> -> memref<1x256x128xf32, #tpu.memory_space<hbm>>
    %dma_wait3A_1502 = tpu.memref_squeeze %dma_wait3A_1501 : memref<1x256x128xf32, #tpu.memory_space<hbm>> -> memref<256x128xf32, #tpu.memory_space<hbm>>
    %dma_wait3A_1503 = arith.constant 0 : i32
    %dma_wait3A_1504 = tpu.memref_slice %arg4[%dma_wait3A_1498, %sub3A_1247, %dma_wait3A_1503] : memref<8x512x128xf32, #tpu.memory_space<vmem_shared>> -> memref<1x256x128xf32, #tpu.memory_space<vmem_shared>>
    %dma_wait3A_1505 = tpu.memref_squeeze %dma_wait3A_1504 : memref<1x256x128xf32, #tpu.memory_space<vmem_shared>> -> memref<256x128xf32, #tpu.memory_space<vmem_shared>>
    tpu.wait_dma2 semaphore(%arg5 : memref<!tpu.dma_semaphore, #tpu.memory_space<semaphore_mem>>) src(%dma_wait3A_1505 : memref<256x128xf32, #tpu.memory_space<vmem_shared>>) dst(%dma_wait3A_1502 : memref<256x128xf32, #tpu.memory_space<hbm>>)
    %dma_wait3A_1506 = arith.constant 3 : i32
    %dma_wait3A_1507 = arith.constant 0 : i32
    %dma_wait3A_1508 = arith.constant 0 : i32
    %dma_wait3A_1509 = tpu.memref_slice %arg3[%add3A_1257, %dma_wait3A_1507, %dma_wait3A_1508] : memref<2048x256x128xf32, #tpu.memory_space<hbm>> -> memref<1x256x128xf32, #tpu.memory_space<hbm>>
    %dma_wait3A_1510 = tpu.memref_squeeze %dma_wait3A_1509 : memref<1x256x128xf32, #tpu.memory_space<hbm>> -> memref<256x128xf32, #tpu.memory_space<hbm>>
    %dma_wait3A_1511 = arith.constant 0 : i32
    %dma_wait3A_1512 = tpu.memref_slice %arg4[%dma_wait3A_1506, %sub3A_1255, %dma_wait3A_1511] : memref<8x512x128xf32, #tpu.memory_space<vmem_shared>> -> memref<1x256x128xf32, #tpu.memory_space<vmem_shared>>
    %dma_wait3A_1513 = tpu.memref_squeeze %dma_wait3A_1512 : memref<1x256x128xf32, #tpu.memory_space<vmem_shared>> -> memref<256x128xf32, #tpu.memory_space<vmem_shared>>
    tpu.wait_dma2 semaphore(%arg5 : memref<!tpu.dma_semaphore, #tpu.memory_space<semaphore_mem>>) src(%dma_wait3A_1513 : memref<256x128xf32, #tpu.memory_space<vmem_shared>>) dst(%dma_wait3A_1510 : memref<256x128xf32, #tpu.memory_space<hbm>>)
    %dma_wait3A_1514 = arith.constant 2 : i32
    %dma_wait3A_1515 = arith.constant 0 : i32
    %dma_wait3A_1516 = arith.constant 0 : i32
    %dma_wait3A_1517 = tpu.memref_slice %arg3[%add3A_1265, %dma_wait3A_1515, %dma_wait3A_1516] : memref<2048x256x128xf32, #tpu.memory_space<hbm>> -> memref<1x256x128xf32, #tpu.memory_space<hbm>>
    %dma_wait3A_1518 = tpu.memref_squeeze %dma_wait3A_1517 : memref<1x256x128xf32, #tpu.memory_space<hbm>> -> memref<256x128xf32, #tpu.memory_space<hbm>>
    %dma_wait3A_1519 = arith.constant 0 : i32
    %dma_wait3A_1520 = tpu.memref_slice %arg4[%dma_wait3A_1514, %sub3A_1263, %dma_wait3A_1519] : memref<8x512x128xf32, #tpu.memory_space<vmem_shared>> -> memref<1x256x128xf32, #tpu.memory_space<vmem_shared>>
    %dma_wait3A_1521 = tpu.memref_squeeze %dma_wait3A_1520 : memref<1x256x128xf32, #tpu.memory_space<vmem_shared>> -> memref<256x128xf32, #tpu.memory_space<vmem_shared>>
    tpu.wait_dma2 semaphore(%arg5 : memref<!tpu.dma_semaphore, #tpu.memory_space<semaphore_mem>>) src(%dma_wait3A_1521 : memref<256x128xf32, #tpu.memory_space<vmem_shared>>) dst(%dma_wait3A_1518 : memref<256x128xf32, #tpu.memory_space<hbm>>)
    %dma_wait3A_1522 = arith.constant 1 : i32
    %dma_wait3A_1523 = arith.constant 0 : i32
    %dma_wait3A_1524 = arith.constant 0 : i32
    %dma_wait3A_1525 = tpu.memref_slice %arg3[%add3A_1273, %dma_wait3A_1523, %dma_wait3A_1524] : memref<2048x256x128xf32, #tpu.memory_space<hbm>> -> memref<1x256x128xf32, #tpu.memory_space<hbm>>
    %dma_wait3A_1526 = tpu.memref_squeeze %dma_wait3A_1525 : memref<1x256x128xf32, #tpu.memory_space<hbm>> -> memref<256x128xf32, #tpu.memory_space<hbm>>
    %dma_wait3A_1527 = arith.constant 0 : i32
    %dma_wait3A_1528 = tpu.memref_slice %arg4[%dma_wait3A_1522, %sub3A_1271, %dma_wait3A_1527] : memref<8x512x128xf32, #tpu.memory_space<vmem_shared>> -> memref<1x256x128xf32, #tpu.memory_space<vmem_shared>>
    %dma_wait3A_1529 = tpu.memref_squeeze %dma_wait3A_1528 : memref<1x256x128xf32, #tpu.memory_space<vmem_shared>> -> memref<256x128xf32, #tpu.memory_space<vmem_shared>>
    tpu.wait_dma2 semaphore(%arg5 : memref<!tpu.dma_semaphore, #tpu.memory_space<semaphore_mem>>) src(%dma_wait3A_1529 : memref<256x128xf32, #tpu.memory_space<vmem_shared>>) dst(%dma_wait3A_1526 : memref<256x128xf32, #tpu.memory_space<hbm>>)
    %dma_wait3A_1530 = arith.constant 0 : i32
    %dma_wait3A_1531 = arith.constant 0 : i32
    %dma_wait3A_1532 = arith.constant 0 : i32
    %dma_wait3A_1533 = tpu.memref_slice %arg3[%add3A_1281, %dma_wait3A_1531, %dma_wait3A_1532] : memref<2048x256x128xf32, #tpu.memory_space<hbm>> -> memref<1x256x128xf32, #tpu.memory_space<hbm>>
    %dma_wait3A_1534 = tpu.memref_squeeze %dma_wait3A_1533 : memref<1x256x128xf32, #tpu.memory_space<hbm>> -> memref<256x128xf32, #tpu.memory_space<hbm>>
    %dma_wait3A_1535 = arith.constant 0 : i32
    %dma_wait3A_1536 = tpu.memref_slice %arg4[%dma_wait3A_1530, %sub3A_1279, %dma_wait3A_1535] : memref<8x512x128xf32, #tpu.memory_space<vmem_shared>> -> memref<1x256x128xf32, #tpu.memory_space<vmem_shared>>
    %dma_wait3A_1537 = tpu.memref_squeeze %dma_wait3A_1536 : memref<1x256x128xf32, #tpu.memory_space<vmem_shared>> -> memref<256x128xf32, #tpu.memory_space<vmem_shared>>
    tpu.wait_dma2 semaphore(%arg5 : memref<!tpu.dma_semaphore, #tpu.memory_space<semaphore_mem>>) src(%dma_wait3A_1537 : memref<256x128xf32, #tpu.memory_space<vmem_shared>>) dst(%dma_wait3A_1534 : memref<256x128xf32, #tpu.memory_space<hbm>>)
    return
  }
}

module attributes {stable_mosaic.version = 14 : i64} {
  func.func @_build_body(%arg0: memref<513x128xf32, #tpu.memory_space<vmem>>, %arg1: memref<8x512x128xf32, #tpu.memory_space<vmem>>) attributes {dimension_semantics = [], scalar_prefetch = 0 : i64, scratch_operands = 0 : i64, tpu.core_type = #tpu.core_type<tc>} {
    %get3A = arith.constant 0 : index
    %get3A_0 = arith.constant 0 : index
    %get3A_1 = vector.load %arg0[%get3A, %get3A_0] : memref<513x128xf32, #tpu.memory_space<vmem>>, vector<513x128xf32>
    %slice3A = vector.extract_strided_slice %get3A_1 {offsets = [0, 0], sizes = [512, 128], strides = [1, 1]} : vector<513x128xf32> to vector<512x128xf32>
    %swap3A = arith.constant 0 : index
    %swap3A_2 = arith.constant 0 : index
    %swap3A_3 = arith.constant 0 : index
    %swap3A_4 = vector.load %arg1[%swap3A, %swap3A_2, %swap3A_3] : memref<8x512x128xf32, #tpu.memory_space<vmem>>, vector<1x512x128xf32>
    %swap3A_5 = vector.shape_cast %swap3A_4 : vector<1x512x128xf32> to vector<512x128xf32>
    %swap3A_6 = vector.shape_cast %slice3A : vector<512x128xf32> to vector<1x512x128xf32>
    tpu.vector_store %arg1[%swap3A, %swap3A_2, %swap3A_3], %swap3A_6 {strides = array<i32>} : memref<8x512x128xf32, #tpu.memory_space<vmem>>, vector<1x512x128xf32>,
    %slice3A_7 = vector.extract_strided_slice %get3A_1 {offsets = [0, 16], sizes = [512, 112], strides = [1, 1]} : vector<513x128xf32> to vector<512x112xf32>
    %slice3A_8 = vector.extract_strided_slice %get3A_1 {offsets = [1, 0], sizes = [512, 16], strides = [1, 1]} : vector<513x128xf32> to vector<512x16xf32>
    %concatenate3A = tpu.concatenate %slice3A_7, %slice3A_8 in 1 : vector<512x112xf32>, vector<512x16xf32> -> vector<512x128xf32>
    %swap3A_9 = arith.constant 1 : index
    %swap3A_10 = arith.constant 0 : index
    %swap3A_11 = arith.constant 0 : index
    %swap3A_12 = vector.load %arg1[%swap3A_9, %swap3A_10, %swap3A_11] : memref<8x512x128xf32, #tpu.memory_space<vmem>>, vector<1x512x128xf32>
    %swap3A_13 = vector.shape_cast %swap3A_12 : vector<1x512x128xf32> to vector<512x128xf32>
    %swap3A_14 = vector.shape_cast %concatenate3A : vector<512x128xf32> to vector<1x512x128xf32>
    tpu.vector_store %arg1[%swap3A_9, %swap3A_10, %swap3A_11], %swap3A_14 {strides = array<i32>} : memref<8x512x128xf32, #tpu.memory_space<vmem>>, vector<1x512x128xf32>,
    %slice3A_15 = vector.extract_strided_slice %get3A_1 {offsets = [0, 32], sizes = [512, 96], strides = [1, 1]} : vector<513x128xf32> to vector<512x96xf32>
    %slice3A_16 = vector.extract_strided_slice %get3A_1 {offsets = [1, 0], sizes = [512, 32], strides = [1, 1]} : vector<513x128xf32> to vector<512x32xf32>
    %concatenate3A_17 = tpu.concatenate %slice3A_15, %slice3A_16 in 1 : vector<512x96xf32>, vector<512x32xf32> -> vector<512x128xf32>
    %swap3A_18 = arith.constant 2 : index
    %swap3A_19 = arith.constant 0 : index
    %swap3A_20 = arith.constant 0 : index
    %swap3A_21 = vector.load %arg1[%swap3A_18, %swap3A_19, %swap3A_20] : memref<8x512x128xf32, #tpu.memory_space<vmem>>, vector<1x512x128xf32>
    %swap3A_22 = vector.shape_cast %swap3A_21 : vector<1x512x128xf32> to vector<512x128xf32>
    %swap3A_23 = vector.shape_cast %concatenate3A_17 : vector<512x128xf32> to vector<1x512x128xf32>
    tpu.vector_store %arg1[%swap3A_18, %swap3A_19, %swap3A_20], %swap3A_23 {strides = array<i32>} : memref<8x512x128xf32, #tpu.memory_space<vmem>>, vector<1x512x128xf32>,
    %slice3A_24 = vector.extract_strided_slice %get3A_1 {offsets = [0, 48], sizes = [512, 80], strides = [1, 1]} : vector<513x128xf32> to vector<512x80xf32>
    %slice3A_25 = vector.extract_strided_slice %get3A_1 {offsets = [1, 0], sizes = [512, 48], strides = [1, 1]} : vector<513x128xf32> to vector<512x48xf32>
    %concatenate3A_26 = tpu.concatenate %slice3A_24, %slice3A_25 in 1 : vector<512x80xf32>, vector<512x48xf32> -> vector<512x128xf32>
    %swap3A_27 = arith.constant 3 : index
    %swap3A_28 = arith.constant 0 : index
    %swap3A_29 = arith.constant 0 : index
    %swap3A_30 = vector.load %arg1[%swap3A_27, %swap3A_28, %swap3A_29] : memref<8x512x128xf32, #tpu.memory_space<vmem>>, vector<1x512x128xf32>
    %swap3A_31 = vector.shape_cast %swap3A_30 : vector<1x512x128xf32> to vector<512x128xf32>
    %swap3A_32 = vector.shape_cast %concatenate3A_26 : vector<512x128xf32> to vector<1x512x128xf32>
    tpu.vector_store %arg1[%swap3A_27, %swap3A_28, %swap3A_29], %swap3A_32 {strides = array<i32>} : memref<8x512x128xf32, #tpu.memory_space<vmem>>, vector<1x512x128xf32>,
    %slice3A_33 = vector.extract_strided_slice %get3A_1 {offsets = [0, 64], sizes = [512, 64], strides = [1, 1]} : vector<513x128xf32> to vector<512x64xf32>
    %slice3A_34 = vector.extract_strided_slice %get3A_1 {offsets = [1, 0], sizes = [512, 64], strides = [1, 1]} : vector<513x128xf32> to vector<512x64xf32>
    %concatenate3A_35 = tpu.concatenate %slice3A_33, %slice3A_34 in 1 : vector<512x64xf32>, vector<512x64xf32> -> vector<512x128xf32>
    %swap3A_36 = arith.constant 4 : index
    %swap3A_37 = arith.constant 0 : index
    %swap3A_38 = arith.constant 0 : index
    %swap3A_39 = vector.load %arg1[%swap3A_36, %swap3A_37, %swap3A_38] : memref<8x512x128xf32, #tpu.memory_space<vmem>>, vector<1x512x128xf32>
    %swap3A_40 = vector.shape_cast %swap3A_39 : vector<1x512x128xf32> to vector<512x128xf32>
    %swap3A_41 = vector.shape_cast %concatenate3A_35 : vector<512x128xf32> to vector<1x512x128xf32>
    tpu.vector_store %arg1[%swap3A_36, %swap3A_37, %swap3A_38], %swap3A_41 {strides = array<i32>} : memref<8x512x128xf32, #tpu.memory_space<vmem>>, vector<1x512x128xf32>,
    %slice3A_42 = vector.extract_strided_slice %get3A_1 {offsets = [0, 80], sizes = [512, 48], strides = [1, 1]} : vector<513x128xf32> to vector<512x48xf32>
    %slice3A_43 = vector.extract_strided_slice %get3A_1 {offsets = [1, 0], sizes = [512, 80], strides = [1, 1]} : vector<513x128xf32> to vector<512x80xf32>
    %concatenate3A_44 = tpu.concatenate %slice3A_42, %slice3A_43 in 1 : vector<512x48xf32>, vector<512x80xf32> -> vector<512x128xf32>
    %swap3A_45 = arith.constant 5 : index
    %swap3A_46 = arith.constant 0 : index
    %swap3A_47 = arith.constant 0 : index
    %swap3A_48 = vector.load %arg1[%swap3A_45, %swap3A_46, %swap3A_47] : memref<8x512x128xf32, #tpu.memory_space<vmem>>, vector<1x512x128xf32>
    %swap3A_49 = vector.shape_cast %swap3A_48 : vector<1x512x128xf32> to vector<512x128xf32>
    %swap3A_50 = vector.shape_cast %concatenate3A_44 : vector<512x128xf32> to vector<1x512x128xf32>
    tpu.vector_store %arg1[%swap3A_45, %swap3A_46, %swap3A_47], %swap3A_50 {strides = array<i32>} : memref<8x512x128xf32, #tpu.memory_space<vmem>>, vector<1x512x128xf32>,
    %slice3A_51 = vector.extract_strided_slice %get3A_1 {offsets = [0, 96], sizes = [512, 32], strides = [1, 1]} : vector<513x128xf32> to vector<512x32xf32>
    %slice3A_52 = vector.extract_strided_slice %get3A_1 {offsets = [1, 0], sizes = [512, 96], strides = [1, 1]} : vector<513x128xf32> to vector<512x96xf32>
    %concatenate3A_53 = tpu.concatenate %slice3A_51, %slice3A_52 in 1 : vector<512x32xf32>, vector<512x96xf32> -> vector<512x128xf32>
    %swap3A_54 = arith.constant 6 : index
    %swap3A_55 = arith.constant 0 : index
    %swap3A_56 = arith.constant 0 : index
    %swap3A_57 = vector.load %arg1[%swap3A_54, %swap3A_55, %swap3A_56] : memref<8x512x128xf32, #tpu.memory_space<vmem>>, vector<1x512x128xf32>
    %swap3A_58 = vector.shape_cast %swap3A_57 : vector<1x512x128xf32> to vector<512x128xf32>
    %swap3A_59 = vector.shape_cast %concatenate3A_53 : vector<512x128xf32> to vector<1x512x128xf32>
    tpu.vector_store %arg1[%swap3A_54, %swap3A_55, %swap3A_56], %swap3A_59 {strides = array<i32>} : memref<8x512x128xf32, #tpu.memory_space<vmem>>, vector<1x512x128xf32>,
    %slice3A_60 = vector.extract_strided_slice %get3A_1 {offsets = [0, 112], sizes = [512, 16], strides = [1, 1]} : vector<513x128xf32> to vector<512x16xf32>
    %slice3A_61 = vector.extract_strided_slice %get3A_1 {offsets = [1, 0], sizes = [512, 112], strides = [1, 1]} : vector<513x128xf32> to vector<512x112xf32>
    %concatenate3A_62 = tpu.concatenate %slice3A_60, %slice3A_61 in 1 : vector<512x16xf32>, vector<512x112xf32> -> vector<512x128xf32>
    %swap3A_63 = arith.constant 7 : index
    %swap3A_64 = arith.constant 0 : index
    %swap3A_65 = arith.constant 0 : index
    %swap3A_66 = vector.load %arg1[%swap3A_63, %swap3A_64, %swap3A_65] : memref<8x512x128xf32, #tpu.memory_space<vmem>>, vector<1x512x128xf32>
    %swap3A_67 = vector.shape_cast %swap3A_66 : vector<1x512x128xf32> to vector<512x128xf32>
    %swap3A_68 = vector.shape_cast %concatenate3A_62 : vector<512x128xf32> to vector<1x512x128xf32>
    tpu.vector_store %arg1[%swap3A_63, %swap3A_64, %swap3A_65], %swap3A_68 {strides = array<i32>} : memref<8x512x128xf32, #tpu.memory_space<vmem>>, vector<1x512x128xf32>,
    return
  }
}

</mosaic_0001>

<sc_bundles>
// kernel: kernel.4.cloned.1.call-start
scs
__scs_entry_jumppad:
0x0: {  	(pc) =	sbr.rel $0x88, $3  }
0x1: {  	(tag) =	ssettag $0x0;
	lr =	simm.s32 $0x1  }
0x2: {  	[smem:$0x3FA0] =	sst lr;
	_ =	strace $0xD0000000  }
0x3: {  	_ = 	snop  }
0x4: {  	_ = 	snop  }
0x5: {  	_ = 	snop  }
0x6: {  	_ = 	snop  }
0x7: {  	_ = 	snop  }
__scs_overlays_trampoline_lowered:
0x8: {  	[smem:$0x3FAF] =	sst s0  }
0x9: {  	[smem:$0x3FB0] =	sst s1  }
0xa: {  	[smem:$0x3FB1] =	sst s2  }
0xb: {  	[smem:$0x3FB2] =	sst s3  }
0xc: {  	[smem:$0x3FB3] =	sst s4  }
0xd: {  	[smem:$0x3FB4] =	sst s5  }
0xe: {  	[smem:$0x3FB5] =	sst s6  }
0xf: {  	[smem:$0x3FB6] =	sst s7  }
0x10: {  	[smem:$0x3FB7] =	sst s8  }
0x11: {  	[smem:$0x3FB8] =	sst s9;
	s0 =	simm.s32 @!p0 $0x0  }
0x12: {  	s1 =	sld [smem:$0x3F9E];
	s0 =	simm.s32 @p0 $0x1  }
0x13: {  	[smem:$0x3FB9] =	sst s0;
	s0 =	simm.s32 @!p1 $0x0  }
0x14: {  	s2 =	sld [smem:$0x3F9D];
	s0 =	simm.s32 @p1 $0x1  }
0x15: {  	[smem:$0x3FBA] =	sst s0;
	s0 =	simm.s32 @!p2 $0x0  }
0x16: {  	s3 =	sld [smem:$0x3FDB];
	s0 =	simm.s32 @p2 $0x1  }
0x17: {  	s4 =	simm.s32 $0x1BF5;
	[smem:$0x3FBC] =	sst s0  }
0x18: {  	s0 =	sld [smem:$0x3F9F];
	_ =	swait.ge [sflag:s4], $0x0  }
0x19: {  	s7 =	sld [smem:$0x3FA0]  }
0x1a: {  	s8 =	sadd.s32 $0xFFFFE003, lr  }
0x1b: {  	s9 =	sadd.s32 $0xFFFFFEF7, lr;
	s5 =	simm.s32 $0xFFFFFFFF;
	p2 =	slt.u32 s8, $0xFFFFF086  }
0x1c: {  	p1 =	slt.u32 s9, $0xF7A;
	s5 =	simm.s32 @!p2 $0x0  }
0x1d: {  	s5 =	simm.s32 @p1 $0x1;
	p0 =	seq.s32 s7, s2  }
0x1e: {  	s7 =	smul.u32 @!p0 $0xF7A, s2;
	p2 =	seq.s32 @!p0 s5, $0x0  }
0x1f: {  	s9 =	smul.u32 $0xF7A, s1;
	s8 =	simm.s32 @!p0 $0x1BF5;
	p2 =	por !p2, p0  }
0x20: {  	[sflag:s8] =	ssyncset.s32 @!p0 $0xFFFFF086;
	s6 =	sadd.s32 @!p0 s3, s7;
	s7 =	simm.s32 @!p0 $0x108  }
0x21: {  	s3 =	sadd.s32 s3, s9;
	s6 =	sadd.s32 @!p0 $0x88, s6;
	s7 =	simm.s32 @p2 $0x1082  }
0x22: {  	[simem:s7], [sflag:s8] =	dma.local @!p0 [hbm:s6], $0xF7A  }
0x23: {  	s9 =	sor.u32 $0xD0000000, s2;
	s6 =	simm.s32 $0x108;
	_ =	swait.ge @!p0 [sflag:s8], $0x0  }
0x24: {  	s3 =	sadd.s32 $0x88, s3;
	s6 =	simm.s32 @!p1 $0x1082;
	[sflag:s4] =	ssyncset.s32 $0xFFFFF086  }
0x25: {  	[simem:s6], [sflag:s4] =	dma.local [hbm:s3], $0xF7A  }
0x26: {  	[smem:$0x3FA0] =	sst s1;
	(tag) =	ssettag s2;
	_ =	strace s9  }
0x27: {  	s1 =	sld [smem:$0x3FB0]  }
0x28: {  	s2 =	sld [smem:$0x3FB1]  }
0x29: {  	s4 =	sld [smem:$0x3FB3]  }
0x2a: {  	p0 =	seq.s32 s5, $0x0;
	s5 =	sld [smem:$0x3FB4]  }
0x2b: {  	s6 =	sld [smem:$0x3FB5]  }
0x2c: {  	s7 =	sld [smem:$0x3FB6]  }
0x2d: {  	s3 =	simm.s32 $0x108;
	s8 =	sld [smem:$0x3FB7]  }
0x2e: {  	s3 =	simm.s32 @!p0 $0x1082;
	s9 =	sld [smem:$0x3FB8]  }
0x2f: {  	lr =	sadd.s32 s0, s3;
	s0 =	sld [smem:$0x3FAF]  }
0x30: {  	s3 =	sld [smem:$0x3FB2]  }
0x31: {  	[smem:$0x3FBB] =	sst s10  }
0x32: {  	s10 =	sld [smem:$0x3FB9];
	_ =	sdelay $0x3  }
0x33: {  	p0 =	seq.s32 s10, $0x1;
	s10 =	sld [smem:$0x3FBB];
	_ =	sdelay $0x3  }
0x34: {  	[smem:$0x3FBB] =	sst s10  }
0x35: {  	s10 =	sld [smem:$0x3FBA];
	_ =	sdelay $0x3  }
0x36: {  	p1 =	seq.s32 s10, $0x1;
	s10 =	sld [smem:$0x3FBB];
	_ =	sdelay $0x3  }
0x37: {  	[smem:$0x3FBB] =	sst s10  }
0x38: {  	s10 =	sld [smem:$0x3FBC]  }
0x39: {  	_ = 	snop;
	(pc) =	sbr.ind lr, $3  }
0x3a: {  	_ = 	snop  }
0x3b: {  	_ = 	snop  }
0x3c: {  	p2 =	seq.s32 s10, $0x1;
	s10 =	sld [smem:$0x3FBB]  }
0x3d: {  	_ =	shalt  }
0x3e: {  	_ =	shalt  }
0x3f: {  	_ =	shalt  }
0x40: {  	_ =	shalt  }
0x41: {  	_ =	shalt  }
0x42: {  	_ =	shalt  }
0x43: {  	_ =	shalt  }
0x44: {  	_ =	shalt  }
0x45: {  	_ =	shalt  }
0x46: {  	_ =	shalt  }
0x47: {  	_ =	shalt  }
0x48: {  	_ =	shalt  }
0x49: {  	_ =	shalt  }
0x4a: {  	_ =	shalt  }
0x4b: {  	_ =	shalt  }
0x4c: {  	_ =	shalt  }
0x4d: {  	_ =	shalt  }
0x4e: {  	_ =	shalt  }
0x4f: {  	_ =	shalt  }
0x50: {  	_ =	shalt  }
0x51: {  	_ =	shalt  }
0x52: {  	_ =	shalt  }
0x53: {  	_ =	shalt  }
0x54: {  	_ =	shalt  }
0x55: {  	_ =	shalt  }
0x56: {  	_ =	shalt  }
0x57: {  	_ =	shalt  }
0x58: {  	_ =	shalt  }
0x59: {  	_ =	shalt  }
0x5a: {  	_ =	shalt  }
0x5b: {  	_ =	shalt  }
0x5c: {  	_ =	shalt  }
0x5d: {  	_ =	shalt  }
0x5e: {  	_ =	shalt  }
0x5f: {  	_ =	shalt  }
0x60: {  	_ =	shalt  }
0x61: {  	_ =	shalt  }
0x62: {  	_ =	shalt  }
0x63: {  	_ =	shalt  }
0x64: {  	_ =	shalt  }
0x65: {  	_ =	shalt  }
0x66: {  	_ =	shalt  }
0x67: {  	_ =	shalt  }
0x68: {  	_ =	shalt  }
0x69: {  	_ =	shalt  }
0x6a: {  	_ =	shalt  }
0x6b: {  	_ =	shalt  }
0x6c: {  	_ =	shalt  }
0x6d: {  	_ =	shalt  }
0x6e: {  	_ =	shalt  }
0x6f: {  	_ =	shalt  }
0x70: {  	_ =	shalt  }
0x71: {  	_ =	shalt  }
0x72: {  	_ =	shalt  }
0x73: {  	_ =	shalt  }
0x74: {  	_ =	shalt  }
0x75: {  	_ =	shalt  }
0x76: {  	_ =	shalt  }
0x77: {  	_ =	shalt  }
0x78: {  	_ =	shalt  }
0x79: {  	_ =	shalt  }
0x7a: {  	_ =	shalt  }
0x7b: {  	_ =	shalt  }
0x7c: {  	_ =	shalt  }
0x7d: {  	_ =	shalt  }
0x7e: {  	_ =	shalt  }
0x7f: {  	_ =	shalt  }
0x80: {  	_ =	shalt  }
0x81: {  	_ =	shalt  }
0x82: {  	_ =	shalt  }
0x83: {  	_ =	shalt  }
0x84: {  	_ =	shalt  }
0x85: {  	_ =	shalt  }
0x86: {  	_ =	shalt  }
0x87: {  	_ =	shalt  }
.Lfunc_end0:
.L_simem_size_0:
called_computation.1_lowered:
.L_overlay_start_0:
0x88: {  	s2 =	sld [smem:$0x3FD9]  }
0x89: {  	s3 =	sld [smem:$0x3FFE];
	_ =	sdelay $0x1  }
0x8a: {  	s1 =	srdreg.scid  }
0x8b: {  	s0 =	sand.u32 $0x1, s1  }
0x8c: {  	s17 =	sshll.u32 s0, $0xA;
	s2 =	sadd.s32 s3, s2  }
0x8d: {  	s2 =	sadd.s32 s2, s17  }
0x8e: {  	[smem:$0x3FC7] =	sst s2  }
0x8f: {  	_ = 	snop  }
0x90: {  	s2 =	sld [smem:$0x3FD0];
	(tm) =	ssettm $0x1  }
0x91: {  	s18 =	sld [smem:$0x3FFB];
	_ =	sdelay $0x3  }
0x92: {  	_ =	strace s18  }
0x93: {  	s3 =	sld [smem:$0x3FFC];
	_ =	sdelay $0x3  }
0x94: {  	_ =	strace s3  }
0x95: {  	s3 =	sld [smem:$0x3FFD];
	_ =	sdelay $0x3  }
0x96: {  	_ =	strace s3  }
0x97: {  	_ =	strace $0x8FFFFFFF  }
0x98: {  	s19 =	sld [smem:$0x3FDB];
	_ =	sdelay $0x1  }
0x99: {  	s4 =	simm.s32 $_scs_section_size  }
0x9a: {  	s5 =	simm.s32 $_size__tile_overlayer_lowered;
	s6 =	simm.s32 $_tile_overlayer_lowered  }
0x9b: {  	s22 =	simm.s32 $0x1BFF;
	s21 =	sshll.u32 s6, $0x1;
	s3 =	sadd.s32 s4, s19  }
0x9c: {  	s7 =	simm.s32 $0x0;
	s20 =	sshll.u32 s5, $0x1;
	s5 =	sadd.s32 s21, s3  }
0x9d: {  	[timem:s7], [sflag:s22] =	dma.local [hbm:s5], s20  }
0x9e: {  	_ =	swait.ge [sflag:s22], s20  }
0x9f: {  	s4 =	ssub.s32 $0x0, s20;
	[sflag:s22] =	ssyncset.done $0x0  }
0xa0: {  	[sflag:s22] =	ssyncadd.s32 s4;
	_ =	sdelay $0x1  }
0xa1: {  	s23 =	simm.s32 $0x1B8B  }
0xa2: {  	_ =	swait.ge [sflag:s23], $0x1  }
0xa3: {  	[sflag:s23] =	ssyncset.done $0x0  }
0xa4: {  	s25 =	simm.s32 $0x1B8E;
	s24 =	sld [smem:$0x3FFE];
	[sflag:s23] =	ssyncadd.s32 $0xFFFFFFFF  }
0xa5: {  	s26 =	simm.s32 $execute0_lowered;
	[smem:$0x3FD2] =	sst s25  }
0xa6: {  	s5 =	sshll.u32 s26, $0x1;
	_ =	strace $0x80000046;
	[dreg:$0x1] =	wrdreg $0xFFFFFFFF  }
0xa7: {  	s28 =	simm.s32 $_size_execute0_lowered;
	s3 =	sadd.s32 s3, s5;
	[dreg:$0x0] =	wrdreg $0x0  }
0xa8: {  	s5 =	sshll.u32 s28, $0x1;
	[dreg:$0x2] =	wrdreg s3  }
0xa9: {  	[dreg:$0x3] =	wrdreg s5  }
0xaa: {  	[dreg:$0x4] =	wrdreg $0xC0  }
0xab: {  	_ =	task [dreg:s7], $0x5FFFF  }
0xac: {  	[dreg:$0x1] =	wrdreg $0xFFFFFFFF  }
0xad: {  	[dreg:$0x0] =	wrdreg $0x60  }
0xae: {  	[dreg:$0x2] =	wrdreg s24  }
0xaf: {  	[dreg:$0x3] =	wrdreg s2  }
0xb0: {  	[dreg:$0x4] =	wrdreg $0x0  }
0xb1: {  	[dreg:$0x5] =	wrdreg $0x9  }
0xb2: {  	_ =	task.clear_ibuf [dreg:s7], $0x6FFFF;
	_ =	strace $0x90000046  }
0xb3: {  	s29 =	simm.s32 $0x9;
	_ =	strace $0x80000048  }
0xb4: {  	_ =	swait.ge [sflag:s29], $0x1  }
0xb5: {  	[sflag:s29] =	ssyncadd.s32 $0xFFFFFFFF  }
0xb6: {  	_ =	strace $0x90000048  }
0xb7: {  	_ =	sfence  }
0xb8: {  	s30 =	sld [smem:$0x0];
	_ =	sdelay $0x2  }
0xb9: {  	s31 =	sshll.u32 s1, $0xD;
	s1 =	sshrl.u32 s1, $0x2  }
0xba: {  	s3 =	sand.u32 $0x4000, s31;
	s1 =	sadd.s32 s1, s30  }
0xbb: {  	s0 =	sor.u32 s3, s0;
	s1 =	sshll.u32 s1, $0x11  }
0xbc: {  	s0 =	sor.u32 s1, s0  }
0xbd: {  	s0 =	sadd.s32 $0x8F2B, s0  }
0xbe: {  	[sflag:s0] =	ssyncadd.remote.s32 $0x1  }
0xbf: {  	_ =	sfence.sel $0xFFFF  }
0xc0: {  	[dreg:$0x0] =	wrdreg $0xFFFFFFFF;
	(pc) =	sbr.abs _section_cstart, $3  }
0xc1: {  	[dreg:$0x1] =	wrdreg $0xFFFFFFFF  }
0xc2: {  	_ =	task.clear_ibuf [dreg:s7], $0x2FFFF;
	_ =	strace $0x9FFFFFFF  }
0xc3: {  	(tm) =	ssettm $0x7FFFFFFF  }
tec
execute0_lowered:
.L_overlay_start_1:
0x0: {  	(tag) =	ssettag $0x1  }
0x1: {  	s1 =	rddreg [dreg:$0x0]  }
0x2: {  	s0 =	srdreg.scid;
	s5 =	stileid.u32  }
0x3: {  	s4 =	rddreg [dreg:$0x1];
	s29 =	sand.u32 $0x1, s0;
	s3 =	sshll.u32 s5, $0x1  }
0x4: {  	s2 =	rddreg [dreg:$0x2];
	s3 =	sor.u32 s29, s3  }
0x5: {  	s6 =	simm.s32 $0x0;
	s0 =	rddreg [dreg:$0x3];
	s8 =	sshll.u32 s3, $0x12  }
0x6: {  	[smem:$0x7FF] =	sst s6;
	s7 =	sadd.s32 $0xA00, s1;
	s1 =	sadd.s32 s4, s8  }
0x7: {  	_ =	strace $0x80000047;
	[dreg:$0x4] =	wrdreg s7;
	s4 =	sadd.s32 $0x1000, s1  }
0x8: {  	s9 =	sadd.s32 $0x2000, s1;
	[dreg:$0x5] =	wrdreg s4  }
0x9: {  	s10 =	sadd.s32 $0x3000, s1;
	[dreg:$0x6] =	wrdreg s9  }
0xa: {  	s11 =	sadd.s32 $0x4000, s1;
	[dreg:$0x7] =	wrdreg s10  }
0xb: {  	s12 =	sadd.s32 $0x5000, s1;
	[dreg:$0x8] =	wrdreg s11  }
0xc: {  	s13 =	sadd.s32 $0x6000, s1;
	[dreg:$0x9] =	wrdreg s12  }
0xd: {  	s14 =	sadd.s32 $0x7000, s1;
	[dreg:$0xa] =	wrdreg s13  }
0xe: {  	s15 =	sadd.s32 $0x8000, s1;
	[dreg:$0xb] =	wrdreg s14  }
0xf: {  	s16 =	sadd.s32 $0x9000, s1;
	[dreg:$0xc] =	wrdreg s15  }
0x10: {  	s17 =	sadd.s32 $0xA000, s1;
	[dreg:$0xd] =	wrdreg s16  }
0x11: {  	s18 =	sadd.s32 $0xB000, s1;
	[dreg:$0xe] =	wrdreg s17  }
0x12: {  	s19 =	sadd.s32 $0xC000, s1;
	[dreg:$0xf] =	wrdreg s18  }
0x13: {  	s20 =	sadd.s32 $0xD000, s1;
	[dreg:$0x10] =	wrdreg s19  }
0x14: {  	s21 =	sadd.s32 $0xE000, s1;
	[dreg:$0x11] =	wrdreg s20  }
0x15: {  	s22 =	sadd.s32 $0xF000, s1;
	[dreg:$0x12] =	wrdreg s21  }
0x16: {  	s23 =	sadd.s32 $0x10000, s1;
	[dreg:$0x13] =	wrdreg s22  }
0x17: {  	s24 =	sadd.s32 $0x11000, s1;
	[dreg:$0x14] =	wrdreg s23  }
0x18: {  	s25 =	sadd.s32 $0x12000, s1;
	[dreg:$0x15] =	wrdreg s24  }
0x19: {  	s26 =	sadd.s32 $0x13000, s1;
	[dreg:$0x16] =	wrdreg s25  }
0x1a: {  	s30 =	sadd.s32 $0x14000, s1;
	[dreg:$0x17] =	wrdreg s26  }
0x1b: {  	s31 =	sadd.s32 $0x15000, s1;
	[dreg:$0x18] =	wrdreg s30  }
0x1c: {  	s6 =	sadd.s32 $0x16000, s1;
	[dreg:$0x19] =	wrdreg s31  }
0x1d: {  	s7 =	sadd.s32 $0x17000, s1;
	[dreg:$0x1a] =	wrdreg s6  }
0x1e: {  	s8 =	sadd.s32 $0x18000, s1;
	[dreg:$0x1b] =	wrdreg s7  }
0x1f: {  	[dreg:$0x1c] =	wrdreg s8;
	s9 =	sadd.s32 $0x19000, s1  }
0x20: {  	s10 =	sadd.s32 $0x1A000, s1;
	[dreg:$0x1d] =	wrdreg s9  }
0x21: {  	s11 =	sadd.s32 $0x1B000, s1;
	[dreg:$0x1e] =	wrdreg s10  }
0x22: {  	s12 =	sadd.s32 $0x1C000, s1;
	[dreg:$0x1f] =	wrdreg s11  }
0x23: {  	s13 =	sadd.s32 $0x1D000, s1;
	[smem:$0x7CB] =	sst s12  }
0x24: {  	s14 =	sadd.s32 $0x1E000, s1;
	[smem:$0x7CD] =	sst s13  }
0x25: {  	s15 =	sadd.s32 $0x1F000, s1;
	[smem:$0x7CF] =	sst s14  }
0x26: {  	s16 =	sadd.s32 $0x20000, s1;
	[smem:$0x7D1] =	sst s15  }
0x27: {  	s17 =	sadd.s32 $0x21000, s1;
	[smem:$0x7D3] =	sst s16  }
0x28: {  	s18 =	sadd.s32 $0x22000, s1;
	[smem:$0x7D5] =	sst s17  }
0x29: {  	s19 =	sadd.s32 $0x23000, s1;
	[smem:$0x7D7] =	sst s18  }
0x2a: {  	s20 =	sadd.s32 $0x24000, s1;
	[smem:$0x7D9] =	sst s19  }
0x2b: {  	s21 =	sadd.s32 $0x25000, s1;
	[smem:$0x7DB] =	sst s20  }
0x2c: {  	s22 =	sadd.s32 $0x26000, s1;
	[smem:$0x7DD] =	sst s21  }
0x2d: {  	s23 =	sadd.s32 $0x27000, s1;
	[smem:$0x7DF] =	sst s22  }
0x2e: {  	s24 =	sadd.s32 $0x28000, s1;
	[smem:$0x7E1] =	sst s23  }
0x2f: {  	s25 =	sadd.s32 $0x29000, s1;
	[smem:$0x7E3] =	sst s24  }
0x30: {  	s26 =	sadd.s32 $0x2A000, s1;
	[smem:$0x7E5] =	sst s25  }
0x31: {  	s30 =	sadd.s32 $0x2B000, s1;
	[smem:$0x7E7] =	sst s26  }
0x32: {  	s31 =	sadd.s32 $0x2C000, s1;
	[smem:$0x7E9] =	sst s30  }
0x33: {  	s6 =	sadd.s32 $0x2D000, s1;
	[smem:$0x7EA] =	sst s31  }
0x34: {  	s7 =	sadd.s32 $0x2E000, s1;
	[smem:$0x7EB] =	sst s6  }
0x35: {  	s8 =	sadd.s32 $0x2F000, s1;
	[smem:$0x7EC] =	sst s7  }
0x36: {  	[smem:$0x7ED] =	sst s8  }
0x37: {  	s9 =	sadd.s32 $0x30000, s1;
	s6 =	rddreg [dreg:$0x4]  }
0x38: {  	s10 =	sadd.s32 $0x31000, s1;
	[smem:$0x7EE] =	sst s9  }
0x39: {  	s11 =	sadd.s32 $0x32000, s1;
	[smem:$0x7EF] =	sst s10  }
0x3a: {  	s12 =	sadd.s32 $0x33000, s1;
	[smem:$0x7F0] =	sst s11  }
0x3b: {  	s13 =	sadd.s32 $0x34000, s1;
	[smem:$0x7F1] =	sst s12  }
0x3c: {  	s14 =	sadd.s32 $0x35000, s1;
	[smem:$0x7F2] =	sst s13  }
0x3d: {  	s15 =	sadd.s32 $0x36000, s1;
	[smem:$0x7F3] =	sst s14  }
0x3e: {  	s16 =	sadd.s32 $0x37000, s1;
	[smem:$0x7F4] =	sst s15  }
0x3f: {  	s17 =	sadd.s32 $0x38000, s1;
	[smem:$0x7F5] =	sst s16  }
0x40: {  	s18 =	sadd.s32 $0x39000, s1;
	[smem:$0x7F6] =	sst s17  }
0x41: {  	s19 =	sadd.s32 $0x3A000, s1;
	[smem:$0x7F7] =	sst s18  }
0x42: {  	s20 =	sadd.s32 $0x3B000, s1;
	[smem:$0x7F8] =	sst s19  }
0x43: {  	p0 =	sne.s32 s5, $0x0;
	s21 =	sadd.s32 $0x3C000, s1;
	[smem:$0x7F9] =	sst s20  }
0x44: {  	s3 =	sshll.u32 s3, $0xA;
	s22 =	sadd.s32 $0x3D000, s1;
	[smem:$0x7FA] =	sst s21  }
0x45: {  	s28 =	ssub.s32 s2, s3;
	s23 =	sadd.s32 $0x3E000, s1;
	[smem:$0x7FB] =	sst s22  }
0x46: {  	s24 =	sadd.s32 $0x77F80, s28;
	s25 =	sadd.s32 $0x3F000, s1;
	[smem:$0x7FC] =	sst s23  }
0x47: {  	s26 =	sadd.s32 $0x67F80, s28;
	[smem:$0x7FD] =	sst s25;
	s30 =	sshrl.u32 s24, $0x3  }
0x48: {  	s31 =	sadd.s32 $0x57F80, s28;
	s7 =	sshrl.u32 s26, $0x3;
	[smem:$0x7AF] =	sst s30  }
0x49: {  	s8 =	sadd.s32 $0x47F80, s28;
	s9 =	sshrl.u32 s31, $0x3;
	[smem:$0x7B0] =	sst s7  }
0x4a: {  	s10 =	sadd.s32 $0x37F80, s28;
	s11 =	sshrl.u32 s8, $0x3;
	[smem:$0x7B1] =	sst s9  }
0x4b: {  	s12 =	sadd.s32 $0x27F80, s28;
	[smem:$0x7B2] =	sst s11;
	s13 =	sshrl.u32 s10, $0x3  }
0x4c: {  	s14 =	sadd.s32 $0x17F80, s28;
	s15 =	sshrl.u32 s12, $0x3;
	[smem:$0x7B3] =	sst s13  }
0x4d: {  	s16 =	sadd.s32 $0x7F80, s28;
	s17 =	sshrl.u32 s14, $0x3;
	[smem:$0x7B4] =	sst s15  }
0x4e: {  	s18 =	sadd.s32 $0x77F00, s28;
	s19 =	sshrl.u32 s16, $0x3;
	[smem:$0x7B5] =	sst s17  }
0x4f: {  	s20 =	sadd.s32 $0x67F00, s28;
	s21 =	sshrl.u32 s18, $0x3;
	[smem:$0x7B6] =	sst s19  }
0x50: {  	s22 =	sadd.s32 $0x57F00, s28;
	s23 =	sshrl.u32 s20, $0x3;
	[smem:$0x7B7] =	sst s21  }
0x51: {  	s24 =	sadd.s32 $0x47F00, s28;
	s25 =	sshrl.u32 s22, $0x3;
	[smem:$0x7B8] =	sst s23  }
0x52: {  	s26 =	sadd.s32 $0x37F00, s28;
	s30 =	sshrl.u32 s24, $0x3;
	[smem:$0x7B9] =	sst s25  }
0x53: {  	s31 =	sadd.s32 $0x27F00, s28;
	s7 =	sshrl.u32 s26, $0x3;
	[smem:$0x7BA] =	sst s30  }
0x54: {  	s8 =	sadd.s32 $0x17F00, s28;
	s9 =	sshrl.u32 s31, $0x3;
	[smem:$0x7BB] =	sst s7  }
0x55: {  	s10 =	sadd.s32 $0x7F00, s28;
	s11 =	sshrl.u32 s8, $0x3;
	[smem:$0x7BC] =	sst s9  }
0x56: {  	s12 =	sadd.s32 $0x77E80, s28;
	[smem:$0x7BD] =	sst s11;
	s13 =	sshrl.u32 s10, $0x3  }
0x57: {  	s14 =	sadd.s32 $0x67E80, s28;
	s15 =	sshrl.u32 s12, $0x3;
	[smem:$0x7BE] =	sst s13  }
0x58: {  	s16 =	sadd.s32 $0x57E80, s28;
	s17 =	sshrl.u32 s14, $0x3;
	[smem:$0x7BF] =	sst s15  }
0x59: {  	s18 =	sadd.s32 $0x47E80, s28;
	s19 =	sshrl.u32 s16, $0x3;
	[smem:$0x7C0] =	sst s17  }
0x5a: {  	s20 =	sadd.s32 $0x37E80, s28;
	s21 =	sshrl.u32 s18, $0x3;
	[smem:$0x7C1] =	sst s19  }
0x5b: {  	s22 =	sadd.s32 $0x27E80, s28;
	s23 =	sshrl.u32 s20, $0x3;
	[smem:$0x7C2] =	sst s21  }
0x5c: {  	s24 =	sadd.s32 $0x17E80, s28;
	s25 =	sshrl.u32 s22, $0x3;
	[smem:$0x7C3] =	sst s23  }
0x5d: {  	s26 =	sadd.s32 $0x7E80, s28;
	s30 =	sshrl.u32 s24, $0x3;
	[smem:$0x7C4] =	sst s25  }
0x5e: {  	s31 =	sadd.s32 $0x77E00, s28;
	s7 =	sshrl.u32 s26, $0x3;
	[smem:$0x7C5] =	sst s30  }
0x5f: {  	s8 =	sadd.s32 $0x67E00, s28;
	s9 =	sshrl.u32 s31, $0x3;
	[smem:$0x7C6] =	sst s7  }
0x60: {  	s10 =	sadd.s32 $0x57E00, s28;
	s11 =	sshrl.u32 s8, $0x3;
	[smem:$0x7C7] =	sst s9  }
0x61: {  	s12 =	sadd.s32 $0x47E00, s28;
	[smem:$0x7C8] =	sst s11;
	s13 =	sshrl.u32 s10, $0x3  }
0x62: {  	s14 =	sadd.s32 $0x37E00, s28;
	s15 =	sshrl.u32 s12, $0x3;
	[smem:$0x7C9] =	sst s13  }
0x63: {  	s16 =	sadd.s32 $0x27E00, s28;
	s17 =	sshrl.u32 s14, $0x3;
	[smem:$0x7CA] =	sst s15  }
0x64: {  	s18 =	sadd.s32 $0x17E00, s28;
	s19 =	sshrl.u32 s16, $0x3;
	[smem:$0x7CC] =	sst s17  }
0x65: {  	s20 =	sadd.s32 $0x7E00, s28;
	s21 =	sshrl.u32 s18, $0x3;
	[smem:$0x7CE] =	sst s19  }
0x66: {  	s22 =	sadd.s32 $0x77D80, s28;
	s23 =	sshrl.u32 s20, $0x3;
	[smem:$0x7D0] =	sst s21  }
0x67: {  	s24 =	sadd.s32 $0x67D80, s28;
	s25 =	sshrl.u32 s22, $0x3;
	[smem:$0x7D2] =	sst s23  }
0x68: {  	s26 =	sadd.s32 $0x57D80, s28;
	s30 =	sshrl.u32 s24, $0x3;
	[smem:$0x7D4] =	sst s25  }
0x69: {  	s31 =	sadd.s32 $0x47D80, s28;
	s7 =	sshrl.u32 s26, $0x3;
	[smem:$0x7D6] =	sst s30  }
0x6a: {  	s8 =	sadd.s32 $0x37D80, s28;
	s9 =	sshrl.u32 s31, $0x3;
	[smem:$0x7D8] =	sst s7  }
0x6b: {  	s10 =	sadd.s32 $0x27D80, s28;
	s11 =	sshrl.u32 s8, $0x3;
	[smem:$0x7DA] =	sst s9  }
0x6c: {  	s12 =	sadd.s32 $0x17D80, s28;
	[smem:$0x7DC] =	sst s11;
	s13 =	sshrl.u32 s10, $0x3  }
0x6d: {  	s14 =	sadd.s32 $0x7D80, s28;
	s15 =	sshrl.u32 s12, $0x3;
	[smem:$0x7DE] =	sst s13  }
0x6e: {  	s16 =	sadd.s32 $0x77D00, s28;
	s17 =	sshrl.u32 s14, $0x3;
	[smem:$0x7E0] =	sst s15  }
0x6f: {  	s18 =	sadd.s32 $0x67D00, s28;
	s19 =	sshrl.u32 s16, $0x3;
	[smem:$0x7E2] =	sst s17  }
0x70: {  	s20 =	sshrl.u32 s18, $0x3;
	s21 =	sadd.s32 $0x57D00, s28;
	[smem:$0x7E4] =	sst s19  }
0x71: {  	s2 =	sshrl.u32 @!p0 s2, $0x3;
	[smem:$0x7E6] =	sst s20;
	s22 =	sshrl.u32 s21, $0x3  }
0x72: {  	s3 =	simm.s32 @!p0 $0x1C02;
	s4 =	simm.s32 @!p0 $0x2;
	[smem:$0x7E8] =	sst s22  }
0x73: {  	[spmem:s2], [sflag:s3] =	dma.local @!p0 [hbm:s6], $0x10000  }
0x74: {  	_ =	swait.ge @!p0 [sflag:s4], $0x10000  }
0x75: {  	[sflag:s4] =	ssyncset.done @!p0 $0x0  }
0x76: {  	[sflag:s4] =	ssyncadd.s32 @!p0 $0xFFFF0000  }
0x77: {  	[bflag:$0x0] =	sbarrier.arrive $0xFFFF  }
0x78: {  	s23 =	sld [smem:$0x7AF]  }
0x79: {  	s5 =	sshll.u32 s5, $0x6  }
0x7a: {  	s5 =	sor.u32 $0x1C01, s5  }
0x7b: {  	[hbm:s1], [sflag:s5] =	dma.local [spmem:s23], $0x1000  }
0x7c: {  	s24 =	sld [smem:$0x7B0];
	_ =	sdelay $0x1  }
0x7d: {  	s6 =	rddreg [dreg:$0x5]  }
0x7e: {  	[hbm:s6], [sflag:s5] =	dma.local [spmem:s24], $0x1000  }
0x7f: {  	s7 =	sld [smem:$0x7B1];
	_ =	sdelay $0x1  }
0x80: {  	s6 =	rddreg [dreg:$0x6]  }
0x81: {  	[hbm:s6], [sflag:s5] =	dma.local [spmem:s7], $0x1000  }
0x82: {  	s7 =	sld [smem:$0x7B2];
	_ =	sdelay $0x1  }
0x83: {  	s6 =	rddreg [dreg:$0x7]  }
0x84: {  	[hbm:s6], [sflag:s5] =	dma.local [spmem:s7], $0x1000  }
0x85: {  	s7 =	sld [smem:$0x7B3];
	_ =	sdelay $0x1  }
0x86: {  	s6 =	rddreg [dreg:$0x8]  }
0x87: {  	[hbm:s6], [sflag:s5] =	dma.local [spmem:s7], $0x1000  }
0x88: {  	s7 =	sld [smem:$0x7B4];
	_ =	sdelay $0x1  }
0x89: {  	s6 =	rddreg [dreg:$0x9]  }
0x8a: {  	[hbm:s6], [sflag:s5] =	dma.local [spmem:s7], $0x1000  }
0x8b: {  	s7 =	sld [smem:$0x7B5];
	_ =	sdelay $0x1  }
0x8c: {  	s6 =	rddreg [dreg:$0xa]  }
0x8d: {  	[hbm:s6], [sflag:s5] =	dma.local [spmem:s7], $0x1000  }
0x8e: {  	s7 =	sld [smem:$0x7B6];
	_ =	sdelay $0x1  }
0x8f: {  	s6 =	rddreg [dreg:$0xb]  }
0x90: {  	[hbm:s6], [sflag:s5] =	dma.local [spmem:s7], $0x1000  }
0x91: {  	s7 =	sld [smem:$0x7B7];
	_ =	sdelay $0x1  }
0x92: {  	s6 =	rddreg [dreg:$0xc]  }
0x93: {  	[hbm:s6], [sflag:s5] =	dma.local [spmem:s7], $0x1000  }
0x94: {  	s7 =	sld [smem:$0x7B8];
	_ =	sdelay $0x1  }
0x95: {  	s6 =	rddreg [dreg:$0xd]  }
0x96: {  	[hbm:s6], [sflag:s5] =	dma.local [spmem:s7], $0x1000  }
0x97: {  	s7 =	sld [smem:$0x7B9];
	_ =	sdelay $0x1  }
0x98: {  	s6 =	rddreg [dreg:$0xe]  }
0x99: {  	[hbm:s6], [sflag:s5] =	dma.local [spmem:s7], $0x1000  }
0x9a: {  	s7 =	sld [smem:$0x7BA];
	_ =	sdelay $0x1  }
0x9b: {  	s6 =	rddreg [dreg:$0xf]  }
0x9c: {  	[hbm:s6], [sflag:s5] =	dma.local [spmem:s7], $0x1000  }
0x9d: {  	s7 =	sld [smem:$0x7BB];
	_ =	sdelay $0x1  }
0x9e: {  	s6 =	rddreg [dreg:$0x10]  }
0x9f: {  	[hbm:s6], [sflag:s5] =	dma.local [spmem:s7], $0x1000  }
0xa0: {  	s7 =	sld [smem:$0x7BC];
	_ =	sdelay $0x1  }
0xa1: {  	s6 =	rddreg [dreg:$0x11]  }
0xa2: {  	[hbm:s6], [sflag:s5] =	dma.local [spmem:s7], $0x1000  }
0xa3: {  	s7 =	sld [smem:$0x7BD];
	_ =	sdelay $0x1  }
0xa4: {  	s6 =	rddreg [dreg:$0x12]  }
0xa5: {  	[hbm:s6], [sflag:s5] =	dma.local [spmem:s7], $0x1000  }
0xa6: {  	s8 =	sld [smem:$0x7BE];
	_ =	sdelay $0x1  }
0xa7: {  	s6 =	simm.s32 $0x1;
	s7 =	rddreg [dreg:$0x13]  }
0xa8: {  	[hbm:s7], [sflag:s5] =	dma.local [spmem:s8], $0x1000  }
0xa9: {  	_ =	swait.ge [sflag:s6], $0x1000  }
0xaa: {  	[sflag:s6] =	ssyncset.done $0x0  }
0xab: {  	[sflag:s6] =	ssyncadd.s32 $0xFFFFF000  }
0xac: {  	_ =	swait.ge [sflag:s6], $0x1000  }
0xad: {  	[sflag:s6] =	ssyncset.done $0x0  }
0xae: {  	[sflag:s6] =	ssyncadd.s32 $0xFFFFF000  }
0xaf: {  	_ =	swait.ge [sflag:s6], $0x1000  }
0xb0: {  	[sflag:s6] =	ssyncset.done $0x0  }
0xb1: {  	[sflag:s6] =	ssyncadd.s32 $0xFFFFF000  }
0xb2: {  	_ =	swait.ge [sflag:s6], $0x1000  }
0xb3: {  	[sflag:s6] =	ssyncset.done $0x0  }
0xb4: {  	[sflag:s6] =	ssyncadd.s32 $0xFFFFF000  }
0xb5: {  	_ =	swait.ge [sflag:s6], $0x1000  }
0xb6: {  	[sflag:s6] =	ssyncset.done $0x0  }
0xb7: {  	[sflag:s6] =	ssyncadd.s32 $0xFFFFF000  }
0xb8: {  	_ =	swait.ge [sflag:s6], $0x1000  }
0xb9: {  	[sflag:s6] =	ssyncset.done $0x0  }
0xba: {  	[sflag:s6] =	ssyncadd.s32 $0xFFFFF000  }
0xbb: {  	_ =	swait.ge [sflag:s6], $0x1000  }
0xbc: {  	[sflag:s6] =	ssyncset.done $0x0  }
0xbd: {  	[sflag:s6] =	ssyncadd.s32 $0xFFFFF000  }
0xbe: {  	_ =	swait.ge [sflag:s6], $0x1000  }
0xbf: {  	[sflag:s6] =	ssyncset.done $0x0  }
0xc0: {  	[sflag:s6] =	ssyncadd.s32 $0xFFFFF000  }
0xc1: {  	_ =	swait.ge [sflag:s6], $0x1000  }
0xc2: {  	[sflag:s6] =	ssyncset.done $0x0  }
0xc3: {  	[sflag:s6] =	ssyncadd.s32 $0xFFFFF000  }
0xc4: {  	_ =	swait.ge [sflag:s6], $0x1000  }
0xc5: {  	[sflag:s6] =	ssyncset.done $0x0  }
0xc6: {  	[sflag:s6] =	ssyncadd.s32 $0xFFFFF000  }
0xc7: {  	_ =	swait.ge [sflag:s6], $0x1000  }
0xc8: {  	[sflag:s6] =	ssyncset.done $0x0  }
0xc9: {  	[sflag:s6] =	ssyncadd.s32 $0xFFFFF000  }
0xca: {  	_ =	swait.ge [sflag:s6], $0x1000  }
0xcb: {  	[sflag:s6] =	ssyncset.done $0x0  }
0xcc: {  	[sflag:s6] =	ssyncadd.s32 $0xFFFFF000  }
0xcd: {  	_ =	swait.ge [sflag:s6], $0x1000  }
0xce: {  	[sflag:s6] =	ssyncset.done $0x0  }
0xcf: {  	[sflag:s6] =	ssyncadd.s32 $0xFFFFF000  }
0xd0: {  	_ =	swait.ge [sflag:s6], $0x1000  }
0xd1: {  	[sflag:s6] =	ssyncset.done $0x0  }
0xd2: {  	[sflag:s6] =	ssyncadd.s32 $0xFFFFF000  }
0xd3: {  	_ =	swait.ge [sflag:s6], $0x1000  }
0xd4: {  	[sflag:s6] =	ssyncset.done $0x0  }
0xd5: {  	[sflag:s6] =	ssyncadd.s32 $0xFFFFF000  }
0xd6: {  	_ =	swait.ge [sflag:s6], $0x1000  }
0xd7: {  	s26 =	sld [smem:$0x7BF]  }
0xd8: {  	[sflag:s6] =	ssyncset.done $0x0  }
0xd9: {  	s25 =	rddreg [dreg:$0x14];
	[sflag:s6] =	ssyncadd.s32 $0xFFFFF000  }
0xda: {  	[hbm:s25], [sflag:s5] =	dma.local [spmem:s26], $0x1000  }
0xdb: {  	s8 =	sld [smem:$0x7C0];
	_ =	sdelay $0x1  }
0xdc: {  	s7 =	rddreg [dreg:$0x15]  }
0xdd: {  	[hbm:s7], [sflag:s5] =	dma.local [spmem:s8], $0x1000  }
0xde: {  	s8 =	sld [smem:$0x7C1];
	_ =	sdelay $0x1  }
0xdf: {  	s7 =	rddreg [dreg:$0x16]  }
0xe0: {  	[hbm:s7], [sflag:s5] =	dma.local [spmem:s8], $0x1000  }
0xe1: {  	s8 =	sld [smem:$0x7C2];
	_ =	sdelay $0x1  }
0xe2: {  	s7 =	rddreg [dreg:$0x17]  }
0xe3: {  	[hbm:s7], [sflag:s5] =	dma.local [spmem:s8], $0x1000  }
0xe4: {  	s8 =	sld [smem:$0x7C3];
	_ =	sdelay $0x1  }
0xe5: {  	s7 =	rddreg [dreg:$0x18]  }
0xe6: {  	[hbm:s7], [sflag:s5] =	dma.local [spmem:s8], $0x1000  }
0xe7: {  	s8 =	sld [smem:$0x7C4];
	_ =	sdelay $0x1  }
0xe8: {  	s7 =	rddreg [dreg:$0x19]  }
0xe9: {  	[hbm:s7], [sflag:s5] =	dma.local [spmem:s8], $0x1000  }
0xea: {  	s8 =	sld [smem:$0x7C5];
	_ =	sdelay $0x1  }
0xeb: {  	s7 =	rddreg [dreg:$0x1a]  }
0xec: {  	[hbm:s7], [sflag:s5] =	dma.local [spmem:s8], $0x1000  }
0xed: {  	s8 =	sld [smem:$0x7C6];
	_ =	sdelay $0x1  }
0xee: {  	s7 =	rddreg [dreg:$0x1b]  }
0xef: {  	[hbm:s7], [sflag:s5] =	dma.local [spmem:s8], $0x1000  }
0xf0: {  	s8 =	sld [smem:$0x7C7];
	_ =	sdelay $0x1  }
0xf1: {  	s7 =	rddreg [dreg:$0x1c]  }
0xf2: {  	[hbm:s7], [sflag:s5] =	dma.local [spmem:s8], $0x1000  }
0xf3: {  	s8 =	sld [smem:$0x7C8];
	_ =	sdelay $0x1  }
0xf4: {  	s7 =	rddreg [dreg:$0x1d]  }
0xf5: {  	[hbm:s7], [sflag:s5] =	dma.local [spmem:s8], $0x1000  }
0xf6: {  	s8 =	sld [smem:$0x7C9];
	_ =	sdelay $0x1  }
0xf7: {  	s7 =	rddreg [dreg:$0x1e]  }
0xf8: {  	[hbm:s7], [sflag:s5] =	dma.local [spmem:s8], $0x1000  }
0xf9: {  	s8 =	sld [smem:$0x7CA];
	_ =	sdelay $0x1  }
0xfa: {  	s7 =	rddreg [dreg:$0x1f]  }
0xfb: {  	[hbm:s7], [sflag:s5] =	dma.local [spmem:s8], $0x1000  }
0xfc: {  	s7 =	sld [smem:$0x7CB]  }
0xfd: {  	s8 =	sld [smem:$0x7CC];
	_ =	sdelay $0x2  }
0xfe: {  	[hbm:s7], [sflag:s5] =	dma.local [spmem:s8], $0x1000  }
0xff: {  	s7 =	sld [smem:$0x7CD]  }
0x100: {  	s8 =	sld [smem:$0x7CE];
	_ =	sdelay $0x2  }
0x101: {  	[hbm:s7], [sflag:s5] =	dma.local [spmem:s8], $0x1000  }
0x102: {  	s7 =	sld [smem:$0x7CF]  }
0x103: {  	s8 =	sld [smem:$0x7D0];
	_ =	sdelay $0x2  }
0x104: {  	[hbm:s7], [sflag:s5] =	dma.local [spmem:s8], $0x1000  }
0x105: {  	s7 =	sld [smem:$0x7D1]  }
0x106: {  	s8 =	sld [smem:$0x7D2];
	_ =	sdelay $0x2  }
0x107: {  	[hbm:s7], [sflag:s5] =	dma.local [spmem:s8], $0x1000  }
0x108: {  	_ =	swait.ge [sflag:s6], $0x1000  }
0x109: {  	[sflag:s6] =	ssyncset.done $0x0  }
0x10a: {  	[sflag:s6] =	ssyncadd.s32 $0xFFFFF000  }
0x10b: {  	_ =	swait.ge [sflag:s6], $0x1000  }
0x10c: {  	[sflag:s6] =	ssyncset.done $0x0  }
0x10d: {  	[sflag:s6] =	ssyncadd.s32 $0xFFFFF000  }
0x10e: {  	_ =	swait.ge [sflag:s6], $0x1000  }
0x10f: {  	[sflag:s6] =	ssyncset.done $0x0  }
0x110: {  	[sflag:s6] =	ssyncadd.s32 $0xFFFFF000  }
0x111: {  	_ =	swait.ge [sflag:s6], $0x1000  }
0x112: {  	[sflag:s6] =	ssyncset.done $0x0  }
0x113: {  	[sflag:s6] =	ssyncadd.s32 $0xFFFFF000  }
0x114: {  	_ =	swait.ge [sflag:s6], $0x1000  }
0x115: {  	[sflag:s6] =	ssyncset.done $0x0  }
0x116: {  	[sflag:s6] =	ssyncadd.s32 $0xFFFFF000  }
0x117: {  	_ =	swait.ge [sflag:s6], $0x1000  }
0x118: {  	[sflag:s6] =	ssyncset.done $0x0  }
0x119: {  	[sflag:s6] =	ssyncadd.s32 $0xFFFFF000  }
0x11a: {  	_ =	swait.ge [sflag:s6], $0x1000  }
0x11b: {  	[sflag:s6] =	ssyncset.done $0x0  }
0x11c: {  	[sflag:s6] =	ssyncadd.s32 $0xFFFFF000  }
0x11d: {  	_ =	swait.ge [sflag:s6], $0x1000  }
0x11e: {  	[sflag:s6] =	ssyncset.done $0x0  }
0x11f: {  	[sflag:s6] =	ssyncadd.s32 $0xFFFFF000  }
0x120: {  	_ =	swait.ge [sflag:s6], $0x1000  }
0x121: {  	[sflag:s6] =	ssyncset.done $0x0  }
0x122: {  	[sflag:s6] =	ssyncadd.s32 $0xFFFFF000  }
0x123: {  	_ =	swait.ge [sflag:s6], $0x1000  }
0x124: {  	[sflag:s6] =	ssyncset.done $0x0  }
0x125: {  	[sflag:s6] =	ssyncadd.s32 $0xFFFFF000  }
0x126: {  	_ =	swait.ge [sflag:s6], $0x1000  }
0x127: {  	[sflag:s6] =	ssyncset.done $0x0  }
0x128: {  	[sflag:s6] =	ssyncadd.s32 $0xFFFFF000  }
0x129: {  	_ =	swait.ge [sflag:s6], $0x1000  }
0x12a: {  	[sflag:s6] =	ssyncset.done $0x0  }
0x12b: {  	[sflag:s6] =	ssyncadd.s32 $0xFFFFF000  }
0x12c: {  	_ =	swait.ge [sflag:s6], $0x1000  }
0x12d: {  	[sflag:s6] =	ssyncset.done $0x0  }
0x12e: {  	[sflag:s6] =	ssyncadd.s32 $0xFFFFF000  }
0x12f: {  	_ =	swait.ge [sflag:s6], $0x1000  }
0x130: {  	[sflag:s6] =	ssyncset.done $0x0  }
0x131: {  	[sflag:s6] =	ssyncadd.s32 $0xFFFFF000  }
0x132: {  	_ =	swait.ge [sflag:s6], $0x1000  }
0x133: {  	[sflag:s6] =	ssyncset.done $0x0  }
0x134: {  	[sflag:s6] =	ssyncadd.s32 $0xFFFFF000  }
0x135: {  	_ =	swait.ge [sflag:s6], $0x1000  }
0x136: {  	s30 =	sld [smem:$0x7D3]  }
0x137: {  	s31 =	sld [smem:$0x7D4]  }
0x138: {  	[sflag:s6] =	ssyncset.done $0x0  }
0x139: {  	[sflag:s6] =	ssyncadd.s32 $0xFFFFF000  }
0x13a: {  	[hbm:s30], [sflag:s5] =	dma.local [spmem:s31], $0x1000  }
0x13b: {  	s7 =	sld [smem:$0x7D5]  }
0x13c: {  	s8 =	sld [smem:$0x7D6];
	_ =	sdelay $0x2  }
0x13d: {  	[hbm:s7], [sflag:s5] =	dma.local [spmem:s8], $0x1000  }
0x13e: {  	s7 =	sld [smem:$0x7D7]  }
0x13f: {  	s8 =	sld [smem:$0x7D8];
	_ =	sdelay $0x2  }
0x140: {  	[hbm:s7], [sflag:s5] =	dma.local [spmem:s8], $0x1000  }
0x141: {  	s7 =	sld [smem:$0x7D9]  }
0x142: {  	s8 =	sld [smem:$0x7DA];
	_ =	sdelay $0x2  }
0x143: {  	[hbm:s7], [sflag:s5] =	dma.local [spmem:s8], $0x1000  }
0x144: {  	s7 =	sld [smem:$0x7DB]  }
0x145: {  	s8 =	sld [smem:$0x7DC];
	_ =	sdelay $0x2  }
0x146: {  	[hbm:s7], [sflag:s5] =	dma.local [spmem:s8], $0x1000  }
0x147: {  	s7 =	sld [smem:$0x7DD]  }
0x148: {  	s8 =	sld [smem:$0x7DE];
	_ =	sdelay $0x2  }
0x149: {  	[hbm:s7], [sflag:s5] =	dma.local [spmem:s8], $0x1000  }
0x14a: {  	s7 =	sld [smem:$0x7DF]  }
0x14b: {  	s8 =	sld [smem:$0x7E0];
	_ =	sdelay $0x2  }
0x14c: {  	[hbm:s7], [sflag:s5] =	dma.local [spmem:s8], $0x1000  }
0x14d: {  	s7 =	sld [smem:$0x7E1]  }
0x14e: {  	s8 =	sld [smem:$0x7E2];
	_ =	sdelay $0x2  }
0x14f: {  	[hbm:s7], [sflag:s5] =	dma.local [spmem:s8], $0x1000  }
0x150: {  	s7 =	sld [smem:$0x7E3]  }
0x151: {  	s8 =	sld [smem:$0x7E4];
	_ =	sdelay $0x2  }
0x152: {  	[hbm:s7], [sflag:s5] =	dma.local [spmem:s8], $0x1000  }
0x153: {  	s7 =	sld [smem:$0x7E5]  }
0x154: {  	s8 =	sld [smem:$0x7E6];
	_ =	sdelay $0x2  }
0x155: {  	[hbm:s7], [sflag:s5] =	dma.local [spmem:s8], $0x1000  }
0x156: {  	s7 =	sld [smem:$0x7E7]  }
0x157: {  	s8 =	sld [smem:$0x7E8];
	_ =	sdelay $0x2  }
0x158: {  	[hbm:s7], [sflag:s5] =	dma.local [spmem:s8], $0x1000  }
0x159: {  	s8 =	sld [smem:$0x7E9]  }
0x15a: {  	s9 =	sadd.s32 $0x47D00, s28  }
0x15b: {  	s7 =	sshrl.u32 s9, $0x3  }
0x15c: {  	[hbm:s8], [sflag:s5] =	dma.local [spmem:s7], $0x1000  }
0x15d: {  	s9 =	sld [smem:$0x7EA]  }
0x15e: {  	s10 =	sadd.s32 $0x37D00, s28  }
0x15f: {  	s8 =	sshrl.u32 s10, $0x3  }
0x160: {  	[hbm:s9], [sflag:s5] =	dma.local [spmem:s8], $0x1000  }
0x161: {  	s10 =	sld [smem:$0x7EB]  }
0x162: {  	s11 =	sadd.s32 $0x27D00, s28  }
0x163: {  	s9 =	sshrl.u32 s11, $0x3  }
0x164: {  	[hbm:s10], [sflag:s5] =	dma.local [spmem:s9], $0x1000  }
0x165: {  	s11 =	sld [smem:$0x7EC]  }
0x166: {  	s12 =	sadd.s32 $0x17D00, s28  }
0x167: {  	s10 =	sshrl.u32 s12, $0x3  }
0x168: {  	[hbm:s11], [sflag:s5] =	dma.local [spmem:s10], $0x1000  }
0x169: {  	s12 =	sld [smem:$0x7ED]  }
0x16a: {  	s13 =	sadd.s32 $0x7D00, s28  }
0x16b: {  	s11 =	sshrl.u32 s13, $0x3  }
0x16c: {  	[hbm:s12], [sflag:s5] =	dma.local [spmem:s11], $0x1000  }
0x16d: {  	_ =	swait.ge [sflag:s6], $0x1000  }
0x16e: {  	[sflag:s6] =	ssyncset.done $0x0  }
0x16f: {  	[sflag:s6] =	ssyncadd.s32 $0xFFFFF000  }
0x170: {  	_ =	swait.ge [sflag:s6], $0x1000  }
0x171: {  	[sflag:s6] =	ssyncset.done $0x0  }
0x172: {  	[sflag:s6] =	ssyncadd.s32 $0xFFFFF000  }
0x173: {  	_ =	swait.ge [sflag:s6], $0x1000  }
0x174: {  	[sflag:s6] =	ssyncset.done $0x0  }
0x175: {  	[sflag:s6] =	ssyncadd.s32 $0xFFFFF000  }
0x176: {  	_ =	swait.ge [sflag:s6], $0x1000  }
0x177: {  	[sflag:s6] =	ssyncset.done $0x0  }
0x178: {  	[sflag:s6] =	ssyncadd.s32 $0xFFFFF000  }
0x179: {  	_ =	swait.ge [sflag:s6], $0x1000  }
0x17a: {  	[sflag:s6] =	ssyncset.done $0x0  }
0x17b: {  	[sflag:s6] =	ssyncadd.s32 $0xFFFFF000  }
0x17c: {  	_ =	swait.ge [sflag:s6], $0x1000  }
0x17d: {  	[sflag:s6] =	ssyncset.done $0x0  }
0x17e: {  	[sflag:s6] =	ssyncadd.s32 $0xFFFFF000  }
0x17f: {  	_ =	swait.ge [sflag:s6], $0x1000  }
0x180: {  	[sflag:s6] =	ssyncset.done $0x0  }
0x181: {  	[sflag:s6] =	ssyncadd.s32 $0xFFFFF000  }
0x182: {  	_ =	swait.ge [sflag:s6], $0x1000  }
0x183: {  	[sflag:s6] =	ssyncset.done $0x0  }
0x184: {  	[sflag:s6] =	ssyncadd.s32 $0xFFFFF000  }
0x185: {  	_ =	swait.ge [sflag:s6], $0x1000  }
0x186: {  	[sflag:s6] =	ssyncset.done $0x0  }
0x187: {  	[sflag:s6] =	ssyncadd.s32 $0xFFFFF000  }
0x188: {  	_ =	swait.ge [sflag:s6], $0x1000  }
0x189: {  	[sflag:s6] =	ssyncset.done $0x0  }
0x18a: {  	[sflag:s6] =	ssyncadd.s32 $0xFFFFF000  }
0x18b: {  	_ =	swait.ge [sflag:s6], $0x1000  }
0x18c: {  	[sflag:s6] =	ssyncset.done $0x0  }
0x18d: {  	[sflag:s6] =	ssyncadd.s32 $0xFFFFF000  }
0x18e: {  	_ =	swait.ge [sflag:s6], $0x1000  }
0x18f: {  	[sflag:s6] =	ssyncset.done $0x0  }
0x190: {  	[sflag:s6] =	ssyncadd.s32 $0xFFFFF000  }
0x191: {  	_ =	swait.ge [sflag:s6], $0x1000  }
0x192: {  	[sflag:s6] =	ssyncset.done $0x0  }
0x193: {  	[sflag:s6] =	ssyncadd.s32 $0xFFFFF000  }
0x194: {  	_ =	swait.ge [sflag:s6], $0x1000  }
0x195: {  	[sflag:s6] =	ssyncset.done $0x0  }
0x196: {  	[sflag:s6] =	ssyncadd.s32 $0xFFFFF000  }
0x197: {  	_ =	swait.ge [sflag:s6], $0x1000  }
0x198: {  	[sflag:s6] =	ssyncset.done $0x0  }
0x199: {  	[sflag:s6] =	ssyncadd.s32 $0xFFFFF000  }
0x19a: {  	_ =	swait.ge [sflag:s6], $0x1000  }
0x19b: {  	s13 =	sld [smem:$0x7EE]  }
0x19c: {  	s14 =	sadd.s32 $0x77C80, s28;
	[sflag:s6] =	ssyncset.done $0x0  }
0x19d: {  	s12 =	sshrl.u32 s14, $0x3;
	[sflag:s6] =	ssyncadd.s32 $0xFFFFF000  }
0x19e: {  	[hbm:s13], [sflag:s5] =	dma.local [spmem:s12], $0x1000  }
0x19f: {  	s14 =	sld [smem:$0x7EF]  }
0x1a0: {  	s15 =	sadd.s32 $0x67C80, s28  }
0x1a1: {  	s13 =	sshrl.u32 s15, $0x3  }
0x1a2: {  	[hbm:s14], [sflag:s5] =	dma.local [spmem:s13], $0x1000  }
0x1a3: {  	s15 =	sld [smem:$0x7F0]  }
0x1a4: {  	s16 =	sadd.s32 $0x57C80, s28  }
0x1a5: {  	s14 =	sshrl.u32 s16, $0x3  }
0x1a6: {  	[hbm:s15], [sflag:s5] =	dma.local [spmem:s14], $0x1000  }
0x1a7: {  	s16 =	sld [smem:$0x7F1]  }
0x1a8: {  	s17 =	sadd.s32 $0x47C80, s28  }
0x1a9: {  	s15 =	sshrl.u32 s17, $0x3  }
0x1aa: {  	[hbm:s16], [sflag:s5] =	dma.local [spmem:s15], $0x1000  }
0x1ab: {  	s17 =	sld [smem:$0x7F2]  }
0x1ac: {  	s18 =	sadd.s32 $0x37C80, s28  }
0x1ad: {  	s16 =	sshrl.u32 s18, $0x3  }
0x1ae: {  	[hbm:s17], [sflag:s5] =	dma.local [spmem:s16], $0x1000  }
0x1af: {  	s18 =	sld [smem:$0x7F3]  }
0x1b0: {  	s19 =	sadd.s32 $0x27C80, s28  }
0x1b1: {  	s17 =	sshrl.u32 s19, $0x3  }
0x1b2: {  	[hbm:s18], [sflag:s5] =	dma.local [spmem:s17], $0x1000  }
0x1b3: {  	s19 =	sld [smem:$0x7F4]  }
0x1b4: {  	s20 =	sadd.s32 $0x17C80, s28  }
0x1b5: {  	s18 =	sshrl.u32 s20, $0x3  }
0x1b6: {  	[hbm:s19], [sflag:s5] =	dma.local [spmem:s18], $0x1000  }
0x1b7: {  	s20 =	sld [smem:$0x7F5]  }
0x1b8: {  	s21 =	sadd.s32 $0x7C80, s28  }
0x1b9: {  	s19 =	sshrl.u32 s21, $0x3  }
0x1ba: {  	[hbm:s20], [sflag:s5] =	dma.local [spmem:s19], $0x1000  }
0x1bb: {  	s21 =	sld [smem:$0x7F6]  }
0x1bc: {  	s22 =	sadd.s32 $0x77C00, s28  }
0x1bd: {  	s20 =	sshrl.u32 s22, $0x3  }
0x1be: {  	[hbm:s21], [sflag:s5] =	dma.local [spmem:s20], $0x1000  }
0x1bf: {  	s22 =	sld [smem:$0x7F7]  }
0x1c0: {  	s23 =	sadd.s32 $0x67C00, s28  }
0x1c1: {  	s21 =	sshrl.u32 s23, $0x3  }
0x1c2: {  	[hbm:s22], [sflag:s5] =	dma.local [spmem:s21], $0x1000  }
0x1c3: {  	s23 =	sld [smem:$0x7F8]  }
0x1c4: {  	s24 =	sadd.s32 $0x57C00, s28  }
0x1c5: {  	s22 =	sshrl.u32 s24, $0x3  }
0x1c6: {  	[hbm:s23], [sflag:s5] =	dma.local [spmem:s22], $0x1000  }
0x1c7: {  	s24 =	sld [smem:$0x7F9]  }
0x1c8: {  	s25 =	sadd.s32 $0x47C00, s28  }
0x1c9: {  	s23 =	sshrl.u32 s25, $0x3  }
0x1ca: {  	[hbm:s24], [sflag:s5] =	dma.local [spmem:s23], $0x1000  }
0x1cb: {  	s25 =	sld [smem:$0x7FA]  }
0x1cc: {  	s26 =	sadd.s32 $0x37C00, s28  }
0x1cd: {  	s24 =	sshrl.u32 s26, $0x3  }
0x1ce: {  	[hbm:s25], [sflag:s5] =	dma.local [spmem:s24], $0x1000  }
0x1cf: {  	s26 =	sld [smem:$0x7FB]  }
0x1d0: {  	s30 =	sadd.s32 $0x27C00, s28  }
0x1d1: {  	s25 =	sshrl.u32 s30, $0x3  }
0x1d2: {  	[hbm:s26], [sflag:s5] =	dma.local [spmem:s25], $0x1000  }
0x1d3: {  	s29 =	ssub.s32 $0x2, s29;
	s31 =	sadd.s32 $0x17C00, s28;
	s30 =	sld [smem:$0x7FC]  }
0x1d4: {  	s26 =	sshrl.u32 s31, $0x3;
	s31 =	sshrl.u32 s29, $0x1  }
0x1d5: {  	s29 =	ssub.s32 s29, s31  }
0x1d6: {  	[hbm:s30], [sflag:s5] =	dma.local [spmem:s26], $0x1000  }
0x1d7: {  	s29 =	smax.u32 s29, $0x1;
	s30 =	sld [smem:$0x7FD]  }
0x1d8: {  	s28 =	sadd.s32 $0x7C00, s28;
	s29 =	sadd.s32 $0xFFFFFFFF, s29  }
0x1d9: {  	s28 =	sshrl.u32 s28, $0x3;
	p1 =	sne.s32 s29, $0x0  }
0x1da: {  	[hbm:s30], [sflag:s5] =	dma.local [spmem:s28], $0x1000  }
.Ltmp0:
0x1db: {  	_ =	swait.ge [sflag:s6], $0x1000;
	(pc) =	sbr.rel @!p1 .LBB2_2-.Ltmp0, $4  }
0x1dc: {  	[sflag:s6] =	ssyncset.done $0x0  }
0x1dd: {  	[sflag:s6] =	ssyncadd.s32 $0xFFFFF000  }
0x1de: {  	_ =	swait.ge [sflag:s6], $0x1000  }
0x1df: {  	[sflag:s6] =	ssyncset.done $0x0  }
.LBB2_1:
0x1e0: {  	[sflag:s6] =	ssyncadd.s32 $0xFFFFF000  }
0x1e1: {  	_ =	swait.ge [sflag:s6], $0x1000  }
0x1e2: {  	[sflag:s6] =	ssyncset.done $0x0  }
0x1e3: {  	[sflag:s6] =	ssyncadd.s32 $0xFFFFF000  }
0x1e4: {  	_ =	swait.ge [sflag:s6], $0x1000  }
0x1e5: {  	[sflag:s6] =	ssyncset.done $0x0  }
0x1e6: {  	[sflag:s6] =	ssyncadd.s32 $0xFFFFF000  }
0x1e7: {  	_ =	swait.ge [sflag:s6], $0x1000  }
0x1e8: {  	[sflag:s6] =	ssyncset.done $0x0  }
0x1e9: {  	[sflag:s6] =	ssyncadd.s32 $0xFFFFF000  }
0x1ea: {  	_ =	swait.ge [sflag:s6], $0x1000  }
0x1eb: {  	[sflag:s6] =	ssyncset.done $0x0  }
0x1ec: {  	[sflag:s6] =	ssyncadd.s32 $0xFFFFF000  }
0x1ed: {  	_ =	swait.ge [sflag:s6], $0x1000  }
0x1ee: {  	[sflag:s6] =	ssyncset.done $0x0  }
0x1ef: {  	[sflag:s6] =	ssyncadd.s32 $0xFFFFF000  }
0x1f0: {  	_ =	swait.ge [sflag:s6], $0x1000  }
0x1f1: {  	[sflag:s6] =	ssyncset.done $0x0  }
0x1f2: {  	[sflag:s6] =	ssyncadd.s32 $0xFFFFF000  }
0x1f3: {  	_ =	swait.ge [sflag:s6], $0x1000  }
0x1f4: {  	[sflag:s6] =	ssyncset.done $0x0  }
0x1f5: {  	[sflag:s6] =	ssyncadd.s32 $0xFFFFF000  }
0x1f6: {  	_ =	swait.ge [sflag:s6], $0x1000  }
0x1f7: {  	[sflag:s6] =	ssyncset.done $0x0  }
0x1f8: {  	[sflag:s6] =	ssyncadd.s32 $0xFFFFF000  }
0x1f9: {  	_ =	swait.ge [sflag:s6], $0x1000  }
0x1fa: {  	[sflag:s6] =	ssyncset.done $0x0  }
0x1fb: {  	[sflag:s6] =	ssyncadd.s32 $0xFFFFF000  }
0x1fc: {  	_ =	swait.ge [sflag:s6], $0x1000  }
0x1fd: {  	[sflag:s6] =	ssyncset.done $0x0  }
0x1fe: {  	[sflag:s6] =	ssyncadd.s32 $0xFFFFF000  }
0x1ff: {  	_ =	swait.ge [sflag:s6], $0x1000  }
0x200: {  	[sflag:s6] =	ssyncset.done $0x0  }
0x201: {  	[sflag:s6] =	ssyncadd.s32 $0xFFFFF000  }
0x202: {  	_ =	swait.ge [sflag:s6], $0x1000  }
0x203: {  	[sflag:s6] =	ssyncset.done $0x0  }
0x204: {  	[sflag:s6] =	ssyncadd.s32 $0xFFFFF000  }
0x205: {  	_ =	swait.ge [sflag:s6], $0x1000  }
0x206: {  	[sflag:s6] =	ssyncset.done $0x0  }
0x207: {  	[sflag:s6] =	ssyncadd.s32 $0xFFFFF000  }
0x208: {  	_ =	swait.ge [sflag:s6], $0x1000  }
0x209: {  	[sflag:s6] =	ssyncset.done $0x0  }
0x20a: {  	s30 =	rddreg [dreg:$0x4];
	[sflag:s6] =	ssyncadd.s32 $0xFFFFF000  }
0x20b: {  	[spmem:s2], [sflag:s3] =	dma.local @!p0 [hbm:s30], $0x10000  }
0x20c: {  	_ =	swait.ge @!p0 [sflag:s4], $0x10000  }
0x20d: {  	[sflag:s4] =	ssyncset.done @!p0 $0x0  }
0x20e: {  	[sflag:s4] =	ssyncadd.s32 @!p0 $0xFFFF0000  }
0x20f: {  	[bflag:$0x0] =	sbarrier.arrive $0xFFFF  }
0x210: {  	s31 =	sld [smem:$0x7AF];
	_ =	sdelay $0x2  }
0x211: {  	[hbm:s1], [sflag:s5] =	dma.local [spmem:s31], $0x1000  }
0x212: {  	s31 =	sld [smem:$0x7B0];
	_ =	sdelay $0x1  }
0x213: {  	s30 =	rddreg [dreg:$0x5]  }
0x214: {  	[hbm:s30], [sflag:s5] =	dma.local [spmem:s31], $0x1000  }
0x215: {  	s31 =	sld [smem:$0x7B1];
	_ =	sdelay $0x1  }
0x216: {  	s30 =	rddreg [dreg:$0x6]  }
0x217: {  	[hbm:s30], [sflag:s5] =	dma.local [spmem:s31], $0x1000  }
0x218: {  	s31 =	sld [smem:$0x7B2];
	_ =	sdelay $0x1  }
0x219: {  	s30 =	rddreg [dreg:$0x7]  }
0x21a: {  	[hbm:s30], [sflag:s5] =	dma.local [spmem:s31], $0x1000  }
0x21b: {  	s31 =	sld [smem:$0x7B3];
	_ =	sdelay $0x1  }
0x21c: {  	s30 =	rddreg [dreg:$0x8]  }
0x21d: {  	[hbm:s30], [sflag:s5] =	dma.local [spmem:s31], $0x1000  }
0x21e: {  	s31 =	sld [smem:$0x7B4];
	_ =	sdelay $0x1  }
0x21f: {  	s30 =	rddreg [dreg:$0x9]  }
0x220: {  	[hbm:s30], [sflag:s5] =	dma.local [spmem:s31], $0x1000  }
0x221: {  	s31 =	sld [smem:$0x7B5];
	_ =	sdelay $0x1  }
0x222: {  	s30 =	rddreg [dreg:$0xa]  }
0x223: {  	[hbm:s30], [sflag:s5] =	dma.local [spmem:s31], $0x1000  }
0x224: {  	s31 =	sld [smem:$0x7B6];
	_ =	sdelay $0x1  }
0x225: {  	s30 =	rddreg [dreg:$0xb]  }
0x226: {  	[hbm:s30], [sflag:s5] =	dma.local [spmem:s31], $0x1000  }
0x227: {  	s31 =	sld [smem:$0x7B7];
	_ =	sdelay $0x1  }
0x228: {  	s30 =	rddreg [dreg:$0xc]  }
0x229: {  	[hbm:s30], [sflag:s5] =	dma.local [spmem:s31], $0x1000  }
0x22a: {  	s31 =	sld [smem:$0x7B8];
	_ =	sdelay $0x1  }
0x22b: {  	s30 =	rddreg [dreg:$0xd]  }
0x22c: {  	[hbm:s30], [sflag:s5] =	dma.local [spmem:s31], $0x1000  }
0x22d: {  	s31 =	sld [smem:$0x7B9];
	_ =	sdelay $0x1  }
0x22e: {  	s30 =	rddreg [dreg:$0xe]  }
0x22f: {  	[hbm:s30], [sflag:s5] =	dma.local [spmem:s31], $0x1000  }
0x230: {  	s31 =	sld [smem:$0x7BA];
	_ =	sdelay $0x1  }
0x231: {  	s30 =	rddreg [dreg:$0xf]  }
0x232: {  	[hbm:s30], [sflag:s5] =	dma.local [spmem:s31], $0x1000  }
0x233: {  	s31 =	sld [smem:$0x7BB];
	_ =	sdelay $0x1  }
0x234: {  	s30 =	rddreg [dreg:$0x10]  }
0x235: {  	[hbm:s30], [sflag:s5] =	dma.local [spmem:s31], $0x1000  }
0x236: {  	s31 =	sld [smem:$0x7BC];
	_ =	sdelay $0x1  }
0x237: {  	s30 =	rddreg [dreg:$0x11]  }
0x238: {  	[hbm:s30], [sflag:s5] =	dma.local [spmem:s31], $0x1000  }
0x239: {  	s31 =	sld [smem:$0x7BD];
	_ =	sdelay $0x1  }
0x23a: {  	s30 =	rddreg [dreg:$0x12]  }
0x23b: {  	[hbm:s30], [sflag:s5] =	dma.local [spmem:s31], $0x1000  }
0x23c: {  	s31 =	sld [smem:$0x7BE];
	_ =	sdelay $0x1  }
0x23d: {  	s30 =	rddreg [dreg:$0x13]  }
0x23e: {  	[hbm:s30], [sflag:s5] =	dma.local [spmem:s31], $0x1000  }
0x23f: {  	_ =	swait.ge [sflag:s6], $0x1000  }
0x240: {  	[sflag:s6] =	ssyncset.done $0x0  }
0x241: {  	[sflag:s6] =	ssyncadd.s32 $0xFFFFF000  }
0x242: {  	_ =	swait.ge [sflag:s6], $0x1000  }
0x243: {  	[sflag:s6] =	ssyncset.done $0x0  }
0x244: {  	[sflag:s6] =	ssyncadd.s32 $0xFFFFF000  }
0x245: {  	_ =	swait.ge [sflag:s6], $0x1000  }
0x246: {  	[sflag:s6] =	ssyncset.done $0x0  }
0x247: {  	[sflag:s6] =	ssyncadd.s32 $0xFFFFF000  }
0x248: {  	_ =	swait.ge [sflag:s6], $0x1000  }
0x249: {  	[sflag:s6] =	ssyncset.done $0x0  }
0x24a: {  	[sflag:s6] =	ssyncadd.s32 $0xFFFFF000  }
0x24b: {  	_ =	swait.ge [sflag:s6], $0x1000  }
0x24c: {  	[sflag:s6] =	ssyncset.done $0x0  }
0x24d: {  	[sflag:s6] =	ssyncadd.s32 $0xFFFFF000  }
0x24e: {  	_ =	swait.ge [sflag:s6], $0x1000  }
0x24f: {  	[sflag:s6] =	ssyncset.done $0x0  }
0x250: {  	[sflag:s6] =	ssyncadd.s32 $0xFFFFF000  }
0x251: {  	_ =	swait.ge [sflag:s6], $0x1000  }
0x252: {  	[sflag:s6] =	ssyncset.done $0x0  }
0x253: {  	[sflag:s6] =	ssyncadd.s32 $0xFFFFF000  }
0x254: {  	_ =	swait.ge [sflag:s6], $0x1000  }
0x255: {  	[sflag:s6] =	ssyncset.done $0x0  }
0x256: {  	[sflag:s6] =	ssyncadd.s32 $0xFFFFF000  }
0x257: {  	_ =	swait.ge [sflag:s6], $0x1000  }
0x258: {  	[sflag:s6] =	ssyncset.done $0x0  }
0x259: {  	[sflag:s6] =	ssyncadd.s32 $0xFFFFF000  }
0x25a: {  	_ =	swait.ge [sflag:s6], $0x1000  }
0x25b: {  	[sflag:s6] =	ssyncset.done $0x0  }
0x25c: {  	[sflag:s6] =	ssyncadd.s32 $0xFFFFF000  }
0x25d: {  	_ =	swait.ge [sflag:s6], $0x1000  }
0x25e: {  	[sflag:s6] =	ssyncset.done $0x0  }
0x25f: {  	[sflag:s6] =	ssyncadd.s32 $0xFFFFF000  }
0x260: {  	_ =	swait.ge [sflag:s6], $0x1000  }
0x261: {  	[sflag:s6] =	ssyncset.done $0x0  }
0x262: {  	[sflag:s6] =	ssyncadd.s32 $0xFFFFF000  }
0x263: {  	_ =	swait.ge [sflag:s6], $0x1000  }
0x264: {  	[sflag:s6] =	ssyncset.done $0x0  }
0x265: {  	[sflag:s6] =	ssyncadd.s32 $0xFFFFF000  }
0x266: {  	_ =	swait.ge [sflag:s6], $0x1000  }
0x267: {  	[sflag:s6] =	ssyncset.done $0x0  }
0x268: {  	[sflag:s6] =	ssyncadd.s32 $0xFFFFF000  }
0x269: {  	_ =	swait.ge [sflag:s6], $0x1000  }
0x26a: {  	[sflag:s6] =	ssyncset.done $0x0  }
0x26b: {  	[sflag:s6] =	ssyncadd.s32 $0xFFFFF000  }
0x26c: {  	_ =	swait.ge [sflag:s6], $0x1000  }
0x26d: {  	s31 =	sld [smem:$0x7BF]  }
0x26e: {  	[sflag:s6] =	ssyncset.done $0x0  }
0x26f: {  	s30 =	rddreg [dreg:$0x14];
	[sflag:s6] =	ssyncadd.s32 $0xFFFFF000  }
0x270: {  	[hbm:s30], [sflag:s5] =	dma.local [spmem:s31], $0x1000  }
0x271: {  	s31 =	sld [smem:$0x7C0];
	_ =	sdelay $0x1  }
0x272: {  	s30 =	rddreg [dreg:$0x15]  }
0x273: {  	[hbm:s30], [sflag:s5] =	dma.local [spmem:s31], $0x1000  }
0x274: {  	s31 =	sld [smem:$0x7C1];
	_ =	sdelay $0x1  }
0x275: {  	s30 =	rddreg [dreg:$0x16]  }
0x276: {  	[hbm:s30], [sflag:s5] =	dma.local [spmem:s31], $0x1000  }
0x277: {  	s31 =	sld [smem:$0x7C2];
	_ =	sdelay $0x1  }
0x278: {  	s30 =	rddreg [dreg:$0x17]  }
0x279: {  	[hbm:s30], [sflag:s5] =	dma.local [spmem:s31], $0x1000  }
0x27a: {  	s31 =	sld [smem:$0x7C3];
	_ =	sdelay $0x1  }
0x27b: {  	s30 =	rddreg [dreg:$0x18]  }
0x27c: {  	[hbm:s30], [sflag:s5] =	dma.local [spmem:s31], $0x1000  }
0x27d: {  	s31 =	sld [smem:$0x7C4];
	_ =	sdelay $0x1  }
0x27e: {  	s30 =	rddreg [dreg:$0x19]  }
0x27f: {  	[hbm:s30], [sflag:s5] =	dma.local [spmem:s31], $0x1000  }
0x280: {  	s31 =	sld [smem:$0x7C5];
	_ =	sdelay $0x1  }
0x281: {  	s30 =	rddreg [dreg:$0x1a]  }
0x282: {  	[hbm:s30], [sflag:s5] =	dma.local [spmem:s31], $0x1000  }
0x283: {  	s31 =	sld [smem:$0x7C6];
	_ =	sdelay $0x1  }
0x284: {  	s30 =	rddreg [dreg:$0x1b]  }
0x285: {  	[hbm:s30], [sflag:s5] =	dma.local [spmem:s31], $0x1000  }
0x286: {  	s31 =	sld [smem:$0x7C7];
	_ =	sdelay $0x1  }
0x287: {  	s30 =	rddreg [dreg:$0x1c]  }
0x288: {  	[hbm:s30], [sflag:s5] =	dma.local [spmem:s31], $0x1000  }
0x289: {  	s31 =	sld [smem:$0x7C8];
	_ =	sdelay $0x1  }
0x28a: {  	s30 =	rddreg [dreg:$0x1d]  }
0x28b: {  	[hbm:s30], [sflag:s5] =	dma.local [spmem:s31], $0x1000  }
0x28c: {  	s31 =	sld [smem:$0x7C9];
	_ =	sdelay $0x1  }
0x28d: {  	s30 =	rddreg [dreg:$0x1e]  }
0x28e: {  	[hbm:s30], [sflag:s5] =	dma.local [spmem:s31], $0x1000  }
0x28f: {  	s31 =	sld [smem:$0x7CA];
	_ =	sdelay $0x1  }
0x290: {  	s30 =	rddreg [dreg:$0x1f]  }
0x291: {  	[hbm:s30], [sflag:s5] =	dma.local [spmem:s31], $0x1000  }
0x292: {  	s30 =	sld [smem:$0x7CB]  }
0x293: {  	s31 =	sld [smem:$0x7CC];
	_ =	sdelay $0x2  }
0x294: {  	[hbm:s30], [sflag:s5] =	dma.local [spmem:s31], $0x1000  }
0x295: {  	s30 =	sld [smem:$0x7CD]  }
0x296: {  	s31 =	sld [smem:$0x7CE];
	_ =	sdelay $0x2  }
0x297: {  	[hbm:s30], [sflag:s5] =	dma.local [spmem:s31], $0x1000  }
0x298: {  	s30 =	sld [smem:$0x7CF]  }
0x299: {  	s31 =	sld [smem:$0x7D0];
	_ =	sdelay $0x2  }
0x29a: {  	[hbm:s30], [sflag:s5] =	dma.local [spmem:s31], $0x1000  }
0x29b: {  	s30 =	sld [smem:$0x7D1]  }
0x29c: {  	s31 =	sld [smem:$0x7D2];
	_ =	sdelay $0x2  }
0x29d: {  	[hbm:s30], [sflag:s5] =	dma.local [spmem:s31], $0x1000  }
0x29e: {  	_ =	swait.ge [sflag:s6], $0x1000  }
0x29f: {  	[sflag:s6] =	ssyncset.done $0x0  }
0x2a0: {  	[sflag:s6] =	ssyncadd.s32 $0xFFFFF000  }
0x2a1: {  	_ =	swait.ge [sflag:s6], $0x1000  }
0x2a2: {  	[sflag:s6] =	ssyncset.done $0x0  }
0x2a3: {  	[sflag:s6] =	ssyncadd.s32 $0xFFFFF000  }
0x2a4: {  	_ =	swait.ge [sflag:s6], $0x1000  }
0x2a5: {  	[sflag:s6] =	ssyncset.done $0x0  }
0x2a6: {  	[sflag:s6] =	ssyncadd.s32 $0xFFFFF000  }
0x2a7: {  	_ =	swait.ge [sflag:s6], $0x1000  }
0x2a8: {  	[sflag:s6] =	ssyncset.done $0x0  }
0x2a9: {  	[sflag:s6] =	ssyncadd.s32 $0xFFFFF000  }
0x2aa: {  	_ =	swait.ge [sflag:s6], $0x1000  }
0x2ab: {  	[sflag:s6] =	ssyncset.done $0x0  }
0x2ac: {  	[sflag:s6] =	ssyncadd.s32 $0xFFFFF000  }
0x2ad: {  	_ =	swait.ge [sflag:s6], $0x1000  }
0x2ae: {  	[sflag:s6] =	ssyncset.done $0x0  }
0x2af: {  	[sflag:s6] =	ssyncadd.s32 $0xFFFFF000  }
0x2b0: {  	_ =	swait.ge [sflag:s6], $0x1000  }
0x2b1: {  	[sflag:s6] =	ssyncset.done $0x0  }
0x2b2: {  	[sflag:s6] =	ssyncadd.s32 $0xFFFFF000  }
0x2b3: {  	_ =	swait.ge [sflag:s6], $0x1000  }
0x2b4: {  	[sflag:s6] =	ssyncset.done $0x0  }
0x2b5: {  	[sflag:s6] =	ssyncadd.s32 $0xFFFFF000  }
0x2b6: {  	_ =	swait.ge [sflag:s6], $0x1000  }
0x2b7: {  	[sflag:s6] =	ssyncset.done $0x0  }
0x2b8: {  	[sflag:s6] =	ssyncadd.s32 $0xFFFFF000  }
0x2b9: {  	_ =	swait.ge [sflag:s6], $0x1000  }
0x2ba: {  	[sflag:s6] =	ssyncset.done $0x0  }
0x2bb: {  	[sflag:s6] =	ssyncadd.s32 $0xFFFFF000  }
0x2bc: {  	_ =	swait.ge [sflag:s6], $0x1000  }
0x2bd: {  	[sflag:s6] =	ssyncset.done $0x0  }
0x2be: {  	[sflag:s6] =	ssyncadd.s32 $0xFFFFF000  }
0x2bf: {  	_ =	swait.ge [sflag:s6], $0x1000  }
0x2c0: {  	[sflag:s6] =	ssyncset.done $0x0  }
0x2c1: {  	[sflag:s6] =	ssyncadd.s32 $0xFFFFF000  }
0x2c2: {  	_ =	swait.ge [sflag:s6], $0x1000  }
0x2c3: {  	[sflag:s6] =	ssyncset.done $0x0  }
0x2c4: {  	[sflag:s6] =	ssyncadd.s32 $0xFFFFF000  }
0x2c5: {  	_ =	swait.ge [sflag:s6], $0x1000  }
0x2c6: {  	[sflag:s6] =	ssyncset.done $0x0  }
0x2c7: {  	[sflag:s6] =	ssyncadd.s32 $0xFFFFF000  }
0x2c8: {  	_ =	swait.ge [sflag:s6], $0x1000  }
0x2c9: {  	[sflag:s6] =	ssyncset.done $0x0  }
0x2ca: {  	[sflag:s6] =	ssyncadd.s32 $0xFFFFF000  }
0x2cb: {  	_ =	swait.ge [sflag:s6], $0x1000  }
0x2cc: {  	s30 =	sld [smem:$0x7D3]  }
0x2cd: {  	s31 =	sld [smem:$0x7D4]  }
0x2ce: {  	[sflag:s6] =	ssyncset.done $0x0  }
0x2cf: {  	[sflag:s6] =	ssyncadd.s32 $0xFFFFF000  }
0x2d0: {  	[hbm:s30], [sflag:s5] =	dma.local [spmem:s31], $0x1000  }
0x2d1: {  	s30 =	sld [smem:$0x7D5]  }
0x2d2: {  	s31 =	sld [smem:$0x7D6];
	_ =	sdelay $0x2  }
0x2d3: {  	[hbm:s30], [sflag:s5] =	dma.local [spmem:s31], $0x1000  }
0x2d4: {  	s30 =	sld [smem:$0x7D7]  }
0x2d5: {  	s31 =	sld [smem:$0x7D8];
	_ =	sdelay $0x2  }
0x2d6: {  	[hbm:s30], [sflag:s5] =	dma.local [spmem:s31], $0x1000  }
0x2d7: {  	s30 =	sld [smem:$0x7D9]  }
0x2d8: {  	s31 =	sld [smem:$0x7DA];
	_ =	sdelay $0x2  }
0x2d9: {  	[hbm:s30], [sflag:s5] =	dma.local [spmem:s31], $0x1000  }
0x2da: {  	s30 =	sld [smem:$0x7DB]  }
0x2db: {  	s31 =	sld [smem:$0x7DC];
	_ =	sdelay $0x2  }
0x2dc: {  	[hbm:s30], [sflag:s5] =	dma.local [spmem:s31], $0x1000  }
0x2dd: {  	s30 =	sld [smem:$0x7DD]  }
0x2de: {  	s31 =	sld [smem:$0x7DE];
	_ =	sdelay $0x2  }
0x2df: {  	[hbm:s30], [sflag:s5] =	dma.local [spmem:s31], $0x1000  }
0x2e0: {  	s30 =	sld [smem:$0x7DF]  }
0x2e1: {  	s31 =	sld [smem:$0x7E0];
	_ =	sdelay $0x2  }
0x2e2: {  	[hbm:s30], [sflag:s5] =	dma.local [spmem:s31], $0x1000  }
0x2e3: {  	s30 =	sld [smem:$0x7E1]  }
0x2e4: {  	s31 =	sld [smem:$0x7E2];
	_ =	sdelay $0x2  }
0x2e5: {  	[hbm:s30], [sflag:s5] =	dma.local [spmem:s31], $0x1000  }
0x2e6: {  	s30 =	sld [smem:$0x7E3]  }
0x2e7: {  	s31 =	sld [smem:$0x7E4];
	_ =	sdelay $0x2  }
0x2e8: {  	[hbm:s30], [sflag:s5] =	dma.local [spmem:s31], $0x1000  }
0x2e9: {  	s30 =	sld [smem:$0x7E5]  }
0x2ea: {  	s31 =	sld [smem:$0x7E6];
	_ =	sdelay $0x2  }
0x2eb: {  	[hbm:s30], [sflag:s5] =	dma.local [spmem:s31], $0x1000  }
0x2ec: {  	s30 =	sld [smem:$0x7E7]  }
0x2ed: {  	s31 =	sld [smem:$0x7E8];
	_ =	sdelay $0x2  }
0x2ee: {  	[hbm:s30], [sflag:s5] =	dma.local [spmem:s31], $0x1000  }
0x2ef: {  	s30 =	sld [smem:$0x7E9];
	_ =	sdelay $0x2  }
0x2f0: {  	[hbm:s30], [sflag:s5] =	dma.local [spmem:s7], $0x1000  }
0x2f1: {  	s30 =	sld [smem:$0x7EA];
	_ =	sdelay $0x2  }
0x2f2: {  	[hbm:s30], [sflag:s5] =	dma.local [spmem:s8], $0x1000  }
0x2f3: {  	s30 =	sld [smem:$0x7EB];
	_ =	sdelay $0x2  }
0x2f4: {  	[hbm:s30], [sflag:s5] =	dma.local [spmem:s9], $0x1000  }
0x2f5: {  	s30 =	sld [smem:$0x7EC];
	_ =	sdelay $0x2  }
0x2f6: {  	[hbm:s30], [sflag:s5] =	dma.local [spmem:s10], $0x1000  }
0x2f7: {  	s30 =	sld [smem:$0x7ED];
	_ =	sdelay $0x2  }
0x2f8: {  	[hbm:s30], [sflag:s5] =	dma.local [spmem:s11], $0x1000  }
0x2f9: {  	_ =	swait.ge [sflag:s6], $0x1000  }
0x2fa: {  	[sflag:s6] =	ssyncset.done $0x0  }
0x2fb: {  	[sflag:s6] =	ssyncadd.s32 $0xFFFFF000  }
0x2fc: {  	_ =	swait.ge [sflag:s6], $0x1000  }
0x2fd: {  	[sflag:s6] =	ssyncset.done $0x0  }
0x2fe: {  	[sflag:s6] =	ssyncadd.s32 $0xFFFFF000  }
0x2ff: {  	_ =	swait.ge [sflag:s6], $0x1000  }
0x300: {  	[sflag:s6] =	ssyncset.done $0x0  }
0x301: {  	[sflag:s6] =	ssyncadd.s32 $0xFFFFF000  }
0x302: {  	_ =	swait.ge [sflag:s6], $0x1000  }
0x303: {  	[sflag:s6] =	ssyncset.done $0x0  }
0x304: {  	[sflag:s6] =	ssyncadd.s32 $0xFFFFF000  }
0x305: {  	_ =	swait.ge [sflag:s6], $0x1000  }
0x306: {  	[sflag:s6] =	ssyncset.done $0x0  }
0x307: {  	[sflag:s6] =	ssyncadd.s32 $0xFFFFF000  }
0x308: {  	_ =	swait.ge [sflag:s6], $0x1000  }
0x309: {  	[sflag:s6] =	ssyncset.done $0x0  }
0x30a: {  	[sflag:s6] =	ssyncadd.s32 $0xFFFFF000  }
0x30b: {  	_ =	swait.ge [sflag:s6], $0x1000  }
0x30c: {  	[sflag:s6] =	ssyncset.done $0x0  }
0x30d: {  	[sflag:s6] =	ssyncadd.s32 $0xFFFFF000  }
0x30e: {  	_ =	swait.ge [sflag:s6], $0x1000  }
0x30f: {  	[sflag:s6] =	ssyncset.done $0x0  }
0x310: {  	[sflag:s6] =	ssyncadd.s32 $0xFFFFF000  }
0x311: {  	_ =	swait.ge [sflag:s6], $0x1000  }
0x312: {  	[sflag:s6] =	ssyncset.done $0x0  }
0x313: {  	[sflag:s6] =	ssyncadd.s32 $0xFFFFF000  }
0x314: {  	_ =	swait.ge [sflag:s6], $0x1000  }
0x315: {  	[sflag:s6] =	ssyncset.done $0x0  }
0x316: {  	[sflag:s6] =	ssyncadd.s32 $0xFFFFF000  }
0x317: {  	_ =	swait.ge [sflag:s6], $0x1000  }
0x318: {  	[sflag:s6] =	ssyncset.done $0x0  }
0x319: {  	[sflag:s6] =	ssyncadd.s32 $0xFFFFF000  }
0x31a: {  	_ =	swait.ge [sflag:s6], $0x1000  }
0x31b: {  	[sflag:s6] =	ssyncset.done $0x0  }
0x31c: {  	[sflag:s6] =	ssyncadd.s32 $0xFFFFF000  }
0x31d: {  	_ =	swait.ge [sflag:s6], $0x1000  }
0x31e: {  	[sflag:s6] =	ssyncset.done $0x0  }
0x31f: {  	[sflag:s6] =	ssyncadd.s32 $0xFFFFF000  }
0x320: {  	_ =	swait.ge [sflag:s6], $0x1000  }
0x321: {  	[sflag:s6] =	ssyncset.done $0x0  }
0x322: {  	[sflag:s6] =	ssyncadd.s32 $0xFFFFF000  }
0x323: {  	_ =	swait.ge [sflag:s6], $0x1000  }
0x324: {  	[sflag:s6] =	ssyncset.done $0x0  }
0x325: {  	[sflag:s6] =	ssyncadd.s32 $0xFFFFF000  }
0x326: {  	_ =	swait.ge [sflag:s6], $0x1000  }
0x327: {  	s31 =	sld [smem:$0x7EE]  }
0x328: {  	[sflag:s6] =	ssyncset.done $0x0  }
0x329: {  	[sflag:s6] =	ssyncadd.s32 $0xFFFFF000  }
0x32a: {  	[hbm:s31], [sflag:s5] =	dma.local [spmem:s12], $0x1000  }
0x32b: {  	s30 =	sld [smem:$0x7EF];
	_ =	sdelay $0x2  }
0x32c: {  	[hbm:s30], [sflag:s5] =	dma.local [spmem:s13], $0x1000  }
0x32d: {  	s30 =	sld [smem:$0x7F0];
	_ =	sdelay $0x2  }
0x32e: {  	[hbm:s30], [sflag:s5] =	dma.local [spmem:s14], $0x1000  }
0x32f: {  	s30 =	sld [smem:$0x7F1];
	_ =	sdelay $0x2  }
0x330: {  	[hbm:s30], [sflag:s5] =	dma.local [spmem:s15], $0x1000  }
0x331: {  	s30 =	sld [smem:$0x7F2];
	_ =	sdelay $0x2  }
0x332: {  	[hbm:s30], [sflag:s5] =	dma.local [spmem:s16], $0x1000  }
0x333: {  	s30 =	sld [smem:$0x7F3];
	_ =	sdelay $0x2  }
0x334: {  	[hbm:s30], [sflag:s5] =	dma.local [spmem:s17], $0x1000  }
0x335: {  	s30 =	sld [smem:$0x7F4];
	_ =	sdelay $0x2  }
0x336: {  	[hbm:s30], [sflag:s5] =	dma.local [spmem:s18], $0x1000  }
0x337: {  	s30 =	sld [smem:$0x7F5];
	_ =	sdelay $0x2  }
0x338: {  	[hbm:s30], [sflag:s5] =	dma.local [spmem:s19], $0x1000  }
0x339: {  	s30 =	sld [smem:$0x7F6];
	_ =	sdelay $0x2  }
0x33a: {  	[hbm:s30], [sflag:s5] =	dma.local [spmem:s20], $0x1000  }
0x33b: {  	s30 =	sld [smem:$0x7F7];
	_ =	sdelay $0x2  }
0x33c: {  	[hbm:s30], [sflag:s5] =	dma.local [spmem:s21], $0x1000  }
0x33d: {  	s30 =	sld [smem:$0x7F8];
	_ =	sdelay $0x2  }
0x33e: {  	[hbm:s30], [sflag:s5] =	dma.local [spmem:s22], $0x1000  }
0x33f: {  	s30 =	sld [smem:$0x7F9];
	_ =	sdelay $0x2  }
0x340: {  	[hbm:s30], [sflag:s5] =	dma.local [spmem:s23], $0x1000  }
0x341: {  	s30 =	sld [smem:$0x7FA];
	_ =	sdelay $0x2  }
0x342: {  	[hbm:s30], [sflag:s5] =	dma.local [spmem:s24], $0x1000  }
0x343: {  	s30 =	sld [smem:$0x7FB];
	_ =	sdelay $0x2  }
0x344: {  	[hbm:s30], [sflag:s5] =	dma.local [spmem:s25], $0x1000  }
0x345: {  	s30 =	sld [smem:$0x7FC];
	_ =	sdelay $0x2  }
0x346: {  	[hbm:s30], [sflag:s5] =	dma.local [spmem:s26], $0x1000  }
0x347: {  	s30 =	sld [smem:$0x7FD]  }
0x348: {  	s29 =	sadd.s32 $0xFFFFFFFF, s29  }
0x349: {  	p1 =	sne.s32 s29, $0x0  }
0x34a: {  	[hbm:s30], [sflag:s5] =	dma.local [spmem:s28], $0x1000  }
.Ltmp1:
0x34b: {  	_ =	swait.ge [sflag:s6], $0x1000;
	(pc) =	sbr.rel @p1 .LBB2_1-.Ltmp1, $4  }
0x34c: {  	[sflag:s6] =	ssyncset.done $0x0  }
0x34d: {  	[sflag:s6] =	ssyncadd.s32 $0xFFFFF000  }
0x34e: {  	_ =	swait.ge [sflag:s6], $0x1000  }
0x34f: {  	[sflag:s6] =	ssyncset.done $0x0  }
.LBB2_2:
0x350: {  	[sflag:s6] =	ssyncadd.s32 $0xFFFFF000  }
0x351: {  	_ =	swait.ge [sflag:s6], $0x1000  }
0x352: {  	[sflag:s6] =	ssyncset.done $0x0  }
0x353: {  	[sflag:s6] =	ssyncadd.s32 $0xFFFFF000  }
0x354: {  	_ =	swait.ge [sflag:s6], $0x1000  }
0x355: {  	[sflag:s6] =	ssyncset.done $0x0  }
0x356: {  	[sflag:s6] =	ssyncadd.s32 $0xFFFFF000  }
0x357: {  	_ =	swait.ge [sflag:s6], $0x1000  }
0x358: {  	[sflag:s6] =	ssyncset.done $0x0  }
0x359: {  	[sflag:s6] =	ssyncadd.s32 $0xFFFFF000  }
0x35a: {  	_ =	swait.ge [sflag:s6], $0x1000  }
0x35b: {  	[sflag:s6] =	ssyncset.done $0x0  }
0x35c: {  	[sflag:s6] =	ssyncadd.s32 $0xFFFFF000  }
0x35d: {  	_ =	swait.ge [sflag:s6], $0x1000  }
0x35e: {  	[sflag:s6] =	ssyncset.done $0x0  }
0x35f: {  	[sflag:s6] =	ssyncadd.s32 $0xFFFFF000  }
0x360: {  	_ =	swait.ge [sflag:s6], $0x1000  }
0x361: {  	[sflag:s6] =	ssyncset.done $0x0  }
0x362: {  	[sflag:s6] =	ssyncadd.s32 $0xFFFFF000  }
0x363: {  	_ =	swait.ge [sflag:s6], $0x1000  }
0x364: {  	[sflag:s6] =	ssyncset.done $0x0  }
0x365: {  	[sflag:s6] =	ssyncadd.s32 $0xFFFFF000  }
0x366: {  	_ =	swait.ge [sflag:s6], $0x1000  }
0x367: {  	[sflag:s6] =	ssyncset.done $0x0  }
0x368: {  	[sflag:s6] =	ssyncadd.s32 $0xFFFFF000  }
0x369: {  	_ =	swait.ge [sflag:s6], $0x1000  }
0x36a: {  	[sflag:s6] =	ssyncset.done $0x0  }
0x36b: {  	[sflag:s6] =	ssyncadd.s32 $0xFFFFF000  }
0x36c: {  	_ =	swait.ge [sflag:s6], $0x1000  }
0x36d: {  	[sflag:s6] =	ssyncset.done $0x0  }
0x36e: {  	[sflag:s6] =	ssyncadd.s32 $0xFFFFF000  }
0x36f: {  	_ =	swait.ge [sflag:s6], $0x1000  }
0x370: {  	[sflag:s6] =	ssyncset.done $0x0  }
0x371: {  	[sflag:s6] =	ssyncadd.s32 $0xFFFFF000  }
0x372: {  	_ =	swait.ge [sflag:s6], $0x1000  }
0x373: {  	[sflag:s6] =	ssyncset.done $0x0  }
0x374: {  	[sflag:s6] =	ssyncadd.s32 $0xFFFFF000  }
0x375: {  	_ =	swait.ge [sflag:s6], $0x1000  }
0x376: {  	[sflag:s6] =	ssyncset.done $0x0  }
0x377: {  	[sflag:s6] =	ssyncadd.s32 $0xFFFFF000  }
0x378: {  	_ =	swait.ge [sflag:s6], $0x1000  }
0x379: {  	[sflag:s6] =	ssyncset.done $0x0  }
0x37a: {  	[sflag:s6] =	ssyncadd.s32 $0xFFFFF000  }
0x37b: {  	_ =	sfence.sel $0x180000  }
0x37c: {  	[bflag:$0x0] =	sbarrier.arrive $0xFFFF  }
0x37d: {  	_ =	strace $0x90000047  }
0x37e: {  	s0 =	sadd.s32 @!p0 $0x100000, s0;
	[bflag:$0x2] =	sbarrier.arrive $0xFFFF  }
0x37f: {  	[sflag:s0] =	ssyncadd.tile.s32 @!p0 $0x1;
	_ =	shalt  }
.Lfunc_end2:
_tile_overlayer_lowered:
.L_overlay_start_2:
0x380: {  	(tag) =	ssettag $0x2  }
0x381: {  	s0 =	rddreg [dreg:$0x0];
	s2 =	stileid.u32  }
0x382: {  	s1 =	rddreg [dreg:$0x1];
	p0 =	sne.s32 s2, $0x0  }
0x383: {  	s3 =	rddreg [dreg:$0x2];
	[bflag:$0x3] =	sbarrier.arrive $0xFFFF;
	s2 =	simm.s32 @!p0 $0x1C02  }
0x384: {  	[timem:s3], [sflag:s2] =	dma.local @!p0 [hbm:s0], s1  }
0x385: {  	s0 =	simm.s32 @!p0 $0x2  }
0x386: {  	_ =	swait.ge @!p0 [sflag:s0], s1  }
0x387: {  	s1 =	ssub.s32 @!p0 $0x0, s1;
	[sflag:s0] =	ssyncset.done @!p0 $0x0  }
0x388: {  	[sflag:s0] =	ssyncadd.s32 @!p0 s1  }
0x389: {  	[bflag:$0x3] =	sbarrier.arrive $0xFFFF  }
0x38a: {  	_ =	shalt  }

// kernel: sparse-core-data-format-call.cloned.1.call-start
scs
called_computation_lowered:
.L_overlay_start_0:
0x0: {  	s2 =	sld [smem:$0x3FD9]  }
0x1: {  	s3 =	sld [smem:$0x3FFE];
	_ =	sdelay $0x1  }
0x2: {  	s1 =	srdreg.scid  }
0x3: {  	s0 =	sand.u32 $0x1, s1  }
0x4: {  	s18 =	sshll.u32 s0, $0xA;
	s2 =	sadd.s32 s3, s2  }
0x5: {  	s2 =	sadd.s32 s2, s18  }
0x6: {  	[smem:$0x3FC7] =	sst s2  }
0x7: {  	_ = 	snop  }
0x8: {  	s2 =	sld [smem:$0x3FD0];
	(tm) =	ssettm $0x1  }
0x9: {  	s19 =	sld [smem:$0x3FFB];
	_ =	sdelay $0x3  }
0xa: {  	_ =	strace s19  }
0xb: {  	s3 =	sld [smem:$0x3FFC];
	_ =	sdelay $0x3  }
0xc: {  	_ =	strace s3  }
0xd: {  	s3 =	sld [smem:$0x3FFD];
	_ =	sdelay $0x3  }
0xe: {  	_ =	strace s3  }
0xf: {  	_ =	strace $0x8FFFFFFF  }
0x10: {  	s20 =	sld [smem:$0x3FDB];
	_ =	sdelay $0x1  }
0x11: {  	s4 =	simm.s32 $_scs_section_size  }
0x12: {  	s5 =	simm.s32 $_size__tile_overlayer_lowered;
	s6 =	simm.s32 $_tile_overlayer_lowered  }
0x13: {  	s23 =	simm.s32 $0x1BFF;
	s22 =	sshll.u32 s6, $0x1;
	s3 =	sadd.s32 s4, s20  }
0x14: {  	s7 =	simm.s32 $0x0;
	s21 =	sshll.u32 s5, $0x1;
	s5 =	sadd.s32 s22, s3  }
0x15: {  	[timem:s7], [sflag:s23] =	dma.local [hbm:s5], s21  }
0x16: {  	_ =	swait.ge [sflag:s23], s21  }
0x17: {  	s4 =	ssub.s32 $0x0, s21;
	[sflag:s23] =	ssyncset.done $0x0  }
0x18: {  	[sflag:s23] =	ssyncadd.s32 s4;
	_ =	sdelay $0x1  }
0x19: {  	s24 =	simm.s32 $0x1B8B  }
0x1a: {  	_ =	swait.ge [sflag:s24], $0x1  }
0x1b: {  	[sflag:s24] =	ssyncset.done $0x0  }
0x1c: {  	s26 =	simm.s32 $0x1B8E;
	s25 =	sld [smem:$0x3FFE];
	[sflag:s24] =	ssyncadd.s32 $0xFFFFFFFF  }
0x1d: {  	s27 =	simm.s32 $execute0_lowered;
	[smem:$0x3FD2] =	sst s26  }
0x1e: {  	s5 =	sshll.u32 s27, $0x1;
	_ =	strace $0x80000049;
	[dreg:$0x1] =	wrdreg $0xFFFFFFFF  }
0x1f: {  	s28 =	simm.s32 $_size_execute0_lowered;
	s3 =	sadd.s32 s3, s5;
	[dreg:$0x0] =	wrdreg $0x0  }
0x20: {  	s5 =	sshll.u32 s28, $0x1;
	[dreg:$0x2] =	wrdreg s3  }
0x21: {  	[dreg:$0x3] =	wrdreg s5  }
0x22: {  	[dreg:$0x4] =	wrdreg $0xC0  }
0x23: {  	_ =	task [dreg:s7], $0x5FFFF  }
0x24: {  	[dreg:$0x1] =	wrdreg $0xFFFFFFFF  }
0x25: {  	[dreg:$0x0] =	wrdreg $0x60  }
0x26: {  	[dreg:$0x2] =	wrdreg s25  }
0x27: {  	[dreg:$0x3] =	wrdreg s2  }
0x28: {  	[dreg:$0x4] =	wrdreg $0x9  }
0x29: {  	_ =	task.clear_ibuf [dreg:s7], $0x5FFFF;
	_ =	strace $0x90000049  }
0x2a: {  	s29 =	simm.s32 $0x9;
	_ =	strace $0x8000004B  }
0x2b: {  	_ =	swait.ge [sflag:s29], $0x1  }
0x2c: {  	[sflag:s29] =	ssyncadd.s32 $0xFFFFFFFF  }
0x2d: {  	_ =	strace $0x9000004B  }
0x2e: {  	_ =	sfence  }
0x2f: {  	s30 =	sld [smem:$0x0];
	_ =	sdelay $0x2  }
0x30: {  	s31 =	sshll.u32 s1, $0xD;
	s1 =	sshrl.u32 s1, $0x2  }
0x31: {  	s3 =	sand.u32 $0x4000, s31;
	s1 =	sadd.s32 s1, s30  }
0x32: {  	s0 =	sor.u32 s3, s0;
	s1 =	sshll.u32 s1, $0x11  }
0x33: {  	s0 =	sor.u32 s1, s0  }
0x34: {  	s0 =	sadd.s32 $0x8F2B, s0  }
0x35: {  	[sflag:s0] =	ssyncadd.remote.s32 $0x1  }
0x36: {  	_ =	sfence.sel $0xFFFF  }
0x37: {  	[dreg:$0x0] =	wrdreg $0xFFFFFFFF;
	(pc) =	sbr.abs _section_cstart, $3  }
0x38: {  	[dreg:$0x1] =	wrdreg $0xFFFFFFFF  }
0x39: {  	_ =	task.clear_ibuf [dreg:s7], $0x2FFFF;
	_ =	strace $0x9FFFFFFF  }
0x3a: {  	(tm) =	ssettm $0x7FFFFFFF  }
0x3b: {  	_ =	shalt  }
tec
execute0_lowered:
.L_overlay_start_1:
0x0: {  	(tag) =	ssettag $0x1  }
0x1: {  	s0 =	stileid.u32  }
0x2: {  	s2 =	srdreg.scid;
	s5 =	rddreg [dreg:$0x0]  }
0x3: {  	s6 =	simm.s32 $0x1;
	s31 =	simm.s32 $0x2;
	s14 =	simm.s32 $0x0  }
0x4: {  	s9 =	simm.s32 $0x8000;
	s16 =	simm.s32 $0x0;
	s1 =	sshll.u32 s0, $0x7  }
0x5: {  	s15 =	simm.s32 $0x0;
	s10 =	simm.s32 $0x0;
	s3 =	ssub.s32 $0x800, s1  }
0x6: {  	s13 =	simm.s32 $0x0;
	s2 =	sand.u32 $0x1, s2;
	s4 =	sand.u32 $0x780, s3  }
0x7: {  	s5 =	sadd.s32 $0xA00, s5;
	s7 =	ssub.s32 $0x10, s2;
	p0 =	sne.s32 s4, $0x0  }
0x8: {  	s3 =	sshrl.u32 s3, $0xB;
	s8 =	sshrl.u32 s7, $0x1;
	s6 =	simm.s32 @!p0 $0x0  }
.Ltmp0:
0x9: {  	s7 =	ssub.s32 s7, s8;
	s6 =	sadd.s32 s6, s3;
	(pc) =	sbr.rel .LBB1_1-.Ltmp0, $4  }
0xa: {  	s11 =	smov.u32 s2;
	s4 =	rddreg [dreg:$0x1];
	s7 =	smul.u32 s6, s7  }
0xb: {  	s3 =	rddreg [dreg:$0x2];
	_ =	strace $0x8000004A;
	s6 =	simm.s32 $0x1  }
0xc: {  	s12 =	smov.u32 s1;
	[sflag:s6] =	ssyncpa.u1 $0x0;
	s7 =	sshll.u32 s7, $0x4  }
0xd: {  	p0 =	por $0x0, $0x0;
	[sflag:s31] =	ssyncpa.u1 $0x0;
	s8 =	sor.u32 $0x1, s7  }
.LBB1_4:
0xe: {  	v5 =	vld [tilespmem:s19+$0xFFFFFFD0];
	[tilespmem:s20+$0x2040 ss:$0x81] =	vst.msk $0xffff, v1  }
0xf: {  	v58 =	vld [tilespmem:s19+$0xFFFFFFE0];
	[tilespmem:s20+$0x2850 ss:$0x81] =	vst.msk $0xffff, v2  }
0x10: {  	s21 =	sshra.s32 s21, $0x2;
	v59 =	vld [tilespmem:s19+$0xFFFFFFF0];
	[tilespmem:s20+$0x3060 ss:$0x81] =	vst.msk $0xffff, v3  }
0x11: {  	v60 =	vld [tilespmem:s19+$0x0];
	[tilespmem:s20+$0x0 ss:$0x81] =	vst.msk $0xffff, v0;
	s18 =	sadd.s32 s21, s18  }
0x12: {  	v61 =	vld [tilespmem:s19+$0x10];
	s26 =	sshll.u32 s16, $0xB;
	[tilespmem:s18+$0x3870 ss:$0x81] =	vst.msk $0xffff, v4  }
0x13: {  	v62 =	vld [tilespmem:s19+$0x20];
	s27 =	sand.u32 $0x78, s15;
	s22 =	sshll.u32 s15, $0x3;
	s29 =	sshll.u32 s16, $0x7;
	[tilespmem:s18+$0x810 ss:$0x81] =	vst.msk $0xffff, v5  }
0x14: {  	v63 =	vld [tilespmem:s19+$0xFFFFFFC0];
	s14 =	sshll.u32 s14, $0xC;
	s20 =	sand.u32 $0x4000, s26;
	s28 =	sand.u32 $0x7C00, s22;
	[tilespmem:s18+$0x1020 ss:$0x81] =	vst.msk $0xffff, v58  }
0x15: {  	s31 =	sand.u32 $0x7, s15;
	s22 =	sand.u32 $0x400, s22;
	s19 =	sadd.s32 s28, s20;
	[tilespmem:s18+$0x1830 ss:$0x81] =	vst.msk $0xffff, v59  }
0x16: {  	s16 =	sand.u32 $0x380, s29;
	s30 =	sor.u32 s27, s22;
	s19 =	sshrl.u32 s19, $0x3;
	[tilespmem:s18+$0x2040 ss:$0x81] =	vst.msk $0xffff, v60  }
0x17: {  	s14 =	sadd.s32 s4, s14;
	s16 =	sor.u32 s16, s30;
	s19 =	sand.u32 $0xF00, s19;
	[tilespmem:s18+$0x2850 ss:$0x81] =	vst.msk $0xffff, v61  }
0x18: {  	s15 =	sshll.u32 s31, $0x12;
	s16 =	sshrl.u32 s16, $0x3;
	[tilespmem:s18+$0x3060 ss:$0x81] =	vst.msk $0xffff, v62;
	s14 =	sadd.s32 s19, s14  }
0x19: {  	s15 =	sor.u32 $0x80, s15;
	[tilespmem:s18+$0x0 ss:$0x81] =	vst.msk $0xffff, v63;
	s14 =	sadd.s32 s16, s14  }
0x1a: {  	[hbm4b:s14+s15] =	stream.strided.scatter [tilespmem:s17], [sflag:$0x2], $0x4000, s9, s15, $0x20;
	[tilespmem:$0x10100] =	vst v63  }
.LBB1_5:
0x1b: {  	s17 =	sadd.s32 $0x80, s10  }
0x1c: {  	s14 =	sadd.s32 $0x2, s11;
	s18 =	smov.u32 s11;
	p2 =	sgt.s32 s17, $0x7FF  }
0x1d: {  	s18 =	smov.u32 @p2 s14  }
0x1e: {  	s20 =	smov.u32 s12;
	s14 =	sadd.s32 $0x800, s12;
	p3 =	sgt.s32 s18, $0xF  }
0x1f: {  	s20 =	smov.u32 @p3 s14  }
0x20: {  	s17 =	simm.s32 @p2 $0x0;
	p2 =	sgt.s32 s20, $0x7FF  }
0x21: {  	p1 =	slt.u32 s13, $0x2;
	s20 =	smov.u32 @p2 s1;
	p2 =	sne.s32 s13, s8  }
.Ltmp1:
0x22: {  	s19 =	simm.s32 @!p1 $0x2;
	(pc) =	sbr.rel @!p2 .LBB1_6-.Ltmp1, $4  }
0x23: {  	s16 =	smov.u32 s11;
	s15 =	smov.u32 s12;
	_ =	swait.ge @!p1 [sflag:s19], $0x4000  }
0x24: {  	p0 =	por !p0, !p0;
	[sflag:s19] =	ssyncset.done @!p1 $0x0;
	s18 =	smov.u32 @p3 s2  }
0x25: {  	s14 =	smov.u32 s10;
	[sflag:s19] =	ssyncadd.s32 @!p1 $0xFFFFC000;
	s10 =	smov.u32 s17  }
0x26: {  	s11 =	smov.u32 s18;
	s13 =	sadd.s32 $0x1, s13;
	s12 =	smov.u32 s20  }
.LBB1_1:
0x27: {  	p1 =	sge.u32 s13, s7;
	s31 =	sadd.s32 $0xFFFFFFFF, s13  }
0x28: {  	s17 =	sxor.u32 @!p1 $0xFFFFFFFF, s13;
	s18 =	sand.u32 @!p1 $0x78, s10;
	s19 =	sshll.u32 @!p1 s11, $0xB  }
0x29: {  	s20 =	sshll.u32 @!p1 s11, $0x7;
	s21 =	sshll.u32 @!p1 s10, $0x3;
	s17 =	sshll.u32 @!p1 s17, $0xE  }
0x2a: {  	s19 =	sand.u32 @!p1 $0x4000, s19;
	s20 =	sand.u32 @!p1 $0x380, s20;
	s17 =	sand.u32 @!p1 $0x4000, s17  }
0x2b: {  	s19 =	sadd.s32 @!p1 s19, s21;
	s21 =	sand.u32 @!p1 $0x400, s21;
	s18 =	sor.u32 @!p1 s20, s18  }
0x2c: {  	s20 =	sshll.u32 @!p1 s12, $0xC;
	s18 =	sor.u32 @!p1 s21, s18;
	s19 =	sshrl.u32 @!p1 s19, $0x3  }
0x2d: {  	s20 =	sadd.s32 @!p1 s5, s20;
	s21 =	sand.u32 @!p1 $0x7, s10;
	s19 =	sand.u32 @!p1 $0xF00, s19  }
0x2e: {  	s18 =	sshrl.u32 @!p1 s18, $0x3;
	s19 =	sadd.s32 @!p1 s19, s20;
	s20 =	sshll.u32 @!p1 s21, $0x12  }
0x2f: {  	s18 =	sadd.s32 @!p1 s18, s19;
	s19 =	sor.u32 @!p1 $0x80, s20;
	s20 =	simm.s32 @!p1 $0x8000  }
0x30: {  	[tilespmem:s17], [sflag:$0x1] =	stream.strided.gather @!p1 [hbm4b:s18+s19], $0x4000, s20, s19, $0x38;
	[tilespmem:$0x10100] =	vst v63  }
0x31: {  	p1 =	sge.u32 s31, s7  }
.Ltmp2:
0x32: {  	_ = 	snop;
	(pc) =	sbr.rel @p1 .LBB1_5-.Ltmp2, $1  }
0x33: {  	_ =	sdelay $0x3  }
0x34: {  	s17 =	simm.s32 $0x1  }
0x35: {  	_ =	swait.ge [sflag:s6], $0x4000;
	s17 =	simm.s32 @!p0 $0x0  }
0x36: {  	[sflag:s6] =	ssyncset.done $0x0;
	s18 =	sshll.u32 s17, $0xE  }
0x37: {  	[sflag:s6] =	ssyncadd.s32 $0xFFFFC000;
	s19 =	sor.u32 $0x40, s18  }
0x38: {  	s17 =	smul.u32 $0x10200, s17;
	v0 =	vld [tilespmem:s19+$0x30]  }
0x39: {  	v3 =	vld [tilespmem:s19+$0xFFFFFFD0]  }
0x3a: {  	s17 =	sshrl.u32 s17, $0x2;
	v4 =	vld [tilespmem:s19+$0xFFFFFFE0]  }
0x3b: {  	v5 =	vld [tilespmem:s19+$0xFFFFFFF0];
	s18 =	sor.u32 $0x8000, s17  }
0x3c: {  	s31 =	sand.u32 $0x1, s13;
	v1 =	vld [tilespmem:s19+$0x0];
	s20 =	sadd.s32 $0x0, s18  }
0x3d: {  	v2 =	vld [tilespmem:s19+$0x10];
	s17 =	smul.u32 $0x10200, s31;
	[tilespmem:s20+$0x3870 ss:$0x81] =	vst.msk $0xffff, v0  }
0x3e: {  	[tilespmem:s20+$0x810 ss:$0x81] =	vst.msk $0xffff, v3;
	v3 =	vld [tilespmem:s19+$0x20]  }
0x3f: {  	s17 =	sshrl.u32 s17, $0x2;
	v0 =	vld [tilespmem:s19+$0xFFFFFFC0];
	[tilespmem:s20+$0x1020 ss:$0x81] =	vst.msk $0xffff, v4;
	s19 =	sadd.s32 $0x80, s19  }
0x40: {  	s21 =	simm.s32 $0x4;
	s22 =	simm.s32 $0x8;
	s17 =	sor.u32 $0x8000, s17;
	[tilespmem:s20+$0x1830 ss:$0x81] =	vst.msk $0xffff, v5;
	v4 =	vld [tilespmem:s19+$0x30]  }
.LBB1_3:
0x41: {  	p1 =	sne.s32 s22, $0x1FC;
	v5 =	vld [tilespmem:s19+$0xFFFFFFD0];
	[tilespmem:s20+$0x2040 ss:$0x81] =	vst.msk $0xffff, v1  }
0x42: {  	v6 =	vld [tilespmem:s19+$0xFFFFFFE0];
	[tilespmem:s20+$0x2850 ss:$0x81] =	vst.msk $0xffff, v2  }
0x43: {  	s23 =	sshra.s32 s21, $0x2;
	s21 =	smov.u32 s22;
	v7 =	vld [tilespmem:s19+$0xFFFFFFF0];
	[tilespmem:s20+$0x3060 ss:$0x81] =	vst.msk $0xffff, v3  }
.Ltmp3:
0x44: {  	v1 =	vld [tilespmem:s19+$0x0];
	[tilespmem:s20+$0x0 ss:$0x81] =	vst.msk $0xffff, v0;
	s20 =	sadd.s32 s23, s18;
	(pc) =	sbr.rel @p1 .LBB1_3-.Ltmp3, $4  }
0x45: {  	v2 =	vld [tilespmem:s19+$0x10];
	[tilespmem:s20+$0x3870 ss:$0x81] =	vst.msk $0xffff, v4  }
0x46: {  	[tilespmem:s20+$0x810 ss:$0x81] =	vst.msk $0xffff, v5;
	v3 =	vld [tilespmem:s19+$0x20]  }
0x47: {  	v0 =	vld [tilespmem:s19+$0xFFFFFFC0];
	[tilespmem:s20+$0x1020 ss:$0x81] =	vst.msk $0xffff, v6;
	s19 =	sadd.s32 $0x80, s19  }
0x48: {  	s22 =	sadd.s32 $0x4, s22;
	v4 =	vld [tilespmem:s19+$0x30];
	[tilespmem:s20+$0x1830 ss:$0x81] =	vst.msk $0xffff, v7  }
.Ltmp4:
0x49: {  	_ = 	snop;
	(pc) =	sbr.rel .LBB1_4-.Ltmp4, $1  }
0x4a: {  	_ =	sdelay $0x3  }
.LBB1_6:
0x4b: {  	_ =	sfence.sel $0x180000  }
0x4c: {  	s1 =	simm.s32 $0x1;
	[bflag:$0x0] =	sbarrier.arrive $0xFFFF  }
0x4d: {  	s31 =	simm.s32 $0x2;
	[sflag:s1] =	ssyncpa.u1 $0x1  }
0x4e: {  	[sflag:s31] =	ssyncpa.u1 $0x1  }
0x4f: {  	p0 =	sne.s32 s0, $0x0;
	_ =	strace $0x9000004A  }
0x50: {  	s0 =	sadd.s32 @!p0 $0x100000, s3;
	[bflag:$0x2] =	sbarrier.arrive $0xFFFF  }
0x51: {  	[sflag:s0] =	ssyncadd.tile.s32 @!p0 $0x1;
	_ =	shalt  }
.Lfunc_end1:
_tile_overlayer_lowered:
.L_overlay_start_2:
0x52: {  	(tag) =	ssettag $0x2  }
0x53: {  	s0 =	rddreg [dreg:$0x0];
	s2 =	stileid.u32  }
0x54: {  	s1 =	rddreg [dreg:$0x1];
	p0 =	sne.s32 s2, $0x0  }
0x55: {  	s3 =	rddreg [dreg:$0x2];
	[bflag:$0x3] =	sbarrier.arrive $0xFFFF;
	s2 =	simm.s32 @!p0 $0x1C01  }
0x56: {  	[timem:s3], [sflag:s2] =	dma.local @!p0 [hbm:s0], s1  }
0x57: {  	s0 =	simm.s32 @!p0 $0x1  }
0x58: {  	_ =	swait.ge @!p0 [sflag:s0], s1  }
0x59: {  	s1 =	ssub.s32 @!p0 $0x0, s1;
	[sflag:s0] =	ssyncset.done @!p0 $0x0  }
0x5a: {  	[sflag:s0] =	ssyncadd.s32 @!p0 s1  }
0x5b: {  	[bflag:$0x3] =	sbarrier.arrive $0xFFFF  }
0x5c: {  	_ =	shalt  }

</sc_bundles>
